<compile_context>
chip_gen: v7x
topology: tpu7x:2x2x1
jax: 0.10.2.dev20260603
libtpu: 0.0.44.dev20260713+nightly
codegen_flags: <defaults>
</compile_context>

<pallas_src>
import functools

import jax
import jax.numpy as jnp
import numpy as np
from jax import lax
from jax.experimental import pallas as pl
from jax.experimental.pallas import tpu as pltpu
from jax.experimental.pallas import tpu_sc as plsc

N = 10000
E = 320000
HID = 128
OUT = 40
CHUNK = 128
NW = 32
NCK = 80
ROWS = NW * NCK
E_PAD = ROWS * CHUNK
NACC = 10240
ZROWS = NACC // 16
BN = 400
GRID = N // BN

_f32 = jnp.float32



NCH = ZROWS // CHUNK


def _fill_stripe(stage, shared, sid):
    def body(t, carry):
        pltpu.sync_copy(stage,
                        shared.at[pl.ds(sid * ZROWS + t * CHUNK, CHUNK)])
        return carry
    lax.fori_loop(0, NCH, body, 0)


def _copy_out(shared, out_ref, stage, cid, sid):
    def body(t, carry):
        off = sid * ZROWS + t * CHUNK
        pltpu.sync_copy(shared.at[pl.ds(off, CHUNK)], stage)
        pltpu.sync_copy(stage, out_ref.at[cid, pl.ds(off, CHUNK)])
        return carry
    lax.fori_loop(0, NCH, body, 0)


def _sc_mesh():
    return plsc.VectorSubcoreMesh(core_axis_name="c", subcore_axis_name="s",
                                  num_cores=2, num_subcores=16)


def _count_kernel(dst_hbm, z128_hbm, o128_hbm, cnt_out, da, db, buf, cacc,
                  sema, semb):
    cid = lax.axis_index("c")
    sid = lax.axis_index("s")
    wid = sid * 2 + cid
    base = wid * NCK * CHUNK
    pltpu.sync_copy(z128_hbm, buf)
    _fill_stripe(buf, cacc, sid)
    pltpu.sync_copy(o128_hbm, buf)
    plsc.subcore_barrier()

    pltpu.async_copy(dst_hbm.at[pl.ds(base, CHUNK)], da, sema)
    pltpu.async_copy(dst_hbm.at[pl.ds(base + CHUNK, CHUNK)], db, semb)

    def body(kk, carry):
        k0 = 2 * kk
        pltpu.make_async_copy(dst_hbm.at[pl.ds(base, CHUNK)], da,
                              sema).wait()
        pltpu.sync_copy(buf, cacc.at[da], add=True)

        @pl.when(k0 + 2 < NCK)
        def _():
            off = base + (k0 + 2) * CHUNK
            pltpu.async_copy(dst_hbm.at[pl.ds(off, CHUNK)], da, sema)

        pltpu.make_async_copy(dst_hbm.at[pl.ds(base, CHUNK)], db,
                              semb).wait()
        pltpu.sync_copy(buf, cacc.at[db], add=True)

        @pl.when(k0 + 3 < NCK)
        def _():
            off = base + (k0 + 3) * CHUNK
            pltpu.async_copy(dst_hbm.at[pl.ds(off, CHUNK)], db, semb)

        return carry

    lax.fori_loop(0, NCK // 2, body, 0)
    plsc.subcore_barrier()
    _copy_out(cacc, cnt_out, buf, cid, sid)


def _agg_kernel(src_hbm, dst_hbm, table_hbm, z128_hbm, acc_out,
                sa, da, sb, db, rowsa, rowsb, acc,
                semga, semgb, semia, semib):
    cid = lax.axis_index("c")
    sid = lax.axis_index("s")
    wid = sid * 2 + cid
    base = wid * NCK * CHUNK
    pltpu.sync_copy(z128_hbm, rowsa)
    _fill_stripe(rowsa, acc, sid)
    plsc.subcore_barrier()

    pltpu.sync_copy(src_hbm.at[pl.ds(base, CHUNK)], sa)
    pltpu.sync_copy(dst_hbm.at[pl.ds(base, CHUNK)], da)
    pltpu.async_copy(table_hbm.at[sa], rowsa, semga)
    pltpu.async_copy(src_hbm.at[pl.ds(base + CHUNK, CHUNK)], sb, semib)
    pltpu.async_copy(dst_hbm.at[pl.ds(base + CHUNK, CHUNK)], db, semib)

    def body(kk, carry):
        k0 = 2 * kk
        pltpu.make_async_copy(src_hbm.at[pl.ds(base, CHUNK)], sb,
                              semib).wait()
        pltpu.make_async_copy(dst_hbm.at[pl.ds(base, CHUNK)], db,
                              semib).wait()
        pltpu.async_copy(table_hbm.at[sb], rowsb, semgb)
        pltpu.make_async_copy(table_hbm.at[sa], rowsa, semga).wait()
        pltpu.sync_copy(rowsa, acc.at[da], add=True)

        @pl.when(k0 + 2 < NCK)
        def _():
            off = base + (k0 + 2) * CHUNK
            pltpu.async_copy(src_hbm.at[pl.ds(off, CHUNK)], sa, semia)
            pltpu.async_copy(dst_hbm.at[pl.ds(off, CHUNK)], da, semia)

        pltpu.make_async_copy(table_hbm.at[sb], rowsb, semgb).wait()
        pltpu.sync_copy(rowsb, acc.at[db], add=True)

        @pl.when(k0 + 2 < NCK)
        def _():
            pltpu.make_async_copy(src_hbm.at[pl.ds(base, CHUNK)], sa,
                                  semia).wait()
            pltpu.make_async_copy(dst_hbm.at[pl.ds(base, CHUNK)], da,
                                  semia).wait()
            pltpu.async_copy(table_hbm.at[sa], rowsa, semga)

        @pl.when(k0 + 3 < NCK)
        def _():
            off = base + (k0 + 3) * CHUNK
            pltpu.async_copy(src_hbm.at[pl.ds(off, CHUNK)], sb, semib)
            pltpu.async_copy(dst_hbm.at[pl.ds(off, CHUNK)], db, semib)

        return carry

    lax.fori_loop(0, NCK // 2, body, 0)
    plsc.subcore_barrier()
    _copy_out(acc, acc_out, rowsa, cid, sid)


def _sc_counts(dst1d, z128, o128):
    fn = pl.kernel(
        _count_kernel,
        out_type=jax.ShapeDtypeStruct((2, NACC, HID), _f32),
        mesh=_sc_mesh(),
        scratch_types=[
            pltpu.VMEM((CHUNK,), jnp.int32),
            pltpu.VMEM((CHUNK,), jnp.int32),
            pltpu.VMEM((CHUNK, HID), _f32),
            pltpu.VMEM_SHARED((NACC, HID), _f32),
            pltpu.SemaphoreType.DMA,
            pltpu.SemaphoreType.DMA,
        ],
    )
    return fn(dst1d, z128, o128)


def _sc_aggregate(src1d, dst1d, table, z128):
    fn = pl.kernel(
        _agg_kernel,
        out_type=jax.ShapeDtypeStruct((2, NACC, HID), _f32),
        mesh=_sc_mesh(),
        scratch_types=[
            pltpu.VMEM((CHUNK,), jnp.int32),
            pltpu.VMEM((CHUNK,), jnp.int32),
            pltpu.VMEM((CHUNK,), jnp.int32),
            pltpu.VMEM((CHUNK,), jnp.int32),
            pltpu.VMEM((CHUNK, HID), _f32),
            pltpu.VMEM((CHUNK, HID), _f32),
            pltpu.VMEM_SHARED((NACC, HID), _f32),
            pltpu.SemaphoreType.DMA,
            pltpu.SemaphoreType.DMA,
            pltpu.SemaphoreType.DMA,
            pltpu.SemaphoreType.DMA,
        ],
    )
    return fn(src1d, dst1d, table, z128)



def _frontend_body(xf, hist, K, bfull, wsa, wsb, lsb, wna, wnb, lnb,
                   selfx, xn):
    u = jnp.maximum(xf[...] @ K[...] + bfull[...], 0.0)
    hb = jnp.maximum(hist[...], 0.0)
    selfx[...] = u @ wsa[...] + hb @ wsb[...] + lsb[...]
    xn[...] = u @ wna[...] + hb @ wnb[...] + lnb[...]


def _frontend(xf, hist, K, bfull, wsa, wsb, lsb, wna, wnb, lnb):
    row = lambda i: (i, 0)
    full = lambda i: (0, 0)
    return pl.pallas_call(
        _frontend_body,
        grid=(GRID,),
        in_specs=[
            pl.BlockSpec((BN, 400), row),
            pl.BlockSpec((BN, 16), row),
            pl.BlockSpec((400, 256), full),
            pl.BlockSpec((1, 256), full),
            pl.BlockSpec((256, HID), full),
            pl.BlockSpec((16, HID), full),
            pl.BlockSpec((1, HID), full),
            pl.BlockSpec((256, HID), full),
            pl.BlockSpec((16, HID), full),
            pl.BlockSpec((1, HID), full),
        ],
        out_specs=[pl.BlockSpec((BN, HID), row), pl.BlockSpec((BN, HID), row)],
        out_shape=[jax.ShapeDtypeStruct((N, HID), _f32),
                   jax.ShapeDtypeStruct((N, HID), _f32)],
    )(xf, hist, K, bfull, wsa, wsb, lsb, wna, wnb, lnb)


def _combine1_body(selfx, a0, a1, h0):
    h0[...] = selfx[...] + a0[...] + a1[...]


def _combine1(selfx, a0, a1):
    row = lambda i: (i, 0)
    return pl.pallas_call(
        _combine1_body,
        grid=(GRID,),
        in_specs=[pl.BlockSpec((BN, HID), row)] * 3,
        out_specs=pl.BlockSpec((BN, HID), row),
        out_shape=jax.ShapeDtypeStruct((N, HID), _f32),
    )(selfx, a0, a1)


def _sage_ln_body(a0, a1, c0, c1, h, lwt, lb, rwt, g, b, out):
    cnt = jnp.maximum(c0[...] + c1[...], 1.0)
    mean = (a0[...] + a1[...]) / cnt
    s = mean @ lwt[...] + lb[...] + h[...] @ rwt[...]
    r = jnp.maximum(s, 0.0)
    m = jnp.mean(r, axis=-1, keepdims=True)
    v = jnp.mean((r - m) ** 2, axis=-1, keepdims=True)
    out[...] = (r - m) / jnp.sqrt(v + 1e-5) * g[...] + b[...]


def _sage_ln(a0, a1, c0, c1, h, lwt, lb, rwt, g, b):
    row = lambda i: (i, 0)
    rowc = lambda i: (i, 0)
    full = lambda i: (0, 0)
    return pl.pallas_call(
        _sage_ln_body,
        grid=(GRID,),
        in_specs=[
            pl.BlockSpec((BN, HID), row),
            pl.BlockSpec((BN, HID), row),
            pl.BlockSpec((BN, 1), rowc),
            pl.BlockSpec((BN, 1), rowc),
            pl.BlockSpec((BN, HID), row),
            pl.BlockSpec((HID, HID), full),
            pl.BlockSpec((1, HID), full),
            pl.BlockSpec((HID, HID), full),
            pl.BlockSpec((1, HID), full),
            pl.BlockSpec((1, HID), full),
        ],
        out_specs=pl.BlockSpec((BN, HID), row),
        out_shape=jax.ShapeDtypeStruct((N, HID), _f32),
    )(a0, a1, c0, c1, h, lwt, lb, rwt, g, b)


def _final_body(a0, a1, c0, c1, h, lwt, lb, rwt, p1t, p1b, p2t, p2b,
                emb, logp):
    cnt = jnp.maximum(c0[...] + c1[...], 1.0)
    mean = (a0[...] + a1[...]) / cnt
    s = mean @ lwt[...] + lb[...] + h[...] @ rwt[...]
    emb[...] = s
    r = jnp.maximum(s, 0.0)
    o = r @ p1t[...] + p1b[...]
    o2 = o @ p2t[...] + p2b[...]
    mx = jnp.max(o2, axis=-1, keepdims=True)
    ex = jnp.exp(o2 - mx)
    lse = jnp.log(jnp.sum(ex, axis=-1, keepdims=True)) + mx
    logp[...] = o2 - lse


def _final(a0, a1, c0, c1, h, lwt, lb, rwt, p1t, p1b, p2t, p2b):
    row = lambda i: (i, 0)
    full = lambda i: (0, 0)
    return pl.pallas_call(
        _final_body,
        grid=(GRID,),
        in_specs=[
            pl.BlockSpec((BN, HID), row),
            pl.BlockSpec((BN, HID), row),
            pl.BlockSpec((BN, 1), row),
            pl.BlockSpec((BN, 1), row),
            pl.BlockSpec((BN, HID), row),
            pl.BlockSpec((HID, HID), full),
            pl.BlockSpec((1, HID), full),
            pl.BlockSpec((HID, HID), full),
            pl.BlockSpec((HID, HID), full),
            pl.BlockSpec((1, HID), full),
            pl.BlockSpec((HID, OUT), full),
            pl.BlockSpec((1, OUT), full),
        ],
        out_specs=[pl.BlockSpec((BN, HID), row), pl.BlockSpec((BN, OUT), row)],
        out_shape=[jax.ShapeDtypeStruct((N, HID), _f32),
                   jax.ShapeDtypeStruct((N, OUT), _f32)],
    )(a0, a1, c0, c1, h, lwt, lb, rwt, p1t, p1b, p2t, p2b)



_o, _c, _di, _dj, _i, _j = np.meshgrid(
    np.arange(4), np.arange(4), np.arange(3), np.arange(3),
    np.arange(8), np.arange(8), indexing="ij")
_RIN = (_c * 100 + (_i + _di) * 10 + (_j + _dj)).reshape(-1)
_ROUT = (_o * 64 + _i * 8 + _j).reshape(-1)


def _conv_as_matmul(conv_W):
    vals = jnp.broadcast_to(conv_W[:, :, :, :, None, None],
                            (4, 4, 3, 3, 8, 8)).reshape(-1)
    return jnp.zeros((400, 256), _f32).at[_RIN, _ROUT].set(vals)



def kernel(x, histories_preds, edge_index, batch, conv_self_W, conv_self_b,
           lin_self_W, lin_self_b, lin_W, lin_b,
           sage1_lW, sage1_lb, sage1_rW, sage2_lW, sage2_lb, sage2_rW,
           sage3_lW, sage3_lb, sage3_rW,
           ln1_g, ln1_b, ln2_g, ln2_b, post1_W, post1_b, post2_W, post2_b):
    src = edge_index[0]
    dst = edge_index[1]
    dstm = jnp.where(src == dst, N, dst)
    pad = E_PAD - E
    padi = jnp.arange(pad, dtype=jnp.int32)
    trash = N + padi % (NACC - N)
    srcp = jnp.concatenate([src, padi % N])
    dstp = jnp.concatenate([dst, trash])
    dstmp = jnp.concatenate([dstm, trash])

    xf = x.reshape(N, 400)
    K = _conv_as_matmul(conv_self_W)
    bfull = jnp.repeat(conv_self_b, 64).reshape(1, 256)
    wsa = lin_self_W[:, :256].T
    wsb = lin_self_W[:, 256:].T
    wna = lin_W[:, :256].T
    wnb = lin_W[:, 256:].T

    z128 = jnp.zeros((CHUNK, HID), _f32)
    o128 = jnp.ones((CHUNK, HID), _f32)

    selfx, xn = _frontend(xf, histories_preds, K, bfull,
                          wsa, wsb, lin_self_b.reshape(1, HID),
                          wna, wnb, lin_b.reshape(1, HID))

    cnt = _sc_counts(dstp, z128, o128)
    acc1 = _sc_aggregate(srcp, dstmp, xn, z128)
    c0 = cnt[0, :N, 0].reshape(N, 1)
    c1 = cnt[1, :N, 0].reshape(N, 1)
    h0 = _combine1(selfx, acc1[0, :N], acc1[1, :N])

    agg = _sc_aggregate(srcp, dstp, h0, z128)
    h1 = _sage_ln(agg[0, :N], agg[1, :N], c0, c1, h0,
                  sage1_lW.T, sage1_lb.reshape(1, HID), sage1_rW.T,
                  ln1_g.reshape(1, HID), ln1_b.reshape(1, HID))
    agg = _sc_aggregate(srcp, dstp, h1, z128)
    h2 = _sage_ln(agg[0, :N], agg[1, :N], c0, c1, h1,
                  sage2_lW.T, sage2_lb.reshape(1, HID), sage2_rW.T,
                  ln2_g.reshape(1, HID), ln2_b.reshape(1, HID))

    agg = _sc_aggregate(srcp, dstp, h2, z128)
    emb, logp = _final(agg[0, :N], agg[1, :N], c0, c1, h2,
                       sage3_lW.T, sage3_lb.reshape(1, HID), sage3_rW.T,
                       post1_W.T, post1_b.reshape(1, HID),
                       post2_W.T, post2_b.reshape(1, OUT))
    return (emb, logp)

# --- scband reference (transcript-rebuilt; emitter-appended) ---
"""Pipeline reference for scband-gnnstack-88424786690722 (READ-ONLY COPY).

The authoritative reference and input builder live on the scoring server;
editing this copy changes nothing except your own understanding.
"""

import jax, jax.numpy as jnp
import numpy as np

N = 10000
E = 320000
HID = 128
OUT = 40


def conv2d(x, W, b):
    y = jax.lax.conv_general_dilated(x, W, window_strides=(1, 1), padding='VALID',
                                     dimension_numbers=('NCHW', 'OIHW', 'NCHW'))
    return y + b[None, :, None, None]


def layer_norm(x, g, b):
    m = jnp.mean(x, axis=-1, keepdims=True)
    v = jnp.var(x, axis=-1, keepdims=True)
    return (x - m) / jnp.sqrt(v + 1e-5) * g + b


def custom_conv(x, hist, edge_index, cW, cb, lsW, lsb, lW, lb):
    # CustomConv: conv_self -> flatten -> hstack histories -> relu -> lin_self / lin -> add-aggregate
    h = conv2d(x, cW, cb)
    flat = h.reshape(h.shape[0], -1)
    flat = jnp.concatenate([flat, hist.reshape(hist.shape[0], -1)], axis=1)
    flat = jax.nn.relu(flat)
    self_x = flat @ lsW.T + lsb
    x_n = flat @ lW.T + lb
    src, dst = edge_index[0], edge_index[1]
    mask = (src != dst).astype(x_n.dtype)  # remove_self_loops equivalent
    msgs = x_n[src] * mask[:, None]
    aggr = jnp.zeros_like(self_x).at[dst].add(msgs)  # aggr='add'
    return self_x + aggr


def sage_conv(x, edge_index, lW, lb, rW):
    # PyG SAGEConv: lin_l(mean_j x_j) + lin_r(x); lin_r has no bias
    src, dst = edge_index[0], edge_index[1]
    summed = jnp.zeros_like(x).at[dst].add(x[src])
    cnt = jnp.zeros((x.shape[0],), x.dtype).at[dst].add(1.0)
    mean = summed / jnp.maximum(cnt, 1.0)[:, None]
    return mean @ lW.T + lb + x @ rW.T


def setup_inputs(seed: int = 0):
    key = jax.random.key(seed)
    ks = jax.random.split(key, 24)
    inp = {}
    inp['x'] = jax.random.normal(ks[0], (N, 4, 10, 10), jnp.float32)
    inp['histories_preds'] = jax.random.normal(ks[1], (N, 16), jnp.float32)
    inp['edge_index'] = jax.random.randint(ks[2], (2, E), 0, N, jnp.int32)
    inp['batch'] = jnp.zeros((N,), jnp.int32)
    inp['conv_self_W'] = jax.random.normal(ks[3], (4, 4, 3, 3), jnp.float32) * 0.1
    inp['conv_self_b'] = jax.random.normal(ks[4], (4,), jnp.float32) * 0.1
    inp['lin_self_W'] = jax.random.normal(ks[5], (HID, 272), jnp.float32) * 0.05
    inp['lin_self_b'] = jax.random.normal(ks[6], (HID,), jnp.float32) * 0.05
    inp['lin_W'] = jax.random.normal(ks[7], (HID, 272), jnp.float32) * 0.05
    inp['lin_b'] = jax.random.normal(ks[8], (HID,), jnp.float32) * 0.05
    for i, k0 in zip((1, 2, 3), (9, 12, 15)):
        inp['sage%d_lW' % i] = jax.random.normal(ks[k0], (HID, HID), jnp.float32) * 0.05
        inp['sage%d_lb' % i] = jax.random.normal(ks[k0 + 1], (HID,), jnp.float32) * 0.05
        inp['sage%d_rW' % i] = jax.random.normal(ks[k0 + 2], (HID, HID), jnp.float32) * 0.05
    inp['ln1_g'] = jnp.ones((HID,), jnp.float32)
    inp['ln1_b'] = jnp.zeros((HID,), jnp.float32)
    inp['ln2_g'] = jnp.ones((HID,), jnp.float32)
    inp['ln2_b'] = jnp.zeros((HID,), jnp.float32)
    inp['post1_W'] = jax.random.normal(ks[18], (HID, HID), jnp.float32) * 0.05
    inp['post1_b'] = jax.random.normal(ks[19], (HID,), jnp.float32) * 0.05
    inp['post2_W'] = jax.random.normal(ks[20], (OUT, HID), jnp.float32) * 0.05
    inp['post2_b'] = jax.random.normal(ks[21], (OUT,), jnp.float32) * 0.05
    return inp


def reference(x, histories_preds, edge_index, batch,
              conv_self_W, conv_self_b, lin_self_W, lin_self_b, lin_W, lin_b,
              sage1_lW, sage1_lb, sage1_rW, sage2_lW, sage2_lb, sage2_rW,
              sage3_lW, sage3_lb, sage3_rW,
              ln1_g, ln1_b, ln2_g, ln2_b,
              post1_W, post1_b, post2_W, post2_b):
    h = custom_conv(x, histories_preds, edge_index, conv_self_W, conv_self_b,
                    lin_self_W, lin_self_b, lin_W, lin_b)
    sage_params = [(sage1_lW, sage1_lb, sage1_rW), (sage2_lW, sage2_lb, sage2_rW),
                   (sage3_lW, sage3_lb, sage3_rW)]
    lns = [(ln1_g, ln1_b), (ln2_g, ln2_b)]
    emb = h
    for i in range(3):
        h = sage_conv(h, edge_index, *sage_params[i])
        emb = h
        h = jax.nn.relu(h)
        # dropout p=0.25 is identity in eval mode
        if i != 2:
            h = layer_norm(h, lns[i][0], lns[i][1])
    out = h @ post1_W.T + post1_b
    out = out @ post2_W.T + post2_b
    logp = jax.nn.log_softmax(out, axis=1)
    return (emb, logp)

if __name__ == "__main__":
    import jax
    _d = setup_inputs()
    print(jax.jit(kernel)(*tuple(_d.values())))

</pallas_src>

<mosaic_0001>
#map = affine_map<(d0, d1) -> (0)>
#map1 = affine_map<(d0, d1) -> (0, 0)>
#map2 = affine_map<(d0, d1) -> (0, 0, 0)>
module attributes {stable_mosaic.version = 14 : i64} {
  func.func @_agg_kernel(%arg0: i32, %arg1: i32, %arg2: memref<327680xi32, #tpu.memory_space<hbm>>, %arg3: memref<327680xi32, #tpu.memory_space<hbm>>, %arg4: memref<10000x128xf32, #tpu.memory_space<hbm>>, %arg5: memref<128x128xf32, #tpu.memory_space<hbm>>, %arg6: memref<2x10240x128xf32, #tpu.memory_space<hbm>>, %arg7: memref<128xi32, #tpu.memory_space<vmem>>, %arg8: memref<128xi32, #tpu.memory_space<vmem>>, %arg9: memref<128xi32, #tpu.memory_space<vmem>>, %arg10: memref<128xi32, #tpu.memory_space<vmem>>, %arg11: memref<128x128xf32, #tpu.memory_space<vmem>>, %arg12: memref<128x128xf32, #tpu.memory_space<vmem>>, %arg13: memref<10240x128xf32, #tpu.memory_space<vmem_shared>>, %arg14: memref<!tpu.dma_semaphore, #tpu.memory_space<semaphore_mem>>, %arg15: memref<!tpu.dma_semaphore, #tpu.memory_space<semaphore_mem>>, %arg16: memref<!tpu.dma_semaphore, #tpu.memory_space<semaphore_mem>>, %arg17: memref<!tpu.dma_semaphore, #tpu.memory_space<semaphore_mem>>) attributes {dimension_semantics = [#tpu.dimension_semantics<core_parallel>, #tpu.dimension_semantics<subcore_parallel>], iteration_bounds = array<i64: 2, 16>, scalar_prefetch = 0 : i64, scratch_operands = 11 : i64, tpu.core_type = #tpu.core_type<sc_vector_subcore>, window_params = [{transform_indices = #map}, {transform_indices = #map}, {transform_indices = #map1}, {transform_indices = #map1}, {transform_indices = #map2}]} {
    %mul3A = arith.constant 2 : i32
    %mul3A_0 = arith.muli %arg1, %mul3A : i32
    %add3A = arith.addi %mul3A_0, %arg0 : i32
    %mul3A_1 = arith.constant 80 : i32
    %mul3A_2 = arith.muli %add3A, %mul3A_1 : i32
    %mul3A_3 = arith.constant 128 : i32
    %mul3A_4 = arith.muli %mul3A_2, %mul3A_3 : i32
    "tpu.region"() ({
      %run_scoped3A = tpu.sem_alloc : memref<!tpu.dma_semaphore, #tpu.memory_space<semaphore_mem>>
      tpu.enqueue_dma source(%arg5 : memref<128x128xf32, #tpu.memory_space<hbm>>) target(%arg11 : memref<128x128xf32, #tpu.memory_space<vmem>>) target_semaphore(%run_scoped3A : memref<!tpu.dma_semaphore, #tpu.memory_space<semaphore_mem>>)
      tpu.wait_dma2 semaphore(%run_scoped3A : memref<!tpu.dma_semaphore, #tpu.memory_space<semaphore_mem>>) src(%arg5 : memref<128x128xf32, #tpu.memory_space<hbm>>) dst(%arg11 : memref<128x128xf32, #tpu.memory_space<vmem>>)
      tpu.yield
    }) : () -> ()
    %scan3A = arith.constant 0 : i32
    %scan3A_5 = arith.constant 0 : i32
    %scan3A_6 = arith.constant 5 : i32
    %scan3A_7 = arith.addi %scan3A_5, %scan3A_6 : i32
    %scan3A_8 = arith.constant 1 : i32
    scf.for %scan3A_33 = %scan3A_5 to %scan3A_7 step %scan3A_8  : i32 {
      %mul3A_34 = arith.constant 640 : i32
      %mul3A_35 = arith.muli %arg1, %mul3A_34 : i32
      %mul3A_36 = arith.constant 128 : i32
      %mul3A_37 = arith.muli %scan3A_33, %mul3A_36 : i32
      %add3A_38 = arith.addi %mul3A_35, %mul3A_37 : i32
      "tpu.region"() ({
        %run_scoped3A = tpu.sem_alloc : memref<!tpu.dma_semaphore, #tpu.memory_space<semaphore_mem>>
        %dma_start3A_39 = arith.constant 0 : i32
        %dma_start3A_40 = tpu.memref_slice %arg13[%add3A_38, %dma_start3A_39] : memref<10240x128xf32, #tpu.memory_space<vmem_shared>> -> memref<128x128xf32, #tpu.memory_space<vmem_shared>>
        %dma_start3A_41 = arith.constant 0 : i32
        %dma_start3A_42 = tpu.memref_slice %arg13[%add3A_38, %dma_start3A_41] : memref<10240x128xf32, #tpu.memory_space<vmem_shared>> -> memref<128x128xf32, #tpu.memory_space<vmem_shared>>
        tpu.enqueue_dma source(%arg11 : memref<128x128xf32, #tpu.memory_space<vmem>>) target(%dma_start3A_42 : memref<128x128xf32, #tpu.memory_space<vmem_shared>>) target_semaphore(%run_scoped3A : memref<!tpu.dma_semaphore, #tpu.memory_space<semaphore_mem>>)
        %dma_wait3A = arith.constant 0 : i32
        %dma_wait3A_43 = tpu.memref_slice %arg13[%add3A_38, %dma_wait3A] : memref<10240x128xf32, #tpu.memory_space<vmem_shared>> -> memref<128x128xf32, #tpu.memory_space<vmem_shared>>
        %dma_wait3A_44 = arith.constant 0 : i32
        %dma_wait3A_45 = tpu.memref_slice %arg13[%add3A_38, %dma_wait3A_44] : memref<10240x128xf32, #tpu.memory_space<vmem_shared>> -> memref<128x128xf32, #tpu.memory_space<vmem_shared>>
        tpu.wait_dma2 semaphore(%run_scoped3A : memref<!tpu.dma_semaphore, #tpu.memory_space<semaphore_mem>>) src(%arg11 : memref<128x128xf32, #tpu.memory_space<vmem>>) dst(%dma_wait3A_45 : memref<128x128xf32, #tpu.memory_space<vmem_shared>>)
        tpu.yield
      }) : () -> ()
    }
    %scan3A_9 = arith.constant 5 : i32
    %barrier3A = arith.constant 0 : index
    tpu.barrier barrier_id(%barrier3A)
    "tpu.region"() ({
      %run_scoped3A = tpu.sem_alloc : memref<!tpu.dma_semaphore, #tpu.memory_space<semaphore_mem>>
      %dma_start3A_33 = tpu.memref_slice %arg2[%mul3A_4] : memref<327680xi32, #tpu.memory_space<hbm>> -> memref<128xi32, #tpu.memory_space<hbm>>
      %dma_start3A_34 = tpu.memref_slice %arg2[%mul3A_4] : memref<327680xi32, #tpu.memory_space<hbm>> -> memref<128xi32, #tpu.memory_space<hbm>>
      tpu.enqueue_dma source(%dma_start3A_34 : memref<128xi32, #tpu.memory_space<hbm>>) target(%arg7 : memref<128xi32, #tpu.memory_space<vmem>>) target_semaphore(%run_scoped3A : memref<!tpu.dma_semaphore, #tpu.memory_space<semaphore_mem>>)
      %dma_wait3A = tpu.memref_slice %arg2[%mul3A_4] : memref<327680xi32, #tpu.memory_space<hbm>> -> memref<128xi32, #tpu.memory_space<hbm>>
      %dma_wait3A_35 = tpu.memref_slice %arg2[%mul3A_4] : memref<327680xi32, #tpu.memory_space<hbm>> -> memref<128xi32, #tpu.memory_space<hbm>>
      tpu.wait_dma2 semaphore(%run_scoped3A : memref<!tpu.dma_semaphore, #tpu.memory_space<semaphore_mem>>) src(%dma_wait3A_35 : memref<128xi32, #tpu.memory_space<hbm>>) dst(%arg7 : memref<128xi32, #tpu.memory_space<vmem>>)
      tpu.yield
    }) : () -> ()
    "tpu.region"() ({
      %run_scoped3A = tpu.sem_alloc : memref<!tpu.dma_semaphore, #tpu.memory_space<semaphore_mem>>
      %dma_start3A_33 = tpu.memref_slice %arg3[%mul3A_4] : memref<327680xi32, #tpu.memory_space<hbm>> -> memref<128xi32, #tpu.memory_space<hbm>>
      %dma_start3A_34 = tpu.memref_slice %arg3[%mul3A_4] : memref<327680xi32, #tpu.memory_space<hbm>> -> memref<128xi32, #tpu.memory_space<hbm>>
      tpu.enqueue_dma source(%dma_start3A_34 : memref<128xi32, #tpu.memory_space<hbm>>) target(%arg8 : memref<128xi32, #tpu.memory_space<vmem>>) target_semaphore(%run_scoped3A : memref<!tpu.dma_semaphore, #tpu.memory_space<semaphore_mem>>)
      %dma_wait3A = tpu.memref_slice %arg3[%mul3A_4] : memref<327680xi32, #tpu.memory_space<hbm>> -> memref<128xi32, #tpu.memory_space<hbm>>
      %dma_wait3A_35 = tpu.memref_slice %arg3[%mul3A_4] : memref<327680xi32, #tpu.memory_space<hbm>> -> memref<128xi32, #tpu.memory_space<hbm>>
      tpu.wait_dma2 semaphore(%run_scoped3A : memref<!tpu.dma_semaphore, #tpu.memory_space<semaphore_mem>>) src(%dma_wait3A_35 : memref<128xi32, #tpu.memory_space<hbm>>) dst(%arg8 : memref<128xi32, #tpu.memory_space<vmem>>)
      tpu.yield
    }) : () -> ()
    %dma_start3A = arith.constant 0 : i32
    %dma_start3A_10 = arith.constant 0 : i32
    %dma_start3A_11 = tpu.memref_slice %arg4[%dma_start3A, %dma_start3A_10] : memref<10000x128xf32, #tpu.memory_space<hbm>> -> memref<10000x128xf32, #tpu.memory_space<hbm>>
    tpu.enqueue_indirect_dma source(%dma_start3A_11 : memref<10000x128xf32, #tpu.memory_space<hbm>>) target(%arg11 : memref<128x128xf32, #tpu.memory_space<vmem>>) offsets(%arg7 : memref<128xi32, #tpu.memory_space<vmem>>) semaphore(%arg14 : memref<!tpu.dma_semaphore, #tpu.memory_space<semaphore_mem>>)
    %add3A_12 = arith.constant 128 : i32
    %add3A_13 = arith.addi %mul3A_4, %add3A_12 : i32
    %dma_start3A_14 = tpu.memref_slice %arg2[%add3A_13] : memref<327680xi32, #tpu.memory_space<hbm>> -> memref<128xi32, #tpu.memory_space<hbm>>
    %dma_start3A_15 = tpu.memref_slice %arg2[%add3A_13] : memref<327680xi32, #tpu.memory_space<hbm>> -> memref<128xi32, #tpu.memory_space<hbm>>
    tpu.enqueue_dma source(%dma_start3A_15 : memref<128xi32, #tpu.memory_space<hbm>>) target(%arg9 : memref<128xi32, #tpu.memory_space<vmem>>) target_semaphore(%arg17 : memref<!tpu.dma_semaphore, #tpu.memory_space<semaphore_mem>>)
    %add3A_16 = arith.constant 128 : i32
    %add3A_17 = arith.addi %mul3A_4, %add3A_16 : i32
    %dma_start3A_18 = tpu.memref_slice %arg3[%add3A_17] : memref<327680xi32, #tpu.memory_space<hbm>> -> memref<128xi32, #tpu.memory_space<hbm>>
    %dma_start3A_19 = tpu.memref_slice %arg3[%add3A_17] : memref<327680xi32, #tpu.memory_space<hbm>> -> memref<128xi32, #tpu.memory_space<hbm>>
    tpu.enqueue_dma source(%dma_start3A_19 : memref<128xi32, #tpu.memory_space<hbm>>) target(%arg10 : memref<128xi32, #tpu.memory_space<vmem>>) target_semaphore(%arg17 : memref<!tpu.dma_semaphore, #tpu.memory_space<semaphore_mem>>)
    %scan3A_20 = arith.constant 0 : i32
    %scan3A_21 = arith.constant 0 : i32
    %scan3A_22 = arith.constant 40 : i32
    %scan3A_23 = arith.addi %scan3A_21, %scan3A_22 : i32
    %scan3A_24 = arith.constant 1 : i32
    scf.for %scan3A_33 = %scan3A_21 to %scan3A_23 step %scan3A_24  : i32 {
      %mul3A_34 = arith.constant 2 : i32
      %mul3A_35 = arith.muli %mul3A_34, %scan3A_33 : i32
      %dma_wait3A = tpu.memref_slice %arg2[%mul3A_4] : memref<327680xi32, #tpu.memory_space<hbm>> -> memref<128xi32, #tpu.memory_space<hbm>>
      %dma_wait3A_36 = tpu.memref_slice %arg2[%mul3A_4] : memref<327680xi32, #tpu.memory_space<hbm>> -> memref<128xi32, #tpu.memory_space<hbm>>
      tpu.wait_dma2 semaphore(%arg17 : memref<!tpu.dma_semaphore, #tpu.memory_space<semaphore_mem>>) src(%dma_wait3A_36 : memref<128xi32, #tpu.memory_space<hbm>>) dst(%arg9 : memref<128xi32, #tpu.memory_space<vmem>>)
      %dma_wait3A_37 = tpu.memref_slice %arg3[%mul3A_4] : memref<327680xi32, #tpu.memory_space<hbm>> -> memref<128xi32, #tpu.memory_space<hbm>>
      %dma_wait3A_38 = tpu.memref_slice %arg3[%mul3A_4] : memref<327680xi32, #tpu.memory_space<hbm>> -> memref<128xi32, #tpu.memory_space<hbm>>
      tpu.wait_dma2 semaphore(%arg17 : memref<!tpu.dma_semaphore, #tpu.memory_space<semaphore_mem>>) src(%dma_wait3A_38 : memref<128xi32, #tpu.memory_space<hbm>>) dst(%arg10 : memref<128xi32, #tpu.memory_space<vmem>>)
      %dma_start3A_39 = arith.constant 0 : i32
      %dma_start3A_40 = arith.constant 0 : i32
      %dma_start3A_41 = tpu.memref_slice %arg4[%dma_start3A_39, %dma_start3A_40] : memref<10000x128xf32, #tpu.memory_space<hbm>> -> memref<10000x128xf32, #tpu.memory_space<hbm>>
      tpu.enqueue_indirect_dma source(%dma_start3A_41 : memref<10000x128xf32, #tpu.memory_space<hbm>>) target(%arg12 : memref<128x128xf32, #tpu.memory_space<vmem>>) offsets(%arg9 : memref<128xi32, #tpu.memory_space<vmem>>) semaphore(%arg15 : memref<!tpu.dma_semaphore, #tpu.memory_space<semaphore_mem>>)
      %dma_wait3A_42 = arith.constant 0 : i32
      %dma_wait3A_43 = arith.constant 0 : i32
      %dma_wait3A_44 = tpu.memref_slice %arg4[%dma_wait3A_42, %dma_wait3A_43] : memref<10000x128xf32, #tpu.memory_space<hbm>> -> memref<10000x128xf32, #tpu.memory_space<hbm>>
      tpu.wait_indirect_dma semaphore(%arg14 : memref<!tpu.dma_semaphore, #tpu.memory_space<semaphore_mem>>) src(%dma_wait3A_44 : memref<10000x128xf32, #tpu.memory_space<hbm>>) dst(%arg11 : memref<128x128xf32, #tpu.memory_space<vmem>>)
      "tpu.region"() ({
        %run_scoped3A = tpu.sem_alloc : memref<!tpu.dma_semaphore, #tpu.memory_space<semaphore_mem>>
        %dma_start3A_66 = arith.constant 0 : i32
        %dma_start3A_67 = arith.constant 0 : i32
        %dma_start3A_68 = tpu.memref_slice %arg13[%dma_start3A_66, %dma_start3A_67] : memref<10240x128xf32, #tpu.memory_space<vmem_shared>> -> memref<10240x128xf32, #tpu.memory_space<vmem_shared>>
        tpu.enqueue_indirect_dma source(%arg11 : memref<128x128xf32, #tpu.memory_space<vmem>>) target(%dma_start3A_68 : memref<10240x128xf32, #tpu.memory_space<vmem_shared>>) offsets(%arg8 : memref<128xi32, #tpu.memory_space<vmem>>) semaphore(%run_scoped3A : memref<!tpu.dma_semaphore, #tpu.memory_space<semaphore_mem>>) {add = true}
        %dma_wait3A_69 = arith.constant 0 : i32
        %dma_wait3A_70 = arith.constant 0 : i32
        %dma_wait3A_71 = tpu.memref_slice %arg13[%dma_wait3A_69, %dma_wait3A_70] : memref<10240x128xf32, #tpu.memory_space<vmem_shared>> -> memref<10240x128xf32, #tpu.memory_space<vmem_shared>>
        tpu.wait_indirect_dma semaphore(%run_scoped3A : memref<!tpu.dma_semaphore, #tpu.memory_space<semaphore_mem>>) src(%arg11 : memref<128x128xf32, #tpu.memory_space<vmem>>) dst(%dma_wait3A_71 : memref<10240x128xf32, #tpu.memory_space<vmem_shared>>)
        tpu.yield
      }) : () -> ()
      %add3A_45 = arith.constant 2 : i32
      %add3A_46 = arith.addi %mul3A_35, %add3A_45 : i32
      %lt3A = arith.constant 80 : i32
      %lt3A_47 = arith.cmpi slt, %add3A_46, %lt3A : i32
      %convert_element_type3A = arith.extui %lt3A_47 : i1 to i32
      %cond3A = arith.constant 0 : i32
      %cond3A_48 = arith.cmpi ne, %convert_element_type3A, %cond3A : i32
      scf.if %cond3A_48 {
        %add3A_66 = arith.constant 2 : i32
        %add3A_67 = arith.addi %mul3A_35, %add3A_66 : i32
        %mul3A_68 = arith.constant 128 : i32
        %mul3A_69 = arith.muli %add3A_67, %mul3A_68 : i32
        %add3A_70 = arith.addi %mul3A_4, %mul3A_69 : i32
        %dma_start3A_71 = tpu.memref_slice %arg2[%add3A_70] : memref<327680xi32, #tpu.memory_space<hbm>> -> memref<128xi32, #tpu.memory_space<hbm>>
        %dma_start3A_72 = tpu.memref_slice %arg2[%add3A_70] : memref<327680xi32, #tpu.memory_space<hbm>> -> memref<128xi32, #tpu.memory_space<hbm>>
        tpu.enqueue_dma source(%dma_start3A_72 : memref<128xi32, #tpu.memory_space<hbm>>) target(%arg7 : memref<128xi32, #tpu.memory_space<vmem>>) target_semaphore(%arg16 : memref<!tpu.dma_semaphore, #tpu.memory_space<semaphore_mem>>)
        %dma_start3A_73 = tpu.memref_slice %arg3[%add3A_70] : memref<327680xi32, #tpu.memory_space<hbm>> -> memref<128xi32, #tpu.memory_space<hbm>>
        %dma_start3A_74 = tpu.memref_slice %arg3[%add3A_70] : memref<327680xi32, #tpu.memory_space<hbm>> -> memref<128xi32, #tpu.memory_space<hbm>>
        tpu.enqueue_dma source(%dma_start3A_74 : memref<128xi32, #tpu.memory_space<hbm>>) target(%arg8 : memref<128xi32, #tpu.memory_space<vmem>>) target_semaphore(%arg16 : memref<!tpu.dma_semaphore, #tpu.memory_space<semaphore_mem>>)
      } else {
      }
      %dma_wait3A_49 = arith.constant 0 : i32
      %dma_wait3A_50 = arith.constant 0 : i32
      %dma_wait3A_51 = tpu.memref_slice %arg4[%dma_wait3A_49, %dma_wait3A_50] : memref<10000x128xf32, #tpu.memory_space<hbm>> -> memref<10000x128xf32, #tpu.memory_space<hbm>>
      tpu.wait_indirect_dma semaphore(%arg15 : memref<!tpu.dma_semaphore, #tpu.memory_space<semaphore_mem>>) src(%dma_wait3A_51 : memref<10000x128xf32, #tpu.memory_space<hbm>>) dst(%arg12 : memref<128x128xf32, #tpu.memory_space<vmem>>)
      "tpu.region"() ({
        %run_scoped3A = tpu.sem_alloc : memref<!tpu.dma_semaphore, #tpu.memory_space<semaphore_mem>>
        %dma_start3A_66 = arith.constant 0 : i32
        %dma_start3A_67 = arith.constant 0 : i32
        %dma_start3A_68 = tpu.memref_slice %arg13[%dma_start3A_66, %dma_start3A_67] : memref<10240x128xf32, #tpu.memory_space<vmem_shared>> -> memref<10240x128xf32, #tpu.memory_space<vmem_shared>>
        tpu.enqueue_indirect_dma source(%arg12 : memref<128x128xf32, #tpu.memory_space<vmem>>) target(%dma_start3A_68 : memref<10240x128xf32, #tpu.memory_space<vmem_shared>>) offsets(%arg10 : memref<128xi32, #tpu.memory_space<vmem>>) semaphore(%run_scoped3A : memref<!tpu.dma_semaphore, #tpu.memory_space<semaphore_mem>>) {add = true}
        %dma_wait3A_69 = arith.constant 0 : i32
        %dma_wait3A_70 = arith.constant 0 : i32
        %dma_wait3A_71 = tpu.memref_slice %arg13[%dma_wait3A_69, %dma_wait3A_70] : memref<10240x128xf32, #tpu.memory_space<vmem_shared>> -> memref<10240x128xf32, #tpu.memory_space<vmem_shared>>
        tpu.wait_indirect_dma semaphore(%run_scoped3A : memref<!tpu.dma_semaphore, #tpu.memory_space<semaphore_mem>>) src(%arg12 : memref<128x128xf32, #tpu.memory_space<vmem>>) dst(%dma_wait3A_71 : memref<10240x128xf32, #tpu.memory_space<vmem_shared>>)
        tpu.yield
      }) : () -> ()
      %add3A_52 = arith.constant 2 : i32
      %add3A_53 = arith.addi %mul3A_35, %add3A_52 : i32
      %lt3A_54 = arith.constant 80 : i32
      %lt3A_55 = arith.cmpi slt, %add3A_53, %lt3A_54 : i32
      %convert_element_type3A_56 = arith.extui %lt3A_55 : i1 to i32
      %cond3A_57 = arith.constant 0 : i32
      %cond3A_58 = arith.cmpi ne, %convert_element_type3A_56, %cond3A_57 : i32
      scf.if %cond3A_58 {
        %dma_wait3A_66 = tpu.memref_slice %arg2[%mul3A_4] : memref<327680xi32, #tpu.memory_space<hbm>> -> memref<128xi32, #tpu.memory_space<hbm>>
        %dma_wait3A_67 = tpu.memref_slice %arg2[%mul3A_4] : memref<327680xi32, #tpu.memory_space<hbm>> -> memref<128xi32, #tpu.memory_space<hbm>>
        tpu.wait_dma2 semaphore(%arg16 : memref<!tpu.dma_semaphore, #tpu.memory_space<semaphore_mem>>) src(%dma_wait3A_67 : memref<128xi32, #tpu.memory_space<hbm>>) dst(%arg7 : memref<128xi32, #tpu.memory_space<vmem>>)
        %dma_wait3A_68 = tpu.memref_slice %arg3[%mul3A_4] : memref<327680xi32, #tpu.memory_space<hbm>> -> memref<128xi32, #tpu.memory_space<hbm>>
        %dma_wait3A_69 = tpu.memref_slice %arg3[%mul3A_4] : memref<327680xi32, #tpu.memory_space<hbm>> -> memref<128xi32, #tpu.memory_space<hbm>>
        tpu.wait_dma2 semaphore(%arg16 : memref<!tpu.dma_semaphore, #tpu.memory_space<semaphore_mem>>) src(%dma_wait3A_69 : memref<128xi32, #tpu.memory_space<hbm>>) dst(%arg8 : memref<128xi32, #tpu.memory_space<vmem>>)
        %dma_start3A_70 = arith.constant 0 : i32
        %dma_start3A_71 = arith.constant 0 : i32
        %dma_start3A_72 = tpu.memref_slice %arg4[%dma_start3A_70, %dma_start3A_71] : memref<10000x128xf32, #tpu.memory_space<hbm>> -> memref<10000x128xf32, #tpu.memory_space<hbm>>
        tpu.enqueue_indirect_dma source(%dma_start3A_72 : memref<10000x128xf32, #tpu.memory_space<hbm>>) target(%arg11 : memref<128x128xf32, #tpu.memory_space<vmem>>) offsets(%arg7 : memref<128xi32, #tpu.memory_space<vmem>>) semaphore(%arg14 : memref<!tpu.dma_semaphore, #tpu.memory_space<semaphore_mem>>)
      } else {
      }
      %add3A_59 = arith.constant 3 : i32
      %add3A_60 = arith.addi %mul3A_35, %add3A_59 : i32
      %lt3A_61 = arith.constant 80 : i32
      %lt3A_62 = arith.cmpi slt, %add3A_60, %lt3A_61 : i32
      %convert_element_type3A_63 = arith.extui %lt3A_62 : i1 to i32
      %cond3A_64 = arith.constant 0 : i32
      %cond3A_65 = arith.cmpi ne, %convert_element_type3A_63, %cond3A_64 : i32
      scf.if %cond3A_65 {
        %add3A_66 = arith.constant 3 : i32
        %add3A_67 = arith.addi %mul3A_35, %add3A_66 : i32
        %mul3A_68 = arith.constant 128 : i32
        %mul3A_69 = arith.muli %add3A_67, %mul3A_68 : i32
        %add3A_70 = arith.addi %mul3A_4, %mul3A_69 : i32
        %dma_start3A_71 = tpu.memref_slice %arg2[%add3A_70] : memref<327680xi32, #tpu.memory_space<hbm>> -> memref<128xi32, #tpu.memory_space<hbm>>
        %dma_start3A_72 = tpu.memref_slice %arg2[%add3A_70] : memref<327680xi32, #tpu.memory_space<hbm>> -> memref<128xi32, #tpu.memory_space<hbm>>
        tpu.enqueue_dma source(%dma_start3A_72 : memref<128xi32, #tpu.memory_space<hbm>>) target(%arg9 : memref<128xi32, #tpu.memory_space<vmem>>) target_semaphore(%arg17 : memref<!tpu.dma_semaphore, #tpu.memory_space<semaphore_mem>>)
        %dma_start3A_73 = tpu.memref_slice %arg3[%add3A_70] : memref<327680xi32, #tpu.memory_space<hbm>> -> memref<128xi32, #tpu.memory_space<hbm>>
        %dma_start3A_74 = tpu.memref_slice %arg3[%add3A_70] : memref<327680xi32, #tpu.memory_space<hbm>> -> memref<128xi32, #tpu.memory_space<hbm>>
        tpu.enqueue_dma source(%dma_start3A_74 : memref<128xi32, #tpu.memory_space<hbm>>) target(%arg10 : memref<128xi32, #tpu.memory_space<vmem>>) target_semaphore(%arg17 : memref<!tpu.dma_semaphore, #tpu.memory_space<semaphore_mem>>)
      } else {
      }
    }
    %scan3A_25 = arith.constant 40 : i32
    %barrier3A_26 = arith.constant 0 : index
    tpu.barrier barrier_id(%barrier3A_26)
    %scan3A_27 = arith.constant 0 : i32
    %scan3A_28 = arith.constant 0 : i32
    %scan3A_29 = arith.constant 5 : i32
    %scan3A_30 = arith.addi %scan3A_28, %scan3A_29 : i32
    %scan3A_31 = arith.constant 1 : i32
    scf.for %scan3A_33 = %scan3A_28 to %scan3A_30 step %scan3A_31  : i32 {
      %mul3A_34 = arith.constant 640 : i32
      %mul3A_35 = arith.muli %arg1, %mul3A_34 : i32
      %mul3A_36 = arith.constant 128 : i32
      %mul3A_37 = arith.muli %scan3A_33, %mul3A_36 : i32
      %add3A_38 = arith.addi %mul3A_35, %mul3A_37 : i32
      "tpu.region"() ({
        %run_scoped3A = tpu.sem_alloc : memref<!tpu.dma_semaphore, #tpu.memory_space<semaphore_mem>>
        %dma_start3A_39 = arith.constant 0 : i32
        %dma_start3A_40 = tpu.memref_slice %arg13[%add3A_38, %dma_start3A_39] : memref<10240x128xf32, #tpu.memory_space<vmem_shared>> -> memref<128x128xf32, #tpu.memory_space<vmem_shared>>
        %dma_start3A_41 = arith.constant 0 : i32
        %dma_start3A_42 = tpu.memref_slice %arg13[%add3A_38, %dma_start3A_41] : memref<10240x128xf32, #tpu.memory_space<vmem_shared>> -> memref<128x128xf32, #tpu.memory_space<vmem_shared>>
        tpu.enqueue_dma source(%dma_start3A_42 : memref<128x128xf32, #tpu.memory_space<vmem_shared>>) target(%arg11 : memref<128x128xf32, #tpu.memory_space<vmem>>) target_semaphore(%run_scoped3A : memref<!tpu.dma_semaphore, #tpu.memory_space<semaphore_mem>>)
        %dma_wait3A = arith.constant 0 : i32
        %dma_wait3A_43 = tpu.memref_slice %arg13[%add3A_38, %dma_wait3A] : memref<10240x128xf32, #tpu.memory_space<vmem_shared>> -> memref<128x128xf32, #tpu.memory_space<vmem_shared>>
        %dma_wait3A_44 = arith.constant 0 : i32
        %dma_wait3A_45 = tpu.memref_slice %arg13[%add3A_38, %dma_wait3A_44] : memref<10240x128xf32, #tpu.memory_space<vmem_shared>> -> memref<128x128xf32, #tpu.memory_space<vmem_shared>>
        tpu.wait_dma2 semaphore(%run_scoped3A : memref<!tpu.dma_semaphore, #tpu.memory_space<semaphore_mem>>) src(%dma_wait3A_45 : memref<128x128xf32, #tpu.memory_space<vmem_shared>>) dst(%arg11 : memref<128x128xf32, #tpu.memory_space<vmem>>)
        tpu.yield
      }) : () -> ()
      "tpu.region"() ({
        %run_scoped3A = tpu.sem_alloc : memref<!tpu.dma_semaphore, #tpu.memory_space<semaphore_mem>>
        %dma_start3A_39 = arith.constant 0 : i32
        %dma_start3A_40 = tpu.memref_slice %arg6[%arg0, %add3A_38, %dma_start3A_39] : memref<2x10240x128xf32, #tpu.memory_space<hbm>> -> memref<1x128x128xf32, #tpu.memory_space<hbm>>
        %dma_start3A_41 = tpu.memref_squeeze %dma_start3A_40 : memref<1x128x128xf32, #tpu.memory_space<hbm>> -> memref<128x128xf32, #tpu.memory_space<hbm>>
        %dma_start3A_42 = arith.constant 0 : i32
        %dma_start3A_43 = tpu.memref_slice %arg6[%arg0, %add3A_38, %dma_start3A_42] : memref<2x10240x128xf32, #tpu.memory_space<hbm>> -> memref<1x128x128xf32, #tpu.memory_space<hbm>>
        %dma_start3A_44 = tpu.memref_squeeze %dma_start3A_43 : memref<1x128x128xf32, #tpu.memory_space<hbm>> -> memref<128x128xf32, #tpu.memory_space<hbm>>
        tpu.enqueue_dma source(%arg11 : memref<128x128xf32, #tpu.memory_space<vmem>>) target(%dma_start3A_44 : memref<128x128xf32, #tpu.memory_space<hbm>>) target_semaphore(%run_scoped3A : memref<!tpu.dma_semaphore, #tpu.memory_space<semaphore_mem>>)
        %dma_wait3A = arith.constant 0 : i32
        %dma_wait3A_45 = tpu.memref_slice %arg6[%arg0, %add3A_38, %dma_wait3A] : memref<2x10240x128xf32, #tpu.memory_space<hbm>> -> memref<1x128x128xf32, #tpu.memory_space<hbm>>
        %dma_wait3A_46 = tpu.memref_squeeze %dma_wait3A_45 : memref<1x128x128xf32, #tpu.memory_space<hbm>> -> memref<128x128xf32, #tpu.memory_space<hbm>>
        %dma_wait3A_47 = arith.constant 0 : i32
        %dma_wait3A_48 = tpu.memref_slice %arg6[%arg0, %add3A_38, %dma_wait3A_47] : memref<2x10240x128xf32, #tpu.memory_space<hbm>> -> memref<1x128x128xf32, #tpu.memory_space<hbm>>
        %dma_wait3A_49 = tpu.memref_squeeze %dma_wait3A_48 : memref<1x128x128xf32, #tpu.memory_space<hbm>> -> memref<128x128xf32, #tpu.memory_space<hbm>>
        tpu.wait_dma2 semaphore(%run_scoped3A : memref<!tpu.dma_semaphore, #tpu.memory_space<semaphore_mem>>) src(%arg11 : memref<128x128xf32, #tpu.memory_space<vmem>>) dst(%dma_wait3A_49 : memref<128x128xf32, #tpu.memory_space<hbm>>)
        tpu.yield
      }) : () -> ()
    }
    %scan3A_32 = arith.constant 5 : i32
    return
  }
}

#map = affine_map<(d0, d1) -> (0)>
#map1 = affine_map<(d0, d1) -> (0, 0)>
#map2 = affine_map<(d0, d1) -> (0, 0, 0)>
module attributes {stable_mosaic.version = 14 : i64} {
  func.func @_count_kernel(%arg0: i32, %arg1: i32, %arg2: memref<327680xi32, #tpu.memory_space<hbm>>, %arg3: memref<128x128xf32, #tpu.memory_space<hbm>>, %arg4: memref<128x128xf32, #tpu.memory_space<hbm>>, %arg5: memref<2x10240x128xf32, #tpu.memory_space<hbm>>, %arg6: memref<128xi32, #tpu.memory_space<vmem>>, %arg7: memref<128xi32, #tpu.memory_space<vmem>>, %arg8: memref<128x128xf32, #tpu.memory_space<vmem>>, %arg9: memref<10240x128xf32, #tpu.memory_space<vmem_shared>>, %arg10: memref<!tpu.dma_semaphore, #tpu.memory_space<semaphore_mem>>, %arg11: memref<!tpu.dma_semaphore, #tpu.memory_space<semaphore_mem>>) attributes {dimension_semantics = [#tpu.dimension_semantics<core_parallel>, #tpu.dimension_semantics<subcore_parallel>], iteration_bounds = array<i64: 2, 16>, scalar_prefetch = 0 : i64, scratch_operands = 6 : i64, tpu.core_type = #tpu.core_type<sc_vector_subcore>, window_params = [{transform_indices = #map}, {transform_indices = #map1}, {transform_indices = #map1}, {transform_indices = #map2}]} {
    %mul3A = arith.constant 2 : i32
    %mul3A_0 = arith.muli %arg1, %mul3A : i32
    %add3A = arith.addi %mul3A_0, %arg0 : i32
    %mul3A_1 = arith.constant 80 : i32
    %mul3A_2 = arith.muli %add3A, %mul3A_1 : i32
    %mul3A_3 = arith.constant 128 : i32
    %mul3A_4 = arith.muli %mul3A_2, %mul3A_3 : i32
    "tpu.region"() ({
      %run_scoped3A = tpu.sem_alloc : memref<!tpu.dma_semaphore, #tpu.memory_space<semaphore_mem>>
      tpu.enqueue_dma source(%arg3 : memref<128x128xf32, #tpu.memory_space<hbm>>) target(%arg8 : memref<128x128xf32, #tpu.memory_space<vmem>>) target_semaphore(%run_scoped3A : memref<!tpu.dma_semaphore, #tpu.memory_space<semaphore_mem>>)
      tpu.wait_dma2 semaphore(%run_scoped3A : memref<!tpu.dma_semaphore, #tpu.memory_space<semaphore_mem>>) src(%arg3 : memref<128x128xf32, #tpu.memory_space<hbm>>) dst(%arg8 : memref<128x128xf32, #tpu.memory_space<vmem>>)
      tpu.yield
    }) : () -> ()
    %scan3A = arith.constant 0 : i32
    %scan3A_5 = arith.constant 0 : i32
    %scan3A_6 = arith.constant 5 : i32
    %scan3A_7 = arith.addi %scan3A_5, %scan3A_6 : i32
    %scan3A_8 = arith.constant 1 : i32
    scf.for %scan3A_28 = %scan3A_5 to %scan3A_7 step %scan3A_8  : i32 {
      %mul3A_29 = arith.constant 640 : i32
      %mul3A_30 = arith.muli %arg1, %mul3A_29 : i32
      %mul3A_31 = arith.constant 128 : i32
      %mul3A_32 = arith.muli %scan3A_28, %mul3A_31 : i32
      %add3A_33 = arith.addi %mul3A_30, %mul3A_32 : i32
      "tpu.region"() ({
        %run_scoped3A = tpu.sem_alloc : memref<!tpu.dma_semaphore, #tpu.memory_space<semaphore_mem>>
        %dma_start3A_34 = arith.constant 0 : i32
        %dma_start3A_35 = tpu.memref_slice %arg9[%add3A_33, %dma_start3A_34] : memref<10240x128xf32, #tpu.memory_space<vmem_shared>> -> memref<128x128xf32, #tpu.memory_space<vmem_shared>>
        %dma_start3A_36 = arith.constant 0 : i32
        %dma_start3A_37 = tpu.memref_slice %arg9[%add3A_33, %dma_start3A_36] : memref<10240x128xf32, #tpu.memory_space<vmem_shared>> -> memref<128x128xf32, #tpu.memory_space<vmem_shared>>
        tpu.enqueue_dma source(%arg8 : memref<128x128xf32, #tpu.memory_space<vmem>>) target(%dma_start3A_37 : memref<128x128xf32, #tpu.memory_space<vmem_shared>>) target_semaphore(%run_scoped3A : memref<!tpu.dma_semaphore, #tpu.memory_space<semaphore_mem>>)
        %dma_wait3A = arith.constant 0 : i32
        %dma_wait3A_38 = tpu.memref_slice %arg9[%add3A_33, %dma_wait3A] : memref<10240x128xf32, #tpu.memory_space<vmem_shared>> -> memref<128x128xf32, #tpu.memory_space<vmem_shared>>
        %dma_wait3A_39 = arith.constant 0 : i32
        %dma_wait3A_40 = tpu.memref_slice %arg9[%add3A_33, %dma_wait3A_39] : memref<10240x128xf32, #tpu.memory_space<vmem_shared>> -> memref<128x128xf32, #tpu.memory_space<vmem_shared>>
        tpu.wait_dma2 semaphore(%run_scoped3A : memref<!tpu.dma_semaphore, #tpu.memory_space<semaphore_mem>>) src(%arg8 : memref<128x128xf32, #tpu.memory_space<vmem>>) dst(%dma_wait3A_40 : memref<128x128xf32, #tpu.memory_space<vmem_shared>>)
        tpu.yield
      }) : () -> ()
    }
    %scan3A_9 = arith.constant 5 : i32
    "tpu.region"() ({
      %run_scoped3A = tpu.sem_alloc : memref<!tpu.dma_semaphore, #tpu.memory_space<semaphore_mem>>
      tpu.enqueue_dma source(%arg4 : memref<128x128xf32, #tpu.memory_space<hbm>>) target(%arg8 : memref<128x128xf32, #tpu.memory_space<vmem>>) target_semaphore(%run_scoped3A : memref<!tpu.dma_semaphore, #tpu.memory_space<semaphore_mem>>)
      tpu.wait_dma2 semaphore(%run_scoped3A : memref<!tpu.dma_semaphore, #tpu.memory_space<semaphore_mem>>) src(%arg4 : memref<128x128xf32, #tpu.memory_space<hbm>>) dst(%arg8 : memref<128x128xf32, #tpu.memory_space<vmem>>)
      tpu.yield
    }) : () -> ()
    %barrier3A = arith.constant 0 : index
    tpu.barrier barrier_id(%barrier3A)
    %dma_start3A = tpu.memref_slice %arg2[%mul3A_4] : memref<327680xi32, #tpu.memory_space<hbm>> -> memref<128xi32, #tpu.memory_space<hbm>>
    %dma_start3A_10 = tpu.memref_slice %arg2[%mul3A_4] : memref<327680xi32, #tpu.memory_space<hbm>> -> memref<128xi32, #tpu.memory_space<hbm>>
    tpu.enqueue_dma source(%dma_start3A_10 : memref<128xi32, #tpu.memory_space<hbm>>) target(%arg6 : memref<128xi32, #tpu.memory_space<vmem>>) target_semaphore(%arg10 : memref<!tpu.dma_semaphore, #tpu.memory_space<semaphore_mem>>)
    %add3A_11 = arith.constant 128 : i32
    %add3A_12 = arith.addi %mul3A_4, %add3A_11 : i32
    %dma_start3A_13 = tpu.memref_slice %arg2[%add3A_12] : memref<327680xi32, #tpu.memory_space<hbm>> -> memref<128xi32, #tpu.memory_space<hbm>>
    %dma_start3A_14 = tpu.memref_slice %arg2[%add3A_12] : memref<327680xi32, #tpu.memory_space<hbm>> -> memref<128xi32, #tpu.memory_space<hbm>>
    tpu.enqueue_dma source(%dma_start3A_14 : memref<128xi32, #tpu.memory_space<hbm>>) target(%arg7 : memref<128xi32, #tpu.memory_space<vmem>>) target_semaphore(%arg11 : memref<!tpu.dma_semaphore, #tpu.memory_space<semaphore_mem>>)
    %scan3A_15 = arith.constant 0 : i32
    %scan3A_16 = arith.constant 0 : i32
    %scan3A_17 = arith.constant 40 : i32
    %scan3A_18 = arith.addi %scan3A_16, %scan3A_17 : i32
    %scan3A_19 = arith.constant 1 : i32
    scf.for %scan3A_28 = %scan3A_16 to %scan3A_18 step %scan3A_19  : i32 {
      %mul3A_29 = arith.constant 2 : i32
      %mul3A_30 = arith.muli %mul3A_29, %scan3A_28 : i32
      %dma_wait3A = tpu.memref_slice %arg2[%mul3A_4] : memref<327680xi32, #tpu.memory_space<hbm>> -> memref<128xi32, #tpu.memory_space<hbm>>
      %dma_wait3A_31 = tpu.memref_slice %arg2[%mul3A_4] : memref<327680xi32, #tpu.memory_space<hbm>> -> memref<128xi32, #tpu.memory_space<hbm>>
      tpu.wait_dma2 semaphore(%arg10 : memref<!tpu.dma_semaphore, #tpu.memory_space<semaphore_mem>>) src(%dma_wait3A_31 : memref<128xi32, #tpu.memory_space<hbm>>) dst(%arg6 : memref<128xi32, #tpu.memory_space<vmem>>)
      "tpu.region"() ({
        %run_scoped3A = tpu.sem_alloc : memref<!tpu.dma_semaphore, #tpu.memory_space<semaphore_mem>>
        %dma_start3A_45 = arith.constant 0 : i32
        %dma_start3A_46 = arith.constant 0 : i32
        %dma_start3A_47 = tpu.memref_slice %arg9[%dma_start3A_45, %dma_start3A_46] : memref<10240x128xf32, #tpu.memory_space<vmem_shared>> -> memref<10240x128xf32, #tpu.memory_space<vmem_shared>>
        tpu.enqueue_indirect_dma source(%arg8 : memref<128x128xf32, #tpu.memory_space<vmem>>) target(%dma_start3A_47 : memref<10240x128xf32, #tpu.memory_space<vmem_shared>>) offsets(%arg6 : memref<128xi32, #tpu.memory_space<vmem>>) semaphore(%run_scoped3A : memref<!tpu.dma_semaphore, #tpu.memory_space<semaphore_mem>>) {add = true}
        %dma_wait3A_48 = arith.constant 0 : i32
        %dma_wait3A_49 = arith.constant 0 : i32
        %dma_wait3A_50 = tpu.memref_slice %arg9[%dma_wait3A_48, %dma_wait3A_49] : memref<10240x128xf32, #tpu.memory_space<vmem_shared>> -> memref<10240x128xf32, #tpu.memory_space<vmem_shared>>
        tpu.wait_indirect_dma semaphore(%run_scoped3A : memref<!tpu.dma_semaphore, #tpu.memory_space<semaphore_mem>>) src(%arg8 : memref<128x128xf32, #tpu.memory_space<vmem>>) dst(%dma_wait3A_50 : memref<10240x128xf32, #tpu.memory_space<vmem_shared>>)
        tpu.yield
      }) : () -> ()
      %add3A_32 = arith.constant 2 : i32
      %add3A_33 = arith.addi %mul3A_30, %add3A_32 : i32
      %lt3A = arith.constant 80 : i32
      %lt3A_34 = arith.cmpi slt, %add3A_33, %lt3A : i32
      %convert_element_type3A = arith.extui %lt3A_34 : i1 to i32
      %cond3A = arith.constant 0 : i32
      %cond3A_35 = arith.cmpi ne, %convert_element_type3A, %cond3A : i32
      scf.if %cond3A_35 {
        %add3A_45 = arith.constant 2 : i32
        %add3A_46 = arith.addi %mul3A_30, %add3A_45 : i32
        %mul3A_47 = arith.constant 128 : i32
        %mul3A_48 = arith.muli %add3A_46, %mul3A_47 : i32
        %add3A_49 = arith.addi %mul3A_4, %mul3A_48 : i32
        %dma_start3A_50 = tpu.memref_slice %arg2[%add3A_49] : memref<327680xi32, #tpu.memory_space<hbm>> -> memref<128xi32, #tpu.memory_space<hbm>>
        %dma_start3A_51 = tpu.memref_slice %arg2[%add3A_49] : memref<327680xi32, #tpu.memory_space<hbm>> -> memref<128xi32, #tpu.memory_space<hbm>>
        tpu.enqueue_dma source(%dma_start3A_51 : memref<128xi32, #tpu.memory_space<hbm>>) target(%arg6 : memref<128xi32, #tpu.memory_space<vmem>>) target_semaphore(%arg10 : memref<!tpu.dma_semaphore, #tpu.memory_space<semaphore_mem>>)
      } else {
      }
      %dma_wait3A_36 = tpu.memref_slice %arg2[%mul3A_4] : memref<327680xi32, #tpu.memory_space<hbm>> -> memref<128xi32, #tpu.memory_space<hbm>>
      %dma_wait3A_37 = tpu.memref_slice %arg2[%mul3A_4] : memref<327680xi32, #tpu.memory_space<hbm>> -> memref<128xi32, #tpu.memory_space<hbm>>
      tpu.wait_dma2 semaphore(%arg11 : memref<!tpu.dma_semaphore, #tpu.memory_space<semaphore_mem>>) src(%dma_wait3A_37 : memref<128xi32, #tpu.memory_space<hbm>>) dst(%arg7 : memref<128xi32, #tpu.memory_space<vmem>>)
      "tpu.region"() ({
        %run_scoped3A = tpu.sem_alloc : memref<!tpu.dma_semaphore, #tpu.memory_space<semaphore_mem>>
        %dma_start3A_45 = arith.constant 0 : i32
        %dma_start3A_46 = arith.constant 0 : i32
        %dma_start3A_47 = tpu.memref_slice %arg9[%dma_start3A_45, %dma_start3A_46] : memref<10240x128xf32, #tpu.memory_space<vmem_shared>> -> memref<10240x128xf32, #tpu.memory_space<vmem_shared>>
        tpu.enqueue_indirect_dma source(%arg8 : memref<128x128xf32, #tpu.memory_space<vmem>>) target(%dma_start3A_47 : memref<10240x128xf32, #tpu.memory_space<vmem_shared>>) offsets(%arg7 : memref<128xi32, #tpu.memory_space<vmem>>) semaphore(%run_scoped3A : memref<!tpu.dma_semaphore, #tpu.memory_space<semaphore_mem>>) {add = true}
        %dma_wait3A_48 = arith.constant 0 : i32
        %dma_wait3A_49 = arith.constant 0 : i32
        %dma_wait3A_50 = tpu.memref_slice %arg9[%dma_wait3A_48, %dma_wait3A_49] : memref<10240x128xf32, #tpu.memory_space<vmem_shared>> -> memref<10240x128xf32, #tpu.memory_space<vmem_shared>>
        tpu.wait_indirect_dma semaphore(%run_scoped3A : memref<!tpu.dma_semaphore, #tpu.memory_space<semaphore_mem>>) src(%arg8 : memref<128x128xf32, #tpu.memory_space<vmem>>) dst(%dma_wait3A_50 : memref<10240x128xf32, #tpu.memory_space<vmem_shared>>)
        tpu.yield
      }) : () -> ()
      %add3A_38 = arith.constant 3 : i32
      %add3A_39 = arith.addi %mul3A_30, %add3A_38 : i32
      %lt3A_40 = arith.constant 80 : i32
      %lt3A_41 = arith.cmpi slt, %add3A_39, %lt3A_40 : i32
      %convert_element_type3A_42 = arith.extui %lt3A_41 : i1 to i32
      %cond3A_43 = arith.constant 0 : i32
      %cond3A_44 = arith.cmpi ne, %convert_element_type3A_42, %cond3A_43 : i32
      scf.if %cond3A_44 {
        %add3A_45 = arith.constant 3 : i32
        %add3A_46 = arith.addi %mul3A_30, %add3A_45 : i32
        %mul3A_47 = arith.constant 128 : i32
        %mul3A_48 = arith.muli %add3A_46, %mul3A_47 : i32
        %add3A_49 = arith.addi %mul3A_4, %mul3A_48 : i32
        %dma_start3A_50 = tpu.memref_slice %arg2[%add3A_49] : memref<327680xi32, #tpu.memory_space<hbm>> -> memref<128xi32, #tpu.memory_space<hbm>>
        %dma_start3A_51 = tpu.memref_slice %arg2[%add3A_49] : memref<327680xi32, #tpu.memory_space<hbm>> -> memref<128xi32, #tpu.memory_space<hbm>>
        tpu.enqueue_dma source(%dma_start3A_51 : memref<128xi32, #tpu.memory_space<hbm>>) target(%arg7 : memref<128xi32, #tpu.memory_space<vmem>>) target_semaphore(%arg11 : memref<!tpu.dma_semaphore, #tpu.memory_space<semaphore_mem>>)
      } else {
      }
    }
    %scan3A_20 = arith.constant 40 : i32
    %barrier3A_21 = arith.constant 0 : index
    tpu.barrier barrier_id(%barrier3A_21)
    %scan3A_22 = arith.constant 0 : i32
    %scan3A_23 = arith.constant 0 : i32
    %scan3A_24 = arith.constant 5 : i32
    %scan3A_25 = arith.addi %scan3A_23, %scan3A_24 : i32
    %scan3A_26 = arith.constant 1 : i32
    scf.for %scan3A_28 = %scan3A_23 to %scan3A_25 step %scan3A_26  : i32 {
      %mul3A_29 = arith.constant 640 : i32
      %mul3A_30 = arith.muli %arg1, %mul3A_29 : i32
      %mul3A_31 = arith.constant 128 : i32
      %mul3A_32 = arith.muli %scan3A_28, %mul3A_31 : i32
      %add3A_33 = arith.addi %mul3A_30, %mul3A_32 : i32
      "tpu.region"() ({
        %run_scoped3A = tpu.sem_alloc : memref<!tpu.dma_semaphore, #tpu.memory_space<semaphore_mem>>
        %dma_start3A_34 = arith.constant 0 : i32
        %dma_start3A_35 = tpu.memref_slice %arg9[%add3A_33, %dma_start3A_34] : memref<10240x128xf32, #tpu.memory_space<vmem_shared>> -> memref<128x128xf32, #tpu.memory_space<vmem_shared>>
        %dma_start3A_36 = arith.constant 0 : i32
        %dma_start3A_37 = tpu.memref_slice %arg9[%add3A_33, %dma_start3A_36] : memref<10240x128xf32, #tpu.memory_space<vmem_shared>> -> memref<128x128xf32, #tpu.memory_space<vmem_shared>>
        tpu.enqueue_dma source(%dma_start3A_37 : memref<128x128xf32, #tpu.memory_space<vmem_shared>>) target(%arg8 : memref<128x128xf32, #tpu.memory_space<vmem>>) target_semaphore(%run_scoped3A : memref<!tpu.dma_semaphore, #tpu.memory_space<semaphore_mem>>)
        %dma_wait3A = arith.constant 0 : i32
        %dma_wait3A_38 = tpu.memref_slice %arg9[%add3A_33, %dma_wait3A] : memref<10240x128xf32, #tpu.memory_space<vmem_shared>> -> memref<128x128xf32, #tpu.memory_space<vmem_shared>>
        %dma_wait3A_39 = arith.constant 0 : i32
        %dma_wait3A_40 = tpu.memref_slice %arg9[%add3A_33, %dma_wait3A_39] : memref<10240x128xf32, #tpu.memory_space<vmem_shared>> -> memref<128x128xf32, #tpu.memory_space<vmem_shared>>
        tpu.wait_dma2 semaphore(%run_scoped3A : memref<!tpu.dma_semaphore, #tpu.memory_space<semaphore_mem>>) src(%dma_wait3A_40 : memref<128x128xf32, #tpu.memory_space<vmem_shared>>) dst(%arg8 : memref<128x128xf32, #tpu.memory_space<vmem>>)
        tpu.yield
      }) : () -> ()
      "tpu.region"() ({
        %run_scoped3A = tpu.sem_alloc : memref<!tpu.dma_semaphore, #tpu.memory_space<semaphore_mem>>
        %dma_start3A_34 = arith.constant 0 : i32
        %dma_start3A_35 = tpu.memref_slice %arg5[%arg0, %add3A_33, %dma_start3A_34] : memref<2x10240x128xf32, #tpu.memory_space<hbm>> -> memref<1x128x128xf32, #tpu.memory_space<hbm>>
        %dma_start3A_36 = tpu.memref_squeeze %dma_start3A_35 : memref<1x128x128xf32, #tpu.memory_space<hbm>> -> memref<128x128xf32, #tpu.memory_space<hbm>>
        %dma_start3A_37 = arith.constant 0 : i32
        %dma_start3A_38 = tpu.memref_slice %arg5[%arg0, %add3A_33, %dma_start3A_37] : memref<2x10240x128xf32, #tpu.memory_space<hbm>> -> memref<1x128x128xf32, #tpu.memory_space<hbm>>
        %dma_start3A_39 = tpu.memref_squeeze %dma_start3A_38 : memref<1x128x128xf32, #tpu.memory_space<hbm>> -> memref<128x128xf32, #tpu.memory_space<hbm>>
        tpu.enqueue_dma source(%arg8 : memref<128x128xf32, #tpu.memory_space<vmem>>) target(%dma_start3A_39 : memref<128x128xf32, #tpu.memory_space<hbm>>) target_semaphore(%run_scoped3A : memref<!tpu.dma_semaphore, #tpu.memory_space<semaphore_mem>>)
        %dma_wait3A = arith.constant 0 : i32
        %dma_wait3A_40 = tpu.memref_slice %arg5[%arg0, %add3A_33, %dma_wait3A] : memref<2x10240x128xf32, #tpu.memory_space<hbm>> -> memref<1x128x128xf32, #tpu.memory_space<hbm>>
        %dma_wait3A_41 = tpu.memref_squeeze %dma_wait3A_40 : memref<1x128x128xf32, #tpu.memory_space<hbm>> -> memref<128x128xf32, #tpu.memory_space<hbm>>
        %dma_wait3A_42 = arith.constant 0 : i32
        %dma_wait3A_43 = tpu.memref_slice %arg5[%arg0, %add3A_33, %dma_wait3A_42] : memref<2x10240x128xf32, #tpu.memory_space<hbm>> -> memref<1x128x128xf32, #tpu.memory_space<hbm>>
        %dma_wait3A_44 = tpu.memref_squeeze %dma_wait3A_43 : memref<1x128x128xf32, #tpu.memory_space<hbm>> -> memref<128x128xf32, #tpu.memory_space<hbm>>
        tpu.wait_dma2 semaphore(%run_scoped3A : memref<!tpu.dma_semaphore, #tpu.memory_space<semaphore_mem>>) src(%arg8 : memref<128x128xf32, #tpu.memory_space<vmem>>) dst(%dma_wait3A_44 : memref<128x128xf32, #tpu.memory_space<hbm>>)
        tpu.yield
      }) : () -> ()
    }
    %scan3A_27 = arith.constant 5 : i32
    return
  }
}

#map = affine_map<(d0, d1) -> (0)>
#map1 = affine_map<(d0, d1) -> (0, 0)>
#map2 = affine_map<(d0, d1) -> (0, 0, 0)>
module attributes {stable_mosaic.version = 14 : i64} {
  func.func @_agg_kernel(%arg0: i32, %arg1: i32, %arg2: memref<327680xi32, #tpu.memory_space<hbm>>, %arg3: memref<327680xi32, #tpu.memory_space<hbm>>, %arg4: memref<10000x128xf32, #tpu.memory_space<hbm>>, %arg5: memref<128x128xf32, #tpu.memory_space<hbm>>, %arg6: memref<2x10240x128xf32, #tpu.memory_space<hbm>>, %arg7: memref<128xi32, #tpu.memory_space<vmem>>, %arg8: memref<128xi32, #tpu.memory_space<vmem>>, %arg9: memref<128xi32, #tpu.memory_space<vmem>>, %arg10: memref<128xi32, #tpu.memory_space<vmem>>, %arg11: memref<128x128xf32, #tpu.memory_space<vmem>>, %arg12: memref<128x128xf32, #tpu.memory_space<vmem>>, %arg13: memref<10240x128xf32, #tpu.memory_space<vmem_shared>>, %arg14: memref<!tpu.dma_semaphore, #tpu.memory_space<semaphore_mem>>, %arg15: memref<!tpu.dma_semaphore, #tpu.memory_space<semaphore_mem>>, %arg16: memref<!tpu.dma_semaphore, #tpu.memory_space<semaphore_mem>>, %arg17: memref<!tpu.dma_semaphore, #tpu.memory_space<semaphore_mem>>) attributes {dimension_semantics = [#tpu.dimension_semantics<core_parallel>, #tpu.dimension_semantics<subcore_parallel>], iteration_bounds = array<i64: 2, 16>, scalar_prefetch = 0 : i64, scratch_operands = 11 : i64, tpu.core_type = #tpu.core_type<sc_vector_subcore>, window_params = [{transform_indices = #map}, {transform_indices = #map}, {transform_indices = #map1}, {transform_indices = #map1}, {transform_indices = #map2}]} {
    %mul3A = arith.constant 2 : i32
    %mul3A_0 = arith.muli %arg1, %mul3A : i32
    %add3A = arith.addi %mul3A_0, %arg0 : i32
    %mul3A_1 = arith.constant 80 : i32
    %mul3A_2 = arith.muli %add3A, %mul3A_1 : i32
    %mul3A_3 = arith.constant 128 : i32
    %mul3A_4 = arith.muli %mul3A_2, %mul3A_3 : i32
    "tpu.region"() ({
      %run_scoped3A = tpu.sem_alloc : memref<!tpu.dma_semaphore, #tpu.memory_space<semaphore_mem>>
      tpu.enqueue_dma source(%arg5 : memref<128x128xf32, #tpu.memory_space<hbm>>) target(%arg11 : memref<128x128xf32, #tpu.memory_space<vmem>>) target_semaphore(%run_scoped3A : memref<!tpu.dma_semaphore, #tpu.memory_space<semaphore_mem>>)
      tpu.wait_dma2 semaphore(%run_scoped3A : memref<!tpu.dma_semaphore, #tpu.memory_space<semaphore_mem>>) src(%arg5 : memref<128x128xf32, #tpu.memory_space<hbm>>) dst(%arg11 : memref<128x128xf32, #tpu.memory_space<vmem>>)
      tpu.yield
    }) : () -> ()
    %scan3A = arith.constant 0 : i32
    %scan3A_5 = arith.constant 0 : i32
    %scan3A_6 = arith.constant 5 : i32
    %scan3A_7 = arith.addi %scan3A_5, %scan3A_6 : i32
    %scan3A_8 = arith.constant 1 : i32
    scf.for %scan3A_33 = %scan3A_5 to %scan3A_7 step %scan3A_8  : i32 {
      %mul3A_34 = arith.constant 640 : i32
      %mul3A_35 = arith.muli %arg1, %mul3A_34 : i32
      %mul3A_36 = arith.constant 128 : i32
      %mul3A_37 = arith.muli %scan3A_33, %mul3A_36 : i32
      %add3A_38 = arith.addi %mul3A_35, %mul3A_37 : i32
      "tpu.region"() ({
        %run_scoped3A = tpu.sem_alloc : memref<!tpu.dma_semaphore, #tpu.memory_space<semaphore_mem>>
        %dma_start3A_39 = arith.constant 0 : i32
        %dma_start3A_40 = tpu.memref_slice %arg13[%add3A_38, %dma_start3A_39] : memref<10240x128xf32, #tpu.memory_space<vmem_shared>> -> memref<128x128xf32, #tpu.memory_space<vmem_shared>>
        %dma_start3A_41 = arith.constant 0 : i32
        %dma_start3A_42 = tpu.memref_slice %arg13[%add3A_38, %dma_start3A_41] : memref<10240x128xf32, #tpu.memory_space<vmem_shared>> -> memref<128x128xf32, #tpu.memory_space<vmem_shared>>
        tpu.enqueue_dma source(%arg11 : memref<128x128xf32, #tpu.memory_space<vmem>>) target(%dma_start3A_42 : memref<128x128xf32, #tpu.memory_space<vmem_shared>>) target_semaphore(%run_scoped3A : memref<!tpu.dma_semaphore, #tpu.memory_space<semaphore_mem>>)
        %dma_wait3A = arith.constant 0 : i32
        %dma_wait3A_43 = tpu.memref_slice %arg13[%add3A_38, %dma_wait3A] : memref<10240x128xf32, #tpu.memory_space<vmem_shared>> -> memref<128x128xf32, #tpu.memory_space<vmem_shared>>
        %dma_wait3A_44 = arith.constant 0 : i32
        %dma_wait3A_45 = tpu.memref_slice %arg13[%add3A_38, %dma_wait3A_44] : memref<10240x128xf32, #tpu.memory_space<vmem_shared>> -> memref<128x128xf32, #tpu.memory_space<vmem_shared>>
        tpu.wait_dma2 semaphore(%run_scoped3A : memref<!tpu.dma_semaphore, #tpu.memory_space<semaphore_mem>>) src(%arg11 : memref<128x128xf32, #tpu.memory_space<vmem>>) dst(%dma_wait3A_45 : memref<128x128xf32, #tpu.memory_space<vmem_shared>>)
        tpu.yield
      }) : () -> ()
    }
    %scan3A_9 = arith.constant 5 : i32
    %barrier3A = arith.constant 0 : index
    tpu.barrier barrier_id(%barrier3A)
    "tpu.region"() ({
      %run_scoped3A = tpu.sem_alloc : memref<!tpu.dma_semaphore, #tpu.memory_space<semaphore_mem>>
      %dma_start3A_33 = tpu.memref_slice %arg2[%mul3A_4] : memref<327680xi32, #tpu.memory_space<hbm>> -> memref<128xi32, #tpu.memory_space<hbm>>
      %dma_start3A_34 = tpu.memref_slice %arg2[%mul3A_4] : memref<327680xi32, #tpu.memory_space<hbm>> -> memref<128xi32, #tpu.memory_space<hbm>>
      tpu.enqueue_dma source(%dma_start3A_34 : memref<128xi32, #tpu.memory_space<hbm>>) target(%arg7 : memref<128xi32, #tpu.memory_space<vmem>>) target_semaphore(%run_scoped3A : memref<!tpu.dma_semaphore, #tpu.memory_space<semaphore_mem>>)
      %dma_wait3A = tpu.memref_slice %arg2[%mul3A_4] : memref<327680xi32, #tpu.memory_space<hbm>> -> memref<128xi32, #tpu.memory_space<hbm>>
      %dma_wait3A_35 = tpu.memref_slice %arg2[%mul3A_4] : memref<327680xi32, #tpu.memory_space<hbm>> -> memref<128xi32, #tpu.memory_space<hbm>>
      tpu.wait_dma2 semaphore(%run_scoped3A : memref<!tpu.dma_semaphore, #tpu.memory_space<semaphore_mem>>) src(%dma_wait3A_35 : memref<128xi32, #tpu.memory_space<hbm>>) dst(%arg7 : memref<128xi32, #tpu.memory_space<vmem>>)
      tpu.yield
    }) : () -> ()
    "tpu.region"() ({
      %run_scoped3A = tpu.sem_alloc : memref<!tpu.dma_semaphore, #tpu.memory_space<semaphore_mem>>
      %dma_start3A_33 = tpu.memref_slice %arg3[%mul3A_4] : memref<327680xi32, #tpu.memory_space<hbm>> -> memref<128xi32, #tpu.memory_space<hbm>>
      %dma_start3A_34 = tpu.memref_slice %arg3[%mul3A_4] : memref<327680xi32, #tpu.memory_space<hbm>> -> memref<128xi32, #tpu.memory_space<hbm>>
      tpu.enqueue_dma source(%dma_start3A_34 : memref<128xi32, #tpu.memory_space<hbm>>) target(%arg8 : memref<128xi32, #tpu.memory_space<vmem>>) target_semaphore(%run_scoped3A : memref<!tpu.dma_semaphore, #tpu.memory_space<semaphore_mem>>)
      %dma_wait3A = tpu.memref_slice %arg3[%mul3A_4] : memref<327680xi32, #tpu.memory_space<hbm>> -> memref<128xi32, #tpu.memory_space<hbm>>
      %dma_wait3A_35 = tpu.memref_slice %arg3[%mul3A_4] : memref<327680xi32, #tpu.memory_space<hbm>> -> memref<128xi32, #tpu.memory_space<hbm>>
      tpu.wait_dma2 semaphore(%run_scoped3A : memref<!tpu.dma_semaphore, #tpu.memory_space<semaphore_mem>>) src(%dma_wait3A_35 : memref<128xi32, #tpu.memory_space<hbm>>) dst(%arg8 : memref<128xi32, #tpu.memory_space<vmem>>)
      tpu.yield
    }) : () -> ()
    %dma_start3A = arith.constant 0 : i32
    %dma_start3A_10 = arith.constant 0 : i32
    %dma_start3A_11 = tpu.memref_slice %arg4[%dma_start3A, %dma_start3A_10] : memref<10000x128xf32, #tpu.memory_space<hbm>> -> memref<10000x128xf32, #tpu.memory_space<hbm>>
    tpu.enqueue_indirect_dma source(%dma_start3A_11 : memref<10000x128xf32, #tpu.memory_space<hbm>>) target(%arg11 : memref<128x128xf32, #tpu.memory_space<vmem>>) offsets(%arg7 : memref<128xi32, #tpu.memory_space<vmem>>) semaphore(%arg14 : memref<!tpu.dma_semaphore, #tpu.memory_space<semaphore_mem>>)
    %add3A_12 = arith.constant 128 : i32
    %add3A_13 = arith.addi %mul3A_4, %add3A_12 : i32
    %dma_start3A_14 = tpu.memref_slice %arg2[%add3A_13] : memref<327680xi32, #tpu.memory_space<hbm>> -> memref<128xi32, #tpu.memory_space<hbm>>
    %dma_start3A_15 = tpu.memref_slice %arg2[%add3A_13] : memref<327680xi32, #tpu.memory_space<hbm>> -> memref<128xi32, #tpu.memory_space<hbm>>
    tpu.enqueue_dma source(%dma_start3A_15 : memref<128xi32, #tpu.memory_space<hbm>>) target(%arg9 : memref<128xi32, #tpu.memory_space<vmem>>) target_semaphore(%arg17 : memref<!tpu.dma_semaphore, #tpu.memory_space<semaphore_mem>>)
    %add3A_16 = arith.constant 128 : i32
    %add3A_17 = arith.addi %mul3A_4, %add3A_16 : i32
    %dma_start3A_18 = tpu.memref_slice %arg3[%add3A_17] : memref<327680xi32, #tpu.memory_space<hbm>> -> memref<128xi32, #tpu.memory_space<hbm>>
    %dma_start3A_19 = tpu.memref_slice %arg3[%add3A_17] : memref<327680xi32, #tpu.memory_space<hbm>> -> memref<128xi32, #tpu.memory_space<hbm>>
    tpu.enqueue_dma source(%dma_start3A_19 : memref<128xi32, #tpu.memory_space<hbm>>) target(%arg10 : memref<128xi32, #tpu.memory_space<vmem>>) target_semaphore(%arg17 : memref<!tpu.dma_semaphore, #tpu.memory_space<semaphore_mem>>)
    %scan3A_20 = arith.constant 0 : i32
    %scan3A_21 = arith.constant 0 : i32
    %scan3A_22 = arith.constant 40 : i32
    %scan3A_23 = arith.addi %scan3A_21, %scan3A_22 : i32
    %scan3A_24 = arith.constant 1 : i32
    scf.for %scan3A_33 = %scan3A_21 to %scan3A_23 step %scan3A_24  : i32 {
      %mul3A_34 = arith.constant 2 : i32
      %mul3A_35 = arith.muli %mul3A_34, %scan3A_33 : i32
      %dma_wait3A = tpu.memref_slice %arg2[%mul3A_4] : memref<327680xi32, #tpu.memory_space<hbm>> -> memref<128xi32, #tpu.memory_space<hbm>>
      %dma_wait3A_36 = tpu.memref_slice %arg2[%mul3A_4] : memref<327680xi32, #tpu.memory_space<hbm>> -> memref<128xi32, #tpu.memory_space<hbm>>
      tpu.wait_dma2 semaphore(%arg17 : memref<!tpu.dma_semaphore, #tpu.memory_space<semaphore_mem>>) src(%dma_wait3A_36 : memref<128xi32, #tpu.memory_space<hbm>>) dst(%arg9 : memref<128xi32, #tpu.memory_space<vmem>>)
      %dma_wait3A_37 = tpu.memref_slice %arg3[%mul3A_4] : memref<327680xi32, #tpu.memory_space<hbm>> -> memref<128xi32, #tpu.memory_space<hbm>>
      %dma_wait3A_38 = tpu.memref_slice %arg3[%mul3A_4] : memref<327680xi32, #tpu.memory_space<hbm>> -> memref<128xi32, #tpu.memory_space<hbm>>
      tpu.wait_dma2 semaphore(%arg17 : memref<!tpu.dma_semaphore, #tpu.memory_space<semaphore_mem>>) src(%dma_wait3A_38 : memref<128xi32, #tpu.memory_space<hbm>>) dst(%arg10 : memref<128xi32, #tpu.memory_space<vmem>>)
      %dma_start3A_39 = arith.constant 0 : i32
      %dma_start3A_40 = arith.constant 0 : i32
      %dma_start3A_41 = tpu.memref_slice %arg4[%dma_start3A_39, %dma_start3A_40] : memref<10000x128xf32, #tpu.memory_space<hbm>> -> memref<10000x128xf32, #tpu.memory_space<hbm>>
      tpu.enqueue_indirect_dma source(%dma_start3A_41 : memref<10000x128xf32, #tpu.memory_space<hbm>>) target(%arg12 : memref<128x128xf32, #tpu.memory_space<vmem>>) offsets(%arg9 : memref<128xi32, #tpu.memory_space<vmem>>) semaphore(%arg15 : memref<!tpu.dma_semaphore, #tpu.memory_space<semaphore_mem>>)
      %dma_wait3A_42 = arith.constant 0 : i32
      %dma_wait3A_43 = arith.constant 0 : i32
      %dma_wait3A_44 = tpu.memref_slice %arg4[%dma_wait3A_42, %dma_wait3A_43] : memref<10000x128xf32, #tpu.memory_space<hbm>> -> memref<10000x128xf32, #tpu.memory_space<hbm>>
      tpu.wait_indirect_dma semaphore(%arg14 : memref<!tpu.dma_semaphore, #tpu.memory_space<semaphore_mem>>) src(%dma_wait3A_44 : memref<10000x128xf32, #tpu.memory_space<hbm>>) dst(%arg11 : memref<128x128xf32, #tpu.memory_space<vmem>>)
      "tpu.region"() ({
        %run_scoped3A = tpu.sem_alloc : memref<!tpu.dma_semaphore, #tpu.memory_space<semaphore_mem>>
        %dma_start3A_66 = arith.constant 0 : i32
        %dma_start3A_67 = arith.constant 0 : i32
        %dma_start3A_68 = tpu.memref_slice %arg13[%dma_start3A_66, %dma_start3A_67] : memref<10240x128xf32, #tpu.memory_space<vmem_shared>> -> memref<10240x128xf32, #tpu.memory_space<vmem_shared>>
        tpu.enqueue_indirect_dma source(%arg11 : memref<128x128xf32, #tpu.memory_space<vmem>>) target(%dma_start3A_68 : memref<10240x128xf32, #tpu.memory_space<vmem_shared>>) offsets(%arg8 : memref<128xi32, #tpu.memory_space<vmem>>) semaphore(%run_scoped3A : memref<!tpu.dma_semaphore, #tpu.memory_space<semaphore_mem>>) {add = true}
        %dma_wait3A_69 = arith.constant 0 : i32
        %dma_wait3A_70 = arith.constant 0 : i32
        %dma_wait3A_71 = tpu.memref_slice %arg13[%dma_wait3A_69, %dma_wait3A_70] : memref<10240x128xf32, #tpu.memory_space<vmem_shared>> -> memref<10240x128xf32, #tpu.memory_space<vmem_shared>>
        tpu.wait_indirect_dma semaphore(%run_scoped3A : memref<!tpu.dma_semaphore, #tpu.memory_space<semaphore_mem>>) src(%arg11 : memref<128x128xf32, #tpu.memory_space<vmem>>) dst(%dma_wait3A_71 : memref<10240x128xf32, #tpu.memory_space<vmem_shared>>)
        tpu.yield
      }) : () -> ()
      %add3A_45 = arith.constant 2 : i32
      %add3A_46 = arith.addi %mul3A_35, %add3A_45 : i32
      %lt3A = arith.constant 80 : i32
      %lt3A_47 = arith.cmpi slt, %add3A_46, %lt3A : i32
      %convert_element_type3A = arith.extui %lt3A_47 : i1 to i32
      %cond3A = arith.constant 0 : i32
      %cond3A_48 = arith.cmpi ne, %convert_element_type3A, %cond3A : i32
      scf.if %cond3A_48 {
        %add3A_66 = arith.constant 2 : i32
        %add3A_67 = arith.addi %mul3A_35, %add3A_66 : i32
        %mul3A_68 = arith.constant 128 : i32
        %mul3A_69 = arith.muli %add3A_67, %mul3A_68 : i32
        %add3A_70 = arith.addi %mul3A_4, %mul3A_69 : i32
        %dma_start3A_71 = tpu.memref_slice %arg2[%add3A_70] : memref<327680xi32, #tpu.memory_space<hbm>> -> memref<128xi32, #tpu.memory_space<hbm>>
        %dma_start3A_72 = tpu.memref_slice %arg2[%add3A_70] : memref<327680xi32, #tpu.memory_space<hbm>> -> memref<128xi32, #tpu.memory_space<hbm>>
        tpu.enqueue_dma source(%dma_start3A_72 : memref<128xi32, #tpu.memory_space<hbm>>) target(%arg7 : memref<128xi32, #tpu.memory_space<vmem>>) target_semaphore(%arg16 : memref<!tpu.dma_semaphore, #tpu.memory_space<semaphore_mem>>)
        %dma_start3A_73 = tpu.memref_slice %arg3[%add3A_70] : memref<327680xi32, #tpu.memory_space<hbm>> -> memref<128xi32, #tpu.memory_space<hbm>>
        %dma_start3A_74 = tpu.memref_slice %arg3[%add3A_70] : memref<327680xi32, #tpu.memory_space<hbm>> -> memref<128xi32, #tpu.memory_space<hbm>>
        tpu.enqueue_dma source(%dma_start3A_74 : memref<128xi32, #tpu.memory_space<hbm>>) target(%arg8 : memref<128xi32, #tpu.memory_space<vmem>>) target_semaphore(%arg16 : memref<!tpu.dma_semaphore, #tpu.memory_space<semaphore_mem>>)
      } else {
      }
      %dma_wait3A_49 = arith.constant 0 : i32
      %dma_wait3A_50 = arith.constant 0 : i32
      %dma_wait3A_51 = tpu.memref_slice %arg4[%dma_wait3A_49, %dma_wait3A_50] : memref<10000x128xf32, #tpu.memory_space<hbm>> -> memref<10000x128xf32, #tpu.memory_space<hbm>>
      tpu.wait_indirect_dma semaphore(%arg15 : memref<!tpu.dma_semaphore, #tpu.memory_space<semaphore_mem>>) src(%dma_wait3A_51 : memref<10000x128xf32, #tpu.memory_space<hbm>>) dst(%arg12 : memref<128x128xf32, #tpu.memory_space<vmem>>)
      "tpu.region"() ({
        %run_scoped3A = tpu.sem_alloc : memref<!tpu.dma_semaphore, #tpu.memory_space<semaphore_mem>>
        %dma_start3A_66 = arith.constant 0 : i32
        %dma_start3A_67 = arith.constant 0 : i32
        %dma_start3A_68 = tpu.memref_slice %arg13[%dma_start3A_66, %dma_start3A_67] : memref<10240x128xf32, #tpu.memory_space<vmem_shared>> -> memref<10240x128xf32, #tpu.memory_space<vmem_shared>>
        tpu.enqueue_indirect_dma source(%arg12 : memref<128x128xf32, #tpu.memory_space<vmem>>) target(%dma_start3A_68 : memref<10240x128xf32, #tpu.memory_space<vmem_shared>>) offsets(%arg10 : memref<128xi32, #tpu.memory_space<vmem>>) semaphore(%run_scoped3A : memref<!tpu.dma_semaphore, #tpu.memory_space<semaphore_mem>>) {add = true}
        %dma_wait3A_69 = arith.constant 0 : i32
        %dma_wait3A_70 = arith.constant 0 : i32
        %dma_wait3A_71 = tpu.memref_slice %arg13[%dma_wait3A_69, %dma_wait3A_70] : memref<10240x128xf32, #tpu.memory_space<vmem_shared>> -> memref<10240x128xf32, #tpu.memory_space<vmem_shared>>
        tpu.wait_indirect_dma semaphore(%run_scoped3A : memref<!tpu.dma_semaphore, #tpu.memory_space<semaphore_mem>>) src(%arg12 : memref<128x128xf32, #tpu.memory_space<vmem>>) dst(%dma_wait3A_71 : memref<10240x128xf32, #tpu.memory_space<vmem_shared>>)
        tpu.yield
      }) : () -> ()
      %add3A_52 = arith.constant 2 : i32
      %add3A_53 = arith.addi %mul3A_35, %add3A_52 : i32
      %lt3A_54 = arith.constant 80 : i32
      %lt3A_55 = arith.cmpi slt, %add3A_53, %lt3A_54 : i32
      %convert_element_type3A_56 = arith.extui %lt3A_55 : i1 to i32
      %cond3A_57 = arith.constant 0 : i32
      %cond3A_58 = arith.cmpi ne, %convert_element_type3A_56, %cond3A_57 : i32
      scf.if %cond3A_58 {
        %dma_wait3A_66 = tpu.memref_slice %arg2[%mul3A_4] : memref<327680xi32, #tpu.memory_space<hbm>> -> memref<128xi32, #tpu.memory_space<hbm>>
        %dma_wait3A_67 = tpu.memref_slice %arg2[%mul3A_4] : memref<327680xi32, #tpu.memory_space<hbm>> -> memref<128xi32, #tpu.memory_space<hbm>>
        tpu.wait_dma2 semaphore(%arg16 : memref<!tpu.dma_semaphore, #tpu.memory_space<semaphore_mem>>) src(%dma_wait3A_67 : memref<128xi32, #tpu.memory_space<hbm>>) dst(%arg7 : memref<128xi32, #tpu.memory_space<vmem>>)
        %dma_wait3A_68 = tpu.memref_slice %arg3[%mul3A_4] : memref<327680xi32, #tpu.memory_space<hbm>> -> memref<128xi32, #tpu.memory_space<hbm>>
        %dma_wait3A_69 = tpu.memref_slice %arg3[%mul3A_4] : memref<327680xi32, #tpu.memory_space<hbm>> -> memref<128xi32, #tpu.memory_space<hbm>>
        tpu.wait_dma2 semaphore(%arg16 : memref<!tpu.dma_semaphore, #tpu.memory_space<semaphore_mem>>) src(%dma_wait3A_69 : memref<128xi32, #tpu.memory_space<hbm>>) dst(%arg8 : memref<128xi32, #tpu.memory_space<vmem>>)
        %dma_start3A_70 = arith.constant 0 : i32
        %dma_start3A_71 = arith.constant 0 : i32
        %dma_start3A_72 = tpu.memref_slice %arg4[%dma_start3A_70, %dma_start3A_71] : memref<10000x128xf32, #tpu.memory_space<hbm>> -> memref<10000x128xf32, #tpu.memory_space<hbm>>
        tpu.enqueue_indirect_dma source(%dma_start3A_72 : memref<10000x128xf32, #tpu.memory_space<hbm>>) target(%arg11 : memref<128x128xf32, #tpu.memory_space<vmem>>) offsets(%arg7 : memref<128xi32, #tpu.memory_space<vmem>>) semaphore(%arg14 : memref<!tpu.dma_semaphore, #tpu.memory_space<semaphore_mem>>)
      } else {
      }
      %add3A_59 = arith.constant 3 : i32
      %add3A_60 = arith.addi %mul3A_35, %add3A_59 : i32
      %lt3A_61 = arith.constant 80 : i32
      %lt3A_62 = arith.cmpi slt, %add3A_60, %lt3A_61 : i32
      %convert_element_type3A_63 = arith.extui %lt3A_62 : i1 to i32
      %cond3A_64 = arith.constant 0 : i32
      %cond3A_65 = arith.cmpi ne, %convert_element_type3A_63, %cond3A_64 : i32
      scf.if %cond3A_65 {
        %add3A_66 = arith.constant 3 : i32
        %add3A_67 = arith.addi %mul3A_35, %add3A_66 : i32
        %mul3A_68 = arith.constant 128 : i32
        %mul3A_69 = arith.muli %add3A_67, %mul3A_68 : i32
        %add3A_70 = arith.addi %mul3A_4, %mul3A_69 : i32
        %dma_start3A_71 = tpu.memref_slice %arg2[%add3A_70] : memref<327680xi32, #tpu.memory_space<hbm>> -> memref<128xi32, #tpu.memory_space<hbm>>
        %dma_start3A_72 = tpu.memref_slice %arg2[%add3A_70] : memref<327680xi32, #tpu.memory_space<hbm>> -> memref<128xi32, #tpu.memory_space<hbm>>
        tpu.enqueue_dma source(%dma_start3A_72 : memref<128xi32, #tpu.memory_space<hbm>>) target(%arg9 : memref<128xi32, #tpu.memory_space<vmem>>) target_semaphore(%arg17 : memref<!tpu.dma_semaphore, #tpu.memory_space<semaphore_mem>>)
        %dma_start3A_73 = tpu.memref_slice %arg3[%add3A_70] : memref<327680xi32, #tpu.memory_space<hbm>> -> memref<128xi32, #tpu.memory_space<hbm>>
        %dma_start3A_74 = tpu.memref_slice %arg3[%add3A_70] : memref<327680xi32, #tpu.memory_space<hbm>> -> memref<128xi32, #tpu.memory_space<hbm>>
        tpu.enqueue_dma source(%dma_start3A_74 : memref<128xi32, #tpu.memory_space<hbm>>) target(%arg10 : memref<128xi32, #tpu.memory_space<vmem>>) target_semaphore(%arg17 : memref<!tpu.dma_semaphore, #tpu.memory_space<semaphore_mem>>)
      } else {
      }
    }
    %scan3A_25 = arith.constant 40 : i32
    %barrier3A_26 = arith.constant 0 : index
    tpu.barrier barrier_id(%barrier3A_26)
    %scan3A_27 = arith.constant 0 : i32
    %scan3A_28 = arith.constant 0 : i32
    %scan3A_29 = arith.constant 5 : i32
    %scan3A_30 = arith.addi %scan3A_28, %scan3A_29 : i32
    %scan3A_31 = arith.constant 1 : i32
    scf.for %scan3A_33 = %scan3A_28 to %scan3A_30 step %scan3A_31  : i32 {
      %mul3A_34 = arith.constant 640 : i32
      %mul3A_35 = arith.muli %arg1, %mul3A_34 : i32
      %mul3A_36 = arith.constant 128 : i32
      %mul3A_37 = arith.muli %scan3A_33, %mul3A_36 : i32
      %add3A_38 = arith.addi %mul3A_35, %mul3A_37 : i32
      "tpu.region"() ({
        %run_scoped3A = tpu.sem_alloc : memref<!tpu.dma_semaphore, #tpu.memory_space<semaphore_mem>>
        %dma_start3A_39 = arith.constant 0 : i32
        %dma_start3A_40 = tpu.memref_slice %arg13[%add3A_38, %dma_start3A_39] : memref<10240x128xf32, #tpu.memory_space<vmem_shared>> -> memref<128x128xf32, #tpu.memory_space<vmem_shared>>
        %dma_start3A_41 = arith.constant 0 : i32
        %dma_start3A_42 = tpu.memref_slice %arg13[%add3A_38, %dma_start3A_41] : memref<10240x128xf32, #tpu.memory_space<vmem_shared>> -> memref<128x128xf32, #tpu.memory_space<vmem_shared>>
        tpu.enqueue_dma source(%dma_start3A_42 : memref<128x128xf32, #tpu.memory_space<vmem_shared>>) target(%arg11 : memref<128x128xf32, #tpu.memory_space<vmem>>) target_semaphore(%run_scoped3A : memref<!tpu.dma_semaphore, #tpu.memory_space<semaphore_mem>>)
        %dma_wait3A = arith.constant 0 : i32
        %dma_wait3A_43 = tpu.memref_slice %arg13[%add3A_38, %dma_wait3A] : memref<10240x128xf32, #tpu.memory_space<vmem_shared>> -> memref<128x128xf32, #tpu.memory_space<vmem_shared>>
        %dma_wait3A_44 = arith.constant 0 : i32
        %dma_wait3A_45 = tpu.memref_slice %arg13[%add3A_38, %dma_wait3A_44] : memref<10240x128xf32, #tpu.memory_space<vmem_shared>> -> memref<128x128xf32, #tpu.memory_space<vmem_shared>>
        tpu.wait_dma2 semaphore(%run_scoped3A : memref<!tpu.dma_semaphore, #tpu.memory_space<semaphore_mem>>) src(%dma_wait3A_45 : memref<128x128xf32, #tpu.memory_space<vmem_shared>>) dst(%arg11 : memref<128x128xf32, #tpu.memory_space<vmem>>)
        tpu.yield
      }) : () -> ()
      "tpu.region"() ({
        %run_scoped3A = tpu.sem_alloc : memref<!tpu.dma_semaphore, #tpu.memory_space<semaphore_mem>>
        %dma_start3A_39 = arith.constant 0 : i32
        %dma_start3A_40 = tpu.memref_slice %arg6[%arg0, %add3A_38, %dma_start3A_39] : memref<2x10240x128xf32, #tpu.memory_space<hbm>> -> memref<1x128x128xf32, #tpu.memory_space<hbm>>
        %dma_start3A_41 = tpu.memref_squeeze %dma_start3A_40 : memref<1x128x128xf32, #tpu.memory_space<hbm>> -> memref<128x128xf32, #tpu.memory_space<hbm>>
        %dma_start3A_42 = arith.constant 0 : i32
        %dma_start3A_43 = tpu.memref_slice %arg6[%arg0, %add3A_38, %dma_start3A_42] : memref<2x10240x128xf32, #tpu.memory_space<hbm>> -> memref<1x128x128xf32, #tpu.memory_space<hbm>>
        %dma_start3A_44 = tpu.memref_squeeze %dma_start3A_43 : memref<1x128x128xf32, #tpu.memory_space<hbm>> -> memref<128x128xf32, #tpu.memory_space<hbm>>
        tpu.enqueue_dma source(%arg11 : memref<128x128xf32, #tpu.memory_space<vmem>>) target(%dma_start3A_44 : memref<128x128xf32, #tpu.memory_space<hbm>>) target_semaphore(%run_scoped3A : memref<!tpu.dma_semaphore, #tpu.memory_space<semaphore_mem>>)
        %dma_wait3A = arith.constant 0 : i32
        %dma_wait3A_45 = tpu.memref_slice %arg6[%arg0, %add3A_38, %dma_wait3A] : memref<2x10240x128xf32, #tpu.memory_space<hbm>> -> memref<1x128x128xf32, #tpu.memory_space<hbm>>
        %dma_wait3A_46 = tpu.memref_squeeze %dma_wait3A_45 : memref<1x128x128xf32, #tpu.memory_space<hbm>> -> memref<128x128xf32, #tpu.memory_space<hbm>>
        %dma_wait3A_47 = arith.constant 0 : i32
        %dma_wait3A_48 = tpu.memref_slice %arg6[%arg0, %add3A_38, %dma_wait3A_47] : memref<2x10240x128xf32, #tpu.memory_space<hbm>> -> memref<1x128x128xf32, #tpu.memory_space<hbm>>
        %dma_wait3A_49 = tpu.memref_squeeze %dma_wait3A_48 : memref<1x128x128xf32, #tpu.memory_space<hbm>> -> memref<128x128xf32, #tpu.memory_space<hbm>>
        tpu.wait_dma2 semaphore(%run_scoped3A : memref<!tpu.dma_semaphore, #tpu.memory_space<semaphore_mem>>) src(%arg11 : memref<128x128xf32, #tpu.memory_space<vmem>>) dst(%dma_wait3A_49 : memref<128x128xf32, #tpu.memory_space<hbm>>)
        tpu.yield
      }) : () -> ()
    }
    %scan3A_32 = arith.constant 5 : i32
    return
  }
}

#map = affine_map<(d0, d1) -> (0)>
#map1 = affine_map<(d0, d1) -> (0, 0)>
#map2 = affine_map<(d0, d1) -> (0, 0, 0)>
module attributes {stable_mosaic.version = 14 : i64} {
  func.func @_agg_kernel(%arg0: i32, %arg1: i32, %arg2: memref<327680xi32, #tpu.memory_space<hbm>>, %arg3: memref<327680xi32, #tpu.memory_space<hbm>>, %arg4: memref<10000x128xf32, #tpu.memory_space<hbm>>, %arg5: memref<128x128xf32, #tpu.memory_space<hbm>>, %arg6: memref<2x10240x128xf32, #tpu.memory_space<hbm>>, %arg7: memref<128xi32, #tpu.memory_space<vmem>>, %arg8: memref<128xi32, #tpu.memory_space<vmem>>, %arg9: memref<128xi32, #tpu.memory_space<vmem>>, %arg10: memref<128xi32, #tpu.memory_space<vmem>>, %arg11: memref<128x128xf32, #tpu.memory_space<vmem>>, %arg12: memref<128x128xf32, #tpu.memory_space<vmem>>, %arg13: memref<10240x128xf32, #tpu.memory_space<vmem_shared>>, %arg14: memref<!tpu.dma_semaphore, #tpu.memory_space<semaphore_mem>>, %arg15: memref<!tpu.dma_semaphore, #tpu.memory_space<semaphore_mem>>, %arg16: memref<!tpu.dma_semaphore, #tpu.memory_space<semaphore_mem>>, %arg17: memref<!tpu.dma_semaphore, #tpu.memory_space<semaphore_mem>>) attributes {dimension_semantics = [#tpu.dimension_semantics<core_parallel>, #tpu.dimension_semantics<subcore_parallel>], iteration_bounds = array<i64: 2, 16>, scalar_prefetch = 0 : i64, scratch_operands = 11 : i64, tpu.core_type = #tpu.core_type<sc_vector_subcore>, window_params = [{transform_indices = #map}, {transform_indices = #map}, {transform_indices = #map1}, {transform_indices = #map1}, {transform_indices = #map2}]} {
    %mul3A = arith.constant 2 : i32
    %mul3A_0 = arith.muli %arg1, %mul3A : i32
    %add3A = arith.addi %mul3A_0, %arg0 : i32
    %mul3A_1 = arith.constant 80 : i32
    %mul3A_2 = arith.muli %add3A, %mul3A_1 : i32
    %mul3A_3 = arith.constant 128 : i32
    %mul3A_4 = arith.muli %mul3A_2, %mul3A_3 : i32
    "tpu.region"() ({
      %run_scoped3A = tpu.sem_alloc : memref<!tpu.dma_semaphore, #tpu.memory_space<semaphore_mem>>
      tpu.enqueue_dma source(%arg5 : memref<128x128xf32, #tpu.memory_space<hbm>>) target(%arg11 : memref<128x128xf32, #tpu.memory_space<vmem>>) target_semaphore(%run_scoped3A : memref<!tpu.dma_semaphore, #tpu.memory_space<semaphore_mem>>)
      tpu.wait_dma2 semaphore(%run_scoped3A : memref<!tpu.dma_semaphore, #tpu.memory_space<semaphore_mem>>) src(%arg5 : memref<128x128xf32, #tpu.memory_space<hbm>>) dst(%arg11 : memref<128x128xf32, #tpu.memory_space<vmem>>)
      tpu.yield
    }) : () -> ()
    %scan3A = arith.constant 0 : i32
    %scan3A_5 = arith.constant 0 : i32
    %scan3A_6 = arith.constant 5 : i32
    %scan3A_7 = arith.addi %scan3A_5, %scan3A_6 : i32
    %scan3A_8 = arith.constant 1 : i32
    scf.for %scan3A_33 = %scan3A_5 to %scan3A_7 step %scan3A_8  : i32 {
      %mul3A_34 = arith.constant 640 : i32
      %mul3A_35 = arith.muli %arg1, %mul3A_34 : i32
      %mul3A_36 = arith.constant 128 : i32
      %mul3A_37 = arith.muli %scan3A_33, %mul3A_36 : i32
      %add3A_38 = arith.addi %mul3A_35, %mul3A_37 : i32
      "tpu.region"() ({
        %run_scoped3A = tpu.sem_alloc : memref<!tpu.dma_semaphore, #tpu.memory_space<semaphore_mem>>
        %dma_start3A_39 = arith.constant 0 : i32
        %dma_start3A_40 = tpu.memref_slice %arg13[%add3A_38, %dma_start3A_39] : memref<10240x128xf32, #tpu.memory_space<vmem_shared>> -> memref<128x128xf32, #tpu.memory_space<vmem_shared>>
        %dma_start3A_41 = arith.constant 0 : i32
        %dma_start3A_42 = tpu.memref_slice %arg13[%add3A_38, %dma_start3A_41] : memref<10240x128xf32, #tpu.memory_space<vmem_shared>> -> memref<128x128xf32, #tpu.memory_space<vmem_shared>>
        tpu.enqueue_dma source(%arg11 : memref<128x128xf32, #tpu.memory_space<vmem>>) target(%dma_start3A_42 : memref<128x128xf32, #tpu.memory_space<vmem_shared>>) target_semaphore(%run_scoped3A : memref<!tpu.dma_semaphore, #tpu.memory_space<semaphore_mem>>)
        %dma_wait3A = arith.constant 0 : i32
        %dma_wait3A_43 = tpu.memref_slice %arg13[%add3A_38, %dma_wait3A] : memref<10240x128xf32, #tpu.memory_space<vmem_shared>> -> memref<128x128xf32, #tpu.memory_space<vmem_shared>>
        %dma_wait3A_44 = arith.constant 0 : i32
        %dma_wait3A_45 = tpu.memref_slice %arg13[%add3A_38, %dma_wait3A_44] : memref<10240x128xf32, #tpu.memory_space<vmem_shared>> -> memref<128x128xf32, #tpu.memory_space<vmem_shared>>
        tpu.wait_dma2 semaphore(%run_scoped3A : memref<!tpu.dma_semaphore, #tpu.memory_space<semaphore_mem>>) src(%arg11 : memref<128x128xf32, #tpu.memory_space<vmem>>) dst(%dma_wait3A_45 : memref<128x128xf32, #tpu.memory_space<vmem_shared>>)
        tpu.yield
      }) : () -> ()
    }
    %scan3A_9 = arith.constant 5 : i32
    %barrier3A = arith.constant 0 : index
    tpu.barrier barrier_id(%barrier3A)
    "tpu.region"() ({
      %run_scoped3A = tpu.sem_alloc : memref<!tpu.dma_semaphore, #tpu.memory_space<semaphore_mem>>
      %dma_start3A_33 = tpu.memref_slice %arg2[%mul3A_4] : memref<327680xi32, #tpu.memory_space<hbm>> -> memref<128xi32, #tpu.memory_space<hbm>>
      %dma_start3A_34 = tpu.memref_slice %arg2[%mul3A_4] : memref<327680xi32, #tpu.memory_space<hbm>> -> memref<128xi32, #tpu.memory_space<hbm>>
      tpu.enqueue_dma source(%dma_start3A_34 : memref<128xi32, #tpu.memory_space<hbm>>) target(%arg7 : memref<128xi32, #tpu.memory_space<vmem>>) target_semaphore(%run_scoped3A : memref<!tpu.dma_semaphore, #tpu.memory_space<semaphore_mem>>)
      %dma_wait3A = tpu.memref_slice %arg2[%mul3A_4] : memref<327680xi32, #tpu.memory_space<hbm>> -> memref<128xi32, #tpu.memory_space<hbm>>
      %dma_wait3A_35 = tpu.memref_slice %arg2[%mul3A_4] : memref<327680xi32, #tpu.memory_space<hbm>> -> memref<128xi32, #tpu.memory_space<hbm>>
      tpu.wait_dma2 semaphore(%run_scoped3A : memref<!tpu.dma_semaphore, #tpu.memory_space<semaphore_mem>>) src(%dma_wait3A_35 : memref<128xi32, #tpu.memory_space<hbm>>) dst(%arg7 : memref<128xi32, #tpu.memory_space<vmem>>)
      tpu.yield
    }) : () -> ()
    "tpu.region"() ({
      %run_scoped3A = tpu.sem_alloc : memref<!tpu.dma_semaphore, #tpu.memory_space<semaphore_mem>>
      %dma_start3A_33 = tpu.memref_slice %arg3[%mul3A_4] : memref<327680xi32, #tpu.memory_space<hbm>> -> memref<128xi32, #tpu.memory_space<hbm>>
      %dma_start3A_34 = tpu.memref_slice %arg3[%mul3A_4] : memref<327680xi32, #tpu.memory_space<hbm>> -> memref<128xi32, #tpu.memory_space<hbm>>
      tpu.enqueue_dma source(%dma_start3A_34 : memref<128xi32, #tpu.memory_space<hbm>>) target(%arg8 : memref<128xi32, #tpu.memory_space<vmem>>) target_semaphore(%run_scoped3A : memref<!tpu.dma_semaphore, #tpu.memory_space<semaphore_mem>>)
      %dma_wait3A = tpu.memref_slice %arg3[%mul3A_4] : memref<327680xi32, #tpu.memory_space<hbm>> -> memref<128xi32, #tpu.memory_space<hbm>>
      %dma_wait3A_35 = tpu.memref_slice %arg3[%mul3A_4] : memref<327680xi32, #tpu.memory_space<hbm>> -> memref<128xi32, #tpu.memory_space<hbm>>
      tpu.wait_dma2 semaphore(%run_scoped3A : memref<!tpu.dma_semaphore, #tpu.memory_space<semaphore_mem>>) src(%dma_wait3A_35 : memref<128xi32, #tpu.memory_space<hbm>>) dst(%arg8 : memref<128xi32, #tpu.memory_space<vmem>>)
      tpu.yield
    }) : () -> ()
    %dma_start3A = arith.constant 0 : i32
    %dma_start3A_10 = arith.constant 0 : i32
    %dma_start3A_11 = tpu.memref_slice %arg4[%dma_start3A, %dma_start3A_10] : memref<10000x128xf32, #tpu.memory_space<hbm>> -> memref<10000x128xf32, #tpu.memory_space<hbm>>
    tpu.enqueue_indirect_dma source(%dma_start3A_11 : memref<10000x128xf32, #tpu.memory_space<hbm>>) target(%arg11 : memref<128x128xf32, #tpu.memory_space<vmem>>) offsets(%arg7 : memref<128xi32, #tpu.memory_space<vmem>>) semaphore(%arg14 : memref<!tpu.dma_semaphore, #tpu.memory_space<semaphore_mem>>)
    %add3A_12 = arith.constant 128 : i32
    %add3A_13 = arith.addi %mul3A_4, %add3A_12 : i32
    %dma_start3A_14 = tpu.memref_slice %arg2[%add3A_13] : memref<327680xi32, #tpu.memory_space<hbm>> -> memref<128xi32, #tpu.memory_space<hbm>>
    %dma_start3A_15 = tpu.memref_slice %arg2[%add3A_13] : memref<327680xi32, #tpu.memory_space<hbm>> -> memref<128xi32, #tpu.memory_space<hbm>>
    tpu.enqueue_dma source(%dma_start3A_15 : memref<128xi32, #tpu.memory_space<hbm>>) target(%arg9 : memref<128xi32, #tpu.memory_space<vmem>>) target_semaphore(%arg17 : memref<!tpu.dma_semaphore, #tpu.memory_space<semaphore_mem>>)
    %add3A_16 = arith.constant 128 : i32
    %add3A_17 = arith.addi %mul3A_4, %add3A_16 : i32
    %dma_start3A_18 = tpu.memref_slice %arg3[%add3A_17] : memref<327680xi32, #tpu.memory_space<hbm>> -> memref<128xi32, #tpu.memory_space<hbm>>
    %dma_start3A_19 = tpu.memref_slice %arg3[%add3A_17] : memref<327680xi32, #tpu.memory_space<hbm>> -> memref<128xi32, #tpu.memory_space<hbm>>
    tpu.enqueue_dma source(%dma_start3A_19 : memref<128xi32, #tpu.memory_space<hbm>>) target(%arg10 : memref<128xi32, #tpu.memory_space<vmem>>) target_semaphore(%arg17 : memref<!tpu.dma_semaphore, #tpu.memory_space<semaphore_mem>>)
    %scan3A_20 = arith.constant 0 : i32
    %scan3A_21 = arith.constant 0 : i32
    %scan3A_22 = arith.constant 40 : i32
    %scan3A_23 = arith.addi %scan3A_21, %scan3A_22 : i32
    %scan3A_24 = arith.constant 1 : i32
    scf.for %scan3A_33 = %scan3A_21 to %scan3A_23 step %scan3A_24  : i32 {
      %mul3A_34 = arith.constant 2 : i32
      %mul3A_35 = arith.muli %mul3A_34, %scan3A_33 : i32
      %dma_wait3A = tpu.memref_slice %arg2[%mul3A_4] : memref<327680xi32, #tpu.memory_space<hbm>> -> memref<128xi32, #tpu.memory_space<hbm>>
      %dma_wait3A_36 = tpu.memref_slice %arg2[%mul3A_4] : memref<327680xi32, #tpu.memory_space<hbm>> -> memref<128xi32, #tpu.memory_space<hbm>>
      tpu.wait_dma2 semaphore(%arg17 : memref<!tpu.dma_semaphore, #tpu.memory_space<semaphore_mem>>) src(%dma_wait3A_36 : memref<128xi32, #tpu.memory_space<hbm>>) dst(%arg9 : memref<128xi32, #tpu.memory_space<vmem>>)
      %dma_wait3A_37 = tpu.memref_slice %arg3[%mul3A_4] : memref<327680xi32, #tpu.memory_space<hbm>> -> memref<128xi32, #tpu.memory_space<hbm>>
      %dma_wait3A_38 = tpu.memref_slice %arg3[%mul3A_4] : memref<327680xi32, #tpu.memory_space<hbm>> -> memref<128xi32, #tpu.memory_space<hbm>>
      tpu.wait_dma2 semaphore(%arg17 : memref<!tpu.dma_semaphore, #tpu.memory_space<semaphore_mem>>) src(%dma_wait3A_38 : memref<128xi32, #tpu.memory_space<hbm>>) dst(%arg10 : memref<128xi32, #tpu.memory_space<vmem>>)
      %dma_start3A_39 = arith.constant 0 : i32
      %dma_start3A_40 = arith.constant 0 : i32
      %dma_start3A_41 = tpu.memref_slice %arg4[%dma_start3A_39, %dma_start3A_40] : memref<10000x128xf32, #tpu.memory_space<hbm>> -> memref<10000x128xf32, #tpu.memory_space<hbm>>
      tpu.enqueue_indirect_dma source(%dma_start3A_41 : memref<10000x128xf32, #tpu.memory_space<hbm>>) target(%arg12 : memref<128x128xf32, #tpu.memory_space<vmem>>) offsets(%arg9 : memref<128xi32, #tpu.memory_space<vmem>>) semaphore(%arg15 : memref<!tpu.dma_semaphore, #tpu.memory_space<semaphore_mem>>)
      %dma_wait3A_42 = arith.constant 0 : i32
      %dma_wait3A_43 = arith.constant 0 : i32
      %dma_wait3A_44 = tpu.memref_slice %arg4[%dma_wait3A_42, %dma_wait3A_43] : memref<10000x128xf32, #tpu.memory_space<hbm>> -> memref<10000x128xf32, #tpu.memory_space<hbm>>
      tpu.wait_indirect_dma semaphore(%arg14 : memref<!tpu.dma_semaphore, #tpu.memory_space<semaphore_mem>>) src(%dma_wait3A_44 : memref<10000x128xf32, #tpu.memory_space<hbm>>) dst(%arg11 : memref<128x128xf32, #tpu.memory_space<vmem>>)
      "tpu.region"() ({
        %run_scoped3A = tpu.sem_alloc : memref<!tpu.dma_semaphore, #tpu.memory_space<semaphore_mem>>
        %dma_start3A_66 = arith.constant 0 : i32
        %dma_start3A_67 = arith.constant 0 : i32
        %dma_start3A_68 = tpu.memref_slice %arg13[%dma_start3A_66, %dma_start3A_67] : memref<10240x128xf32, #tpu.memory_space<vmem_shared>> -> memref<10240x128xf32, #tpu.memory_space<vmem_shared>>
        tpu.enqueue_indirect_dma source(%arg11 : memref<128x128xf32, #tpu.memory_space<vmem>>) target(%dma_start3A_68 : memref<10240x128xf32, #tpu.memory_space<vmem_shared>>) offsets(%arg8 : memref<128xi32, #tpu.memory_space<vmem>>) semaphore(%run_scoped3A : memref<!tpu.dma_semaphore, #tpu.memory_space<semaphore_mem>>) {add = true}
        %dma_wait3A_69 = arith.constant 0 : i32
        %dma_wait3A_70 = arith.constant 0 : i32
        %dma_wait3A_71 = tpu.memref_slice %arg13[%dma_wait3A_69, %dma_wait3A_70] : memref<10240x128xf32, #tpu.memory_space<vmem_shared>> -> memref<10240x128xf32, #tpu.memory_space<vmem_shared>>
        tpu.wait_indirect_dma semaphore(%run_scoped3A : memref<!tpu.dma_semaphore, #tpu.memory_space<semaphore_mem>>) src(%arg11 : memref<128x128xf32, #tpu.memory_space<vmem>>) dst(%dma_wait3A_71 : memref<10240x128xf32, #tpu.memory_space<vmem_shared>>)
        tpu.yield
      }) : () -> ()
      %add3A_45 = arith.constant 2 : i32
      %add3A_46 = arith.addi %mul3A_35, %add3A_45 : i32
      %lt3A = arith.constant 80 : i32
      %lt3A_47 = arith.cmpi slt, %add3A_46, %lt3A : i32
      %convert_element_type3A = arith.extui %lt3A_47 : i1 to i32
      %cond3A = arith.constant 0 : i32
      %cond3A_48 = arith.cmpi ne, %convert_element_type3A, %cond3A : i32
      scf.if %cond3A_48 {
        %add3A_66 = arith.constant 2 : i32
        %add3A_67 = arith.addi %mul3A_35, %add3A_66 : i32
        %mul3A_68 = arith.constant 128 : i32
        %mul3A_69 = arith.muli %add3A_67, %mul3A_68 : i32
        %add3A_70 = arith.addi %mul3A_4, %mul3A_69 : i32
        %dma_start3A_71 = tpu.memref_slice %arg2[%add3A_70] : memref<327680xi32, #tpu.memory_space<hbm>> -> memref<128xi32, #tpu.memory_space<hbm>>
        %dma_start3A_72 = tpu.memref_slice %arg2[%add3A_70] : memref<327680xi32, #tpu.memory_space<hbm>> -> memref<128xi32, #tpu.memory_space<hbm>>
        tpu.enqueue_dma source(%dma_start3A_72 : memref<128xi32, #tpu.memory_space<hbm>>) target(%arg7 : memref<128xi32, #tpu.memory_space<vmem>>) target_semaphore(%arg16 : memref<!tpu.dma_semaphore, #tpu.memory_space<semaphore_mem>>)
        %dma_start3A_73 = tpu.memref_slice %arg3[%add3A_70] : memref<327680xi32, #tpu.memory_space<hbm>> -> memref<128xi32, #tpu.memory_space<hbm>>
        %dma_start3A_74 = tpu.memref_slice %arg3[%add3A_70] : memref<327680xi32, #tpu.memory_space<hbm>> -> memref<128xi32, #tpu.memory_space<hbm>>
        tpu.enqueue_dma source(%dma_start3A_74 : memref<128xi32, #tpu.memory_space<hbm>>) target(%arg8 : memref<128xi32, #tpu.memory_space<vmem>>) target_semaphore(%arg16 : memref<!tpu.dma_semaphore, #tpu.memory_space<semaphore_mem>>)
      } else {
      }
      %dma_wait3A_49 = arith.constant 0 : i32
      %dma_wait3A_50 = arith.constant 0 : i32
      %dma_wait3A_51 = tpu.memref_slice %arg4[%dma_wait3A_49, %dma_wait3A_50] : memref<10000x128xf32, #tpu.memory_space<hbm>> -> memref<10000x128xf32, #tpu.memory_space<hbm>>
      tpu.wait_indirect_dma semaphore(%arg15 : memref<!tpu.dma_semaphore, #tpu.memory_space<semaphore_mem>>) src(%dma_wait3A_51 : memref<10000x128xf32, #tpu.memory_space<hbm>>) dst(%arg12 : memref<128x128xf32, #tpu.memory_space<vmem>>)
      "tpu.region"() ({
        %run_scoped3A = tpu.sem_alloc : memref<!tpu.dma_semaphore, #tpu.memory_space<semaphore_mem>>
        %dma_start3A_66 = arith.constant 0 : i32
        %dma_start3A_67 = arith.constant 0 : i32
        %dma_start3A_68 = tpu.memref_slice %arg13[%dma_start3A_66, %dma_start3A_67] : memref<10240x128xf32, #tpu.memory_space<vmem_shared>> -> memref<10240x128xf32, #tpu.memory_space<vmem_shared>>
        tpu.enqueue_indirect_dma source(%arg12 : memref<128x128xf32, #tpu.memory_space<vmem>>) target(%dma_start3A_68 : memref<10240x128xf32, #tpu.memory_space<vmem_shared>>) offsets(%arg10 : memref<128xi32, #tpu.memory_space<vmem>>) semaphore(%run_scoped3A : memref<!tpu.dma_semaphore, #tpu.memory_space<semaphore_mem>>) {add = true}
        %dma_wait3A_69 = arith.constant 0 : i32
        %dma_wait3A_70 = arith.constant 0 : i32
        %dma_wait3A_71 = tpu.memref_slice %arg13[%dma_wait3A_69, %dma_wait3A_70] : memref<10240x128xf32, #tpu.memory_space<vmem_shared>> -> memref<10240x128xf32, #tpu.memory_space<vmem_shared>>
        tpu.wait_indirect_dma semaphore(%run_scoped3A : memref<!tpu.dma_semaphore, #tpu.memory_space<semaphore_mem>>) src(%arg12 : memref<128x128xf32, #tpu.memory_space<vmem>>) dst(%dma_wait3A_71 : memref<10240x128xf32, #tpu.memory_space<vmem_shared>>)
        tpu.yield
      }) : () -> ()
      %add3A_52 = arith.constant 2 : i32
      %add3A_53 = arith.addi %mul3A_35, %add3A_52 : i32
      %lt3A_54 = arith.constant 80 : i32
      %lt3A_55 = arith.cmpi slt, %add3A_53, %lt3A_54 : i32
      %convert_element_type3A_56 = arith.extui %lt3A_55 : i1 to i32
      %cond3A_57 = arith.constant 0 : i32
      %cond3A_58 = arith.cmpi ne, %convert_element_type3A_56, %cond3A_57 : i32
      scf.if %cond3A_58 {
        %dma_wait3A_66 = tpu.memref_slice %arg2[%mul3A_4] : memref<327680xi32, #tpu.memory_space<hbm>> -> memref<128xi32, #tpu.memory_space<hbm>>
        %dma_wait3A_67 = tpu.memref_slice %arg2[%mul3A_4] : memref<327680xi32, #tpu.memory_space<hbm>> -> memref<128xi32, #tpu.memory_space<hbm>>
        tpu.wait_dma2 semaphore(%arg16 : memref<!tpu.dma_semaphore, #tpu.memory_space<semaphore_mem>>) src(%dma_wait3A_67 : memref<128xi32, #tpu.memory_space<hbm>>) dst(%arg7 : memref<128xi32, #tpu.memory_space<vmem>>)
        %dma_wait3A_68 = tpu.memref_slice %arg3[%mul3A_4] : memref<327680xi32, #tpu.memory_space<hbm>> -> memref<128xi32, #tpu.memory_space<hbm>>
        %dma_wait3A_69 = tpu.memref_slice %arg3[%mul3A_4] : memref<327680xi32, #tpu.memory_space<hbm>> -> memref<128xi32, #tpu.memory_space<hbm>>
        tpu.wait_dma2 semaphore(%arg16 : memref<!tpu.dma_semaphore, #tpu.memory_space<semaphore_mem>>) src(%dma_wait3A_69 : memref<128xi32, #tpu.memory_space<hbm>>) dst(%arg8 : memref<128xi32, #tpu.memory_space<vmem>>)
        %dma_start3A_70 = arith.constant 0 : i32
        %dma_start3A_71 = arith.constant 0 : i32
        %dma_start3A_72 = tpu.memref_slice %arg4[%dma_start3A_70, %dma_start3A_71] : memref<10000x128xf32, #tpu.memory_space<hbm>> -> memref<10000x128xf32, #tpu.memory_space<hbm>>
        tpu.enqueue_indirect_dma source(%dma_start3A_72 : memref<10000x128xf32, #tpu.memory_space<hbm>>) target(%arg11 : memref<128x128xf32, #tpu.memory_space<vmem>>) offsets(%arg7 : memref<128xi32, #tpu.memory_space<vmem>>) semaphore(%arg14 : memref<!tpu.dma_semaphore, #tpu.memory_space<semaphore_mem>>)
      } else {
      }
      %add3A_59 = arith.constant 3 : i32
      %add3A_60 = arith.addi %mul3A_35, %add3A_59 : i32
      %lt3A_61 = arith.constant 80 : i32
      %lt3A_62 = arith.cmpi slt, %add3A_60, %lt3A_61 : i32
      %convert_element_type3A_63 = arith.extui %lt3A_62 : i1 to i32
      %cond3A_64 = arith.constant 0 : i32
      %cond3A_65 = arith.cmpi ne, %convert_element_type3A_63, %cond3A_64 : i32
      scf.if %cond3A_65 {
        %add3A_66 = arith.constant 3 : i32
        %add3A_67 = arith.addi %mul3A_35, %add3A_66 : i32
        %mul3A_68 = arith.constant 128 : i32
        %mul3A_69 = arith.muli %add3A_67, %mul3A_68 : i32
        %add3A_70 = arith.addi %mul3A_4, %mul3A_69 : i32
        %dma_start3A_71 = tpu.memref_slice %arg2[%add3A_70] : memref<327680xi32, #tpu.memory_space<hbm>> -> memref<128xi32, #tpu.memory_space<hbm>>
        %dma_start3A_72 = tpu.memref_slice %arg2[%add3A_70] : memref<327680xi32, #tpu.memory_space<hbm>> -> memref<128xi32, #tpu.memory_space<hbm>>
        tpu.enqueue_dma source(%dma_start3A_72 : memref<128xi32, #tpu.memory_space<hbm>>) target(%arg9 : memref<128xi32, #tpu.memory_space<vmem>>) target_semaphore(%arg17 : memref<!tpu.dma_semaphore, #tpu.memory_space<semaphore_mem>>)
        %dma_start3A_73 = tpu.memref_slice %arg3[%add3A_70] : memref<327680xi32, #tpu.memory_space<hbm>> -> memref<128xi32, #tpu.memory_space<hbm>>
        %dma_start3A_74 = tpu.memref_slice %arg3[%add3A_70] : memref<327680xi32, #tpu.memory_space<hbm>> -> memref<128xi32, #tpu.memory_space<hbm>>
        tpu.enqueue_dma source(%dma_start3A_74 : memref<128xi32, #tpu.memory_space<hbm>>) target(%arg10 : memref<128xi32, #tpu.memory_space<vmem>>) target_semaphore(%arg17 : memref<!tpu.dma_semaphore, #tpu.memory_space<semaphore_mem>>)
      } else {
      }
    }
    %scan3A_25 = arith.constant 40 : i32
    %barrier3A_26 = arith.constant 0 : index
    tpu.barrier barrier_id(%barrier3A_26)
    %scan3A_27 = arith.constant 0 : i32
    %scan3A_28 = arith.constant 0 : i32
    %scan3A_29 = arith.constant 5 : i32
    %scan3A_30 = arith.addi %scan3A_28, %scan3A_29 : i32
    %scan3A_31 = arith.constant 1 : i32
    scf.for %scan3A_33 = %scan3A_28 to %scan3A_30 step %scan3A_31  : i32 {
      %mul3A_34 = arith.constant 640 : i32
      %mul3A_35 = arith.muli %arg1, %mul3A_34 : i32
      %mul3A_36 = arith.constant 128 : i32
      %mul3A_37 = arith.muli %scan3A_33, %mul3A_36 : i32
      %add3A_38 = arith.addi %mul3A_35, %mul3A_37 : i32
      "tpu.region"() ({
        %run_scoped3A = tpu.sem_alloc : memref<!tpu.dma_semaphore, #tpu.memory_space<semaphore_mem>>
        %dma_start3A_39 = arith.constant 0 : i32
        %dma_start3A_40 = tpu.memref_slice %arg13[%add3A_38, %dma_start3A_39] : memref<10240x128xf32, #tpu.memory_space<vmem_shared>> -> memref<128x128xf32, #tpu.memory_space<vmem_shared>>
        %dma_start3A_41 = arith.constant 0 : i32
        %dma_start3A_42 = tpu.memref_slice %arg13[%add3A_38, %dma_start3A_41] : memref<10240x128xf32, #tpu.memory_space<vmem_shared>> -> memref<128x128xf32, #tpu.memory_space<vmem_shared>>
        tpu.enqueue_dma source(%dma_start3A_42 : memref<128x128xf32, #tpu.memory_space<vmem_shared>>) target(%arg11 : memref<128x128xf32, #tpu.memory_space<vmem>>) target_semaphore(%run_scoped3A : memref<!tpu.dma_semaphore, #tpu.memory_space<semaphore_mem>>)
        %dma_wait3A = arith.constant 0 : i32
        %dma_wait3A_43 = tpu.memref_slice %arg13[%add3A_38, %dma_wait3A] : memref<10240x128xf32, #tpu.memory_space<vmem_shared>> -> memref<128x128xf32, #tpu.memory_space<vmem_shared>>
        %dma_wait3A_44 = arith.constant 0 : i32
        %dma_wait3A_45 = tpu.memref_slice %arg13[%add3A_38, %dma_wait3A_44] : memref<10240x128xf32, #tpu.memory_space<vmem_shared>> -> memref<128x128xf32, #tpu.memory_space<vmem_shared>>
        tpu.wait_dma2 semaphore(%run_scoped3A : memref<!tpu.dma_semaphore, #tpu.memory_space<semaphore_mem>>) src(%dma_wait3A_45 : memref<128x128xf32, #tpu.memory_space<vmem_shared>>) dst(%arg11 : memref<128x128xf32, #tpu.memory_space<vmem>>)
        tpu.yield
      }) : () -> ()
      "tpu.region"() ({
        %run_scoped3A = tpu.sem_alloc : memref<!tpu.dma_semaphore, #tpu.memory_space<semaphore_mem>>
        %dma_start3A_39 = arith.constant 0 : i32
        %dma_start3A_40 = tpu.memref_slice %arg6[%arg0, %add3A_38, %dma_start3A_39] : memref<2x10240x128xf32, #tpu.memory_space<hbm>> -> memref<1x128x128xf32, #tpu.memory_space<hbm>>
        %dma_start3A_41 = tpu.memref_squeeze %dma_start3A_40 : memref<1x128x128xf32, #tpu.memory_space<hbm>> -> memref<128x128xf32, #tpu.memory_space<hbm>>
        %dma_start3A_42 = arith.constant 0 : i32
        %dma_start3A_43 = tpu.memref_slice %arg6[%arg0, %add3A_38, %dma_start3A_42] : memref<2x10240x128xf32, #tpu.memory_space<hbm>> -> memref<1x128x128xf32, #tpu.memory_space<hbm>>
        %dma_start3A_44 = tpu.memref_squeeze %dma_start3A_43 : memref<1x128x128xf32, #tpu.memory_space<hbm>> -> memref<128x128xf32, #tpu.memory_space<hbm>>
        tpu.enqueue_dma source(%arg11 : memref<128x128xf32, #tpu.memory_space<vmem>>) target(%dma_start3A_44 : memref<128x128xf32, #tpu.memory_space<hbm>>) target_semaphore(%run_scoped3A : memref<!tpu.dma_semaphore, #tpu.memory_space<semaphore_mem>>)
        %dma_wait3A = arith.constant 0 : i32
        %dma_wait3A_45 = tpu.memref_slice %arg6[%arg0, %add3A_38, %dma_wait3A] : memref<2x10240x128xf32, #tpu.memory_space<hbm>> -> memref<1x128x128xf32, #tpu.memory_space<hbm>>
        %dma_wait3A_46 = tpu.memref_squeeze %dma_wait3A_45 : memref<1x128x128xf32, #tpu.memory_space<hbm>> -> memref<128x128xf32, #tpu.memory_space<hbm>>
        %dma_wait3A_47 = arith.constant 0 : i32
        %dma_wait3A_48 = tpu.memref_slice %arg6[%arg0, %add3A_38, %dma_wait3A_47] : memref<2x10240x128xf32, #tpu.memory_space<hbm>> -> memref<1x128x128xf32, #tpu.memory_space<hbm>>
        %dma_wait3A_49 = tpu.memref_squeeze %dma_wait3A_48 : memref<1x128x128xf32, #tpu.memory_space<hbm>> -> memref<128x128xf32, #tpu.memory_space<hbm>>
        tpu.wait_dma2 semaphore(%run_scoped3A : memref<!tpu.dma_semaphore, #tpu.memory_space<semaphore_mem>>) src(%arg11 : memref<128x128xf32, #tpu.memory_space<vmem>>) dst(%dma_wait3A_49 : memref<128x128xf32, #tpu.memory_space<hbm>>)
        tpu.yield
      }) : () -> ()
    }
    %scan3A_32 = arith.constant 5 : i32
    return
  }
}

#map = affine_map<(d0, d1) -> (0)>
#map1 = affine_map<(d0, d1) -> (0, 0)>
#map2 = affine_map<(d0, d1) -> (0, 0, 0)>
module attributes {stable_mosaic.version = 14 : i64} {
  func.func @_agg_kernel(%arg0: i32, %arg1: i32, %arg2: memref<327680xi32, #tpu.memory_space<hbm>>, %arg3: memref<327680xi32, #tpu.memory_space<hbm>>, %arg4: memref<10000x128xf32, #tpu.memory_space<hbm>>, %arg5: memref<128x128xf32, #tpu.memory_space<hbm>>, %arg6: memref<2x10240x128xf32, #tpu.memory_space<hbm>>, %arg7: memref<128xi32, #tpu.memory_space<vmem>>, %arg8: memref<128xi32, #tpu.memory_space<vmem>>, %arg9: memref<128xi32, #tpu.memory_space<vmem>>, %arg10: memref<128xi32, #tpu.memory_space<vmem>>, %arg11: memref<128x128xf32, #tpu.memory_space<vmem>>, %arg12: memref<128x128xf32, #tpu.memory_space<vmem>>, %arg13: memref<10240x128xf32, #tpu.memory_space<vmem_shared>>, %arg14: memref<!tpu.dma_semaphore, #tpu.memory_space<semaphore_mem>>, %arg15: memref<!tpu.dma_semaphore, #tpu.memory_space<semaphore_mem>>, %arg16: memref<!tpu.dma_semaphore, #tpu.memory_space<semaphore_mem>>, %arg17: memref<!tpu.dma_semaphore, #tpu.memory_space<semaphore_mem>>) attributes {dimension_semantics = [#tpu.dimension_semantics<core_parallel>, #tpu.dimension_semantics<subcore_parallel>], iteration_bounds = array<i64: 2, 16>, scalar_prefetch = 0 : i64, scratch_operands = 11 : i64, tpu.core_type = #tpu.core_type<sc_vector_subcore>, window_params = [{transform_indices = #map}, {transform_indices = #map}, {transform_indices = #map1}, {transform_indices = #map1}, {transform_indices = #map2}]} {
    %mul3A = arith.constant 2 : i32
    %mul3A_0 = arith.muli %arg1, %mul3A : i32
    %add3A = arith.addi %mul3A_0, %arg0 : i32
    %mul3A_1 = arith.constant 80 : i32
    %mul3A_2 = arith.muli %add3A, %mul3A_1 : i32
    %mul3A_3 = arith.constant 128 : i32
    %mul3A_4 = arith.muli %mul3A_2, %mul3A_3 : i32
    "tpu.region"() ({
      %run_scoped3A = tpu.sem_alloc : memref<!tpu.dma_semaphore, #tpu.memory_space<semaphore_mem>>
      tpu.enqueue_dma source(%arg5 : memref<128x128xf32, #tpu.memory_space<hbm>>) target(%arg11 : memref<128x128xf32, #tpu.memory_space<vmem>>) target_semaphore(%run_scoped3A : memref<!tpu.dma_semaphore, #tpu.memory_space<semaphore_mem>>)
      tpu.wait_dma2 semaphore(%run_scoped3A : memref<!tpu.dma_semaphore, #tpu.memory_space<semaphore_mem>>) src(%arg5 : memref<128x128xf32, #tpu.memory_space<hbm>>) dst(%arg11 : memref<128x128xf32, #tpu.memory_space<vmem>>)
      tpu.yield
    }) : () -> ()
    %scan3A = arith.constant 0 : i32
    %scan3A_5 = arith.constant 0 : i32
    %scan3A_6 = arith.constant 5 : i32
    %scan3A_7 = arith.addi %scan3A_5, %scan3A_6 : i32
    %scan3A_8 = arith.constant 1 : i32
    scf.for %scan3A_33 = %scan3A_5 to %scan3A_7 step %scan3A_8  : i32 {
      %mul3A_34 = arith.constant 640 : i32
      %mul3A_35 = arith.muli %arg1, %mul3A_34 : i32
      %mul3A_36 = arith.constant 128 : i32
      %mul3A_37 = arith.muli %scan3A_33, %mul3A_36 : i32
      %add3A_38 = arith.addi %mul3A_35, %mul3A_37 : i32
      "tpu.region"() ({
        %run_scoped3A = tpu.sem_alloc : memref<!tpu.dma_semaphore, #tpu.memory_space<semaphore_mem>>
        %dma_start3A_39 = arith.constant 0 : i32
        %dma_start3A_40 = tpu.memref_slice %arg13[%add3A_38, %dma_start3A_39] : memref<10240x128xf32, #tpu.memory_space<vmem_shared>> -> memref<128x128xf32, #tpu.memory_space<vmem_shared>>
        %dma_start3A_41 = arith.constant 0 : i32
        %dma_start3A_42 = tpu.memref_slice %arg13[%add3A_38, %dma_start3A_41] : memref<10240x128xf32, #tpu.memory_space<vmem_shared>> -> memref<128x128xf32, #tpu.memory_space<vmem_shared>>
        tpu.enqueue_dma source(%arg11 : memref<128x128xf32, #tpu.memory_space<vmem>>) target(%dma_start3A_42 : memref<128x128xf32, #tpu.memory_space<vmem_shared>>) target_semaphore(%run_scoped3A : memref<!tpu.dma_semaphore, #tpu.memory_space<semaphore_mem>>)
        %dma_wait3A = arith.constant 0 : i32
        %dma_wait3A_43 = tpu.memref_slice %arg13[%add3A_38, %dma_wait3A] : memref<10240x128xf32, #tpu.memory_space<vmem_shared>> -> memref<128x128xf32, #tpu.memory_space<vmem_shared>>
        %dma_wait3A_44 = arith.constant 0 : i32
        %dma_wait3A_45 = tpu.memref_slice %arg13[%add3A_38, %dma_wait3A_44] : memref<10240x128xf32, #tpu.memory_space<vmem_shared>> -> memref<128x128xf32, #tpu.memory_space<vmem_shared>>
        tpu.wait_dma2 semaphore(%run_scoped3A : memref<!tpu.dma_semaphore, #tpu.memory_space<semaphore_mem>>) src(%arg11 : memref<128x128xf32, #tpu.memory_space<vmem>>) dst(%dma_wait3A_45 : memref<128x128xf32, #tpu.memory_space<vmem_shared>>)
        tpu.yield
      }) : () -> ()
    }
    %scan3A_9 = arith.constant 5 : i32
    %barrier3A = arith.constant 0 : index
    tpu.barrier barrier_id(%barrier3A)
    "tpu.region"() ({
      %run_scoped3A = tpu.sem_alloc : memref<!tpu.dma_semaphore, #tpu.memory_space<semaphore_mem>>
      %dma_start3A_33 = tpu.memref_slice %arg2[%mul3A_4] : memref<327680xi32, #tpu.memory_space<hbm>> -> memref<128xi32, #tpu.memory_space<hbm>>
      %dma_start3A_34 = tpu.memref_slice %arg2[%mul3A_4] : memref<327680xi32, #tpu.memory_space<hbm>> -> memref<128xi32, #tpu.memory_space<hbm>>
      tpu.enqueue_dma source(%dma_start3A_34 : memref<128xi32, #tpu.memory_space<hbm>>) target(%arg7 : memref<128xi32, #tpu.memory_space<vmem>>) target_semaphore(%run_scoped3A : memref<!tpu.dma_semaphore, #tpu.memory_space<semaphore_mem>>)
      %dma_wait3A = tpu.memref_slice %arg2[%mul3A_4] : memref<327680xi32, #tpu.memory_space<hbm>> -> memref<128xi32, #tpu.memory_space<hbm>>
      %dma_wait3A_35 = tpu.memref_slice %arg2[%mul3A_4] : memref<327680xi32, #tpu.memory_space<hbm>> -> memref<128xi32, #tpu.memory_space<hbm>>
      tpu.wait_dma2 semaphore(%run_scoped3A : memref<!tpu.dma_semaphore, #tpu.memory_space<semaphore_mem>>) src(%dma_wait3A_35 : memref<128xi32, #tpu.memory_space<hbm>>) dst(%arg7 : memref<128xi32, #tpu.memory_space<vmem>>)
      tpu.yield
    }) : () -> ()
    "tpu.region"() ({
      %run_scoped3A = tpu.sem_alloc : memref<!tpu.dma_semaphore, #tpu.memory_space<semaphore_mem>>
      %dma_start3A_33 = tpu.memref_slice %arg3[%mul3A_4] : memref<327680xi32, #tpu.memory_space<hbm>> -> memref<128xi32, #tpu.memory_space<hbm>>
      %dma_start3A_34 = tpu.memref_slice %arg3[%mul3A_4] : memref<327680xi32, #tpu.memory_space<hbm>> -> memref<128xi32, #tpu.memory_space<hbm>>
      tpu.enqueue_dma source(%dma_start3A_34 : memref<128xi32, #tpu.memory_space<hbm>>) target(%arg8 : memref<128xi32, #tpu.memory_space<vmem>>) target_semaphore(%run_scoped3A : memref<!tpu.dma_semaphore, #tpu.memory_space<semaphore_mem>>)
      %dma_wait3A = tpu.memref_slice %arg3[%mul3A_4] : memref<327680xi32, #tpu.memory_space<hbm>> -> memref<128xi32, #tpu.memory_space<hbm>>
      %dma_wait3A_35 = tpu.memref_slice %arg3[%mul3A_4] : memref<327680xi32, #tpu.memory_space<hbm>> -> memref<128xi32, #tpu.memory_space<hbm>>
      tpu.wait_dma2 semaphore(%run_scoped3A : memref<!tpu.dma_semaphore, #tpu.memory_space<semaphore_mem>>) src(%dma_wait3A_35 : memref<128xi32, #tpu.memory_space<hbm>>) dst(%arg8 : memref<128xi32, #tpu.memory_space<vmem>>)
      tpu.yield
    }) : () -> ()
    %dma_start3A = arith.constant 0 : i32
    %dma_start3A_10 = arith.constant 0 : i32
    %dma_start3A_11 = tpu.memref_slice %arg4[%dma_start3A, %dma_start3A_10] : memref<10000x128xf32, #tpu.memory_space<hbm>> -> memref<10000x128xf32, #tpu.memory_space<hbm>>
    tpu.enqueue_indirect_dma source(%dma_start3A_11 : memref<10000x128xf32, #tpu.memory_space<hbm>>) target(%arg11 : memref<128x128xf32, #tpu.memory_space<vmem>>) offsets(%arg7 : memref<128xi32, #tpu.memory_space<vmem>>) semaphore(%arg14 : memref<!tpu.dma_semaphore, #tpu.memory_space<semaphore_mem>>)
    %add3A_12 = arith.constant 128 : i32
    %add3A_13 = arith.addi %mul3A_4, %add3A_12 : i32
    %dma_start3A_14 = tpu.memref_slice %arg2[%add3A_13] : memref<327680xi32, #tpu.memory_space<hbm>> -> memref<128xi32, #tpu.memory_space<hbm>>
    %dma_start3A_15 = tpu.memref_slice %arg2[%add3A_13] : memref<327680xi32, #tpu.memory_space<hbm>> -> memref<128xi32, #tpu.memory_space<hbm>>
    tpu.enqueue_dma source(%dma_start3A_15 : memref<128xi32, #tpu.memory_space<hbm>>) target(%arg9 : memref<128xi32, #tpu.memory_space<vmem>>) target_semaphore(%arg17 : memref<!tpu.dma_semaphore, #tpu.memory_space<semaphore_mem>>)
    %add3A_16 = arith.constant 128 : i32
    %add3A_17 = arith.addi %mul3A_4, %add3A_16 : i32
    %dma_start3A_18 = tpu.memref_slice %arg3[%add3A_17] : memref<327680xi32, #tpu.memory_space<hbm>> -> memref<128xi32, #tpu.memory_space<hbm>>
    %dma_start3A_19 = tpu.memref_slice %arg3[%add3A_17] : memref<327680xi32, #tpu.memory_space<hbm>> -> memref<128xi32, #tpu.memory_space<hbm>>
    tpu.enqueue_dma source(%dma_start3A_19 : memref<128xi32, #tpu.memory_space<hbm>>) target(%arg10 : memref<128xi32, #tpu.memory_space<vmem>>) target_semaphore(%arg17 : memref<!tpu.dma_semaphore, #tpu.memory_space<semaphore_mem>>)
    %scan3A_20 = arith.constant 0 : i32
    %scan3A_21 = arith.constant 0 : i32
    %scan3A_22 = arith.constant 40 : i32
    %scan3A_23 = arith.addi %scan3A_21, %scan3A_22 : i32
    %scan3A_24 = arith.constant 1 : i32
    scf.for %scan3A_33 = %scan3A_21 to %scan3A_23 step %scan3A_24  : i32 {
      %mul3A_34 = arith.constant 2 : i32
      %mul3A_35 = arith.muli %mul3A_34, %scan3A_33 : i32
      %dma_wait3A = tpu.memref_slice %arg2[%mul3A_4] : memref<327680xi32, #tpu.memory_space<hbm>> -> memref<128xi32, #tpu.memory_space<hbm>>
      %dma_wait3A_36 = tpu.memref_slice %arg2[%mul3A_4] : memref<327680xi32, #tpu.memory_space<hbm>> -> memref<128xi32, #tpu.memory_space<hbm>>
      tpu.wait_dma2 semaphore(%arg17 : memref<!tpu.dma_semaphore, #tpu.memory_space<semaphore_mem>>) src(%dma_wait3A_36 : memref<128xi32, #tpu.memory_space<hbm>>) dst(%arg9 : memref<128xi32, #tpu.memory_space<vmem>>)
      %dma_wait3A_37 = tpu.memref_slice %arg3[%mul3A_4] : memref<327680xi32, #tpu.memory_space<hbm>> -> memref<128xi32, #tpu.memory_space<hbm>>
      %dma_wait3A_38 = tpu.memref_slice %arg3[%mul3A_4] : memref<327680xi32, #tpu.memory_space<hbm>> -> memref<128xi32, #tpu.memory_space<hbm>>
      tpu.wait_dma2 semaphore(%arg17 : memref<!tpu.dma_semaphore, #tpu.memory_space<semaphore_mem>>) src(%dma_wait3A_38 : memref<128xi32, #tpu.memory_space<hbm>>) dst(%arg10 : memref<128xi32, #tpu.memory_space<vmem>>)
      %dma_start3A_39 = arith.constant 0 : i32
      %dma_start3A_40 = arith.constant 0 : i32
      %dma_start3A_41 = tpu.memref_slice %arg4[%dma_start3A_39, %dma_start3A_40] : memref<10000x128xf32, #tpu.memory_space<hbm>> -> memref<10000x128xf32, #tpu.memory_space<hbm>>
      tpu.enqueue_indirect_dma source(%dma_start3A_41 : memref<10000x128xf32, #tpu.memory_space<hbm>>) target(%arg12 : memref<128x128xf32, #tpu.memory_space<vmem>>) offsets(%arg9 : memref<128xi32, #tpu.memory_space<vmem>>) semaphore(%arg15 : memref<!tpu.dma_semaphore, #tpu.memory_space<semaphore_mem>>)
      %dma_wait3A_42 = arith.constant 0 : i32
      %dma_wait3A_43 = arith.constant 0 : i32
      %dma_wait3A_44 = tpu.memref_slice %arg4[%dma_wait3A_42, %dma_wait3A_43] : memref<10000x128xf32, #tpu.memory_space<hbm>> -> memref<10000x128xf32, #tpu.memory_space<hbm>>
      tpu.wait_indirect_dma semaphore(%arg14 : memref<!tpu.dma_semaphore, #tpu.memory_space<semaphore_mem>>) src(%dma_wait3A_44 : memref<10000x128xf32, #tpu.memory_space<hbm>>) dst(%arg11 : memref<128x128xf32, #tpu.memory_space<vmem>>)
      "tpu.region"() ({
        %run_scoped3A = tpu.sem_alloc : memref<!tpu.dma_semaphore, #tpu.memory_space<semaphore_mem>>
        %dma_start3A_66 = arith.constant 0 : i32
        %dma_start3A_67 = arith.constant 0 : i32
        %dma_start3A_68 = tpu.memref_slice %arg13[%dma_start3A_66, %dma_start3A_67] : memref<10240x128xf32, #tpu.memory_space<vmem_shared>> -> memref<10240x128xf32, #tpu.memory_space<vmem_shared>>
        tpu.enqueue_indirect_dma source(%arg11 : memref<128x128xf32, #tpu.memory_space<vmem>>) target(%dma_start3A_68 : memref<10240x128xf32, #tpu.memory_space<vmem_shared>>) offsets(%arg8 : memref<128xi32, #tpu.memory_space<vmem>>) semaphore(%run_scoped3A : memref<!tpu.dma_semaphore, #tpu.memory_space<semaphore_mem>>) {add = true}
        %dma_wait3A_69 = arith.constant 0 : i32
        %dma_wait3A_70 = arith.constant 0 : i32
        %dma_wait3A_71 = tpu.memref_slice %arg13[%dma_wait3A_69, %dma_wait3A_70] : memref<10240x128xf32, #tpu.memory_space<vmem_shared>> -> memref<10240x128xf32, #tpu.memory_space<vmem_shared>>
        tpu.wait_indirect_dma semaphore(%run_scoped3A : memref<!tpu.dma_semaphore, #tpu.memory_space<semaphore_mem>>) src(%arg11 : memref<128x128xf32, #tpu.memory_space<vmem>>) dst(%dma_wait3A_71 : memref<10240x128xf32, #tpu.memory_space<vmem_shared>>)
        tpu.yield
      }) : () -> ()
      %add3A_45 = arith.constant 2 : i32
      %add3A_46 = arith.addi %mul3A_35, %add3A_45 : i32
      %lt3A = arith.constant 80 : i32
      %lt3A_47 = arith.cmpi slt, %add3A_46, %lt3A : i32
      %convert_element_type3A = arith.extui %lt3A_47 : i1 to i32
      %cond3A = arith.constant 0 : i32
      %cond3A_48 = arith.cmpi ne, %convert_element_type3A, %cond3A : i32
      scf.if %cond3A_48 {
        %add3A_66 = arith.constant 2 : i32
        %add3A_67 = arith.addi %mul3A_35, %add3A_66 : i32
        %mul3A_68 = arith.constant 128 : i32
        %mul3A_69 = arith.muli %add3A_67, %mul3A_68 : i32
        %add3A_70 = arith.addi %mul3A_4, %mul3A_69 : i32
        %dma_start3A_71 = tpu.memref_slice %arg2[%add3A_70] : memref<327680xi32, #tpu.memory_space<hbm>> -> memref<128xi32, #tpu.memory_space<hbm>>
        %dma_start3A_72 = tpu.memref_slice %arg2[%add3A_70] : memref<327680xi32, #tpu.memory_space<hbm>> -> memref<128xi32, #tpu.memory_space<hbm>>
        tpu.enqueue_dma source(%dma_start3A_72 : memref<128xi32, #tpu.memory_space<hbm>>) target(%arg7 : memref<128xi32, #tpu.memory_space<vmem>>) target_semaphore(%arg16 : memref<!tpu.dma_semaphore, #tpu.memory_space<semaphore_mem>>)
        %dma_start3A_73 = tpu.memref_slice %arg3[%add3A_70] : memref<327680xi32, #tpu.memory_space<hbm>> -> memref<128xi32, #tpu.memory_space<hbm>>
        %dma_start3A_74 = tpu.memref_slice %arg3[%add3A_70] : memref<327680xi32, #tpu.memory_space<hbm>> -> memref<128xi32, #tpu.memory_space<hbm>>
        tpu.enqueue_dma source(%dma_start3A_74 : memref<128xi32, #tpu.memory_space<hbm>>) target(%arg8 : memref<128xi32, #tpu.memory_space<vmem>>) target_semaphore(%arg16 : memref<!tpu.dma_semaphore, #tpu.memory_space<semaphore_mem>>)
      } else {
      }
      %dma_wait3A_49 = arith.constant 0 : i32
      %dma_wait3A_50 = arith.constant 0 : i32
      %dma_wait3A_51 = tpu.memref_slice %arg4[%dma_wait3A_49, %dma_wait3A_50] : memref<10000x128xf32, #tpu.memory_space<hbm>> -> memref<10000x128xf32, #tpu.memory_space<hbm>>
      tpu.wait_indirect_dma semaphore(%arg15 : memref<!tpu.dma_semaphore, #tpu.memory_space<semaphore_mem>>) src(%dma_wait3A_51 : memref<10000x128xf32, #tpu.memory_space<hbm>>) dst(%arg12 : memref<128x128xf32, #tpu.memory_space<vmem>>)
      "tpu.region"() ({
        %run_scoped3A = tpu.sem_alloc : memref<!tpu.dma_semaphore, #tpu.memory_space<semaphore_mem>>
        %dma_start3A_66 = arith.constant 0 : i32
        %dma_start3A_67 = arith.constant 0 : i32
        %dma_start3A_68 = tpu.memref_slice %arg13[%dma_start3A_66, %dma_start3A_67] : memref<10240x128xf32, #tpu.memory_space<vmem_shared>> -> memref<10240x128xf32, #tpu.memory_space<vmem_shared>>
        tpu.enqueue_indirect_dma source(%arg12 : memref<128x128xf32, #tpu.memory_space<vmem>>) target(%dma_start3A_68 : memref<10240x128xf32, #tpu.memory_space<vmem_shared>>) offsets(%arg10 : memref<128xi32, #tpu.memory_space<vmem>>) semaphore(%run_scoped3A : memref<!tpu.dma_semaphore, #tpu.memory_space<semaphore_mem>>) {add = true}
        %dma_wait3A_69 = arith.constant 0 : i32
        %dma_wait3A_70 = arith.constant 0 : i32
        %dma_wait3A_71 = tpu.memref_slice %arg13[%dma_wait3A_69, %dma_wait3A_70] : memref<10240x128xf32, #tpu.memory_space<vmem_shared>> -> memref<10240x128xf32, #tpu.memory_space<vmem_shared>>
        tpu.wait_indirect_dma semaphore(%run_scoped3A : memref<!tpu.dma_semaphore, #tpu.memory_space<semaphore_mem>>) src(%arg12 : memref<128x128xf32, #tpu.memory_space<vmem>>) dst(%dma_wait3A_71 : memref<10240x128xf32, #tpu.memory_space<vmem_shared>>)
        tpu.yield
      }) : () -> ()
      %add3A_52 = arith.constant 2 : i32
      %add3A_53 = arith.addi %mul3A_35, %add3A_52 : i32
      %lt3A_54 = arith.constant 80 : i32
      %lt3A_55 = arith.cmpi slt, %add3A_53, %lt3A_54 : i32
      %convert_element_type3A_56 = arith.extui %lt3A_55 : i1 to i32
      %cond3A_57 = arith.constant 0 : i32
      %cond3A_58 = arith.cmpi ne, %convert_element_type3A_56, %cond3A_57 : i32
      scf.if %cond3A_58 {
        %dma_wait3A_66 = tpu.memref_slice %arg2[%mul3A_4] : memref<327680xi32, #tpu.memory_space<hbm>> -> memref<128xi32, #tpu.memory_space<hbm>>
        %dma_wait3A_67 = tpu.memref_slice %arg2[%mul3A_4] : memref<327680xi32, #tpu.memory_space<hbm>> -> memref<128xi32, #tpu.memory_space<hbm>>
        tpu.wait_dma2 semaphore(%arg16 : memref<!tpu.dma_semaphore, #tpu.memory_space<semaphore_mem>>) src(%dma_wait3A_67 : memref<128xi32, #tpu.memory_space<hbm>>) dst(%arg7 : memref<128xi32, #tpu.memory_space<vmem>>)
        %dma_wait3A_68 = tpu.memref_slice %arg3[%mul3A_4] : memref<327680xi32, #tpu.memory_space<hbm>> -> memref<128xi32, #tpu.memory_space<hbm>>
        %dma_wait3A_69 = tpu.memref_slice %arg3[%mul3A_4] : memref<327680xi32, #tpu.memory_space<hbm>> -> memref<128xi32, #tpu.memory_space<hbm>>
        tpu.wait_dma2 semaphore(%arg16 : memref<!tpu.dma_semaphore, #tpu.memory_space<semaphore_mem>>) src(%dma_wait3A_69 : memref<128xi32, #tpu.memory_space<hbm>>) dst(%arg8 : memref<128xi32, #tpu.memory_space<vmem>>)
        %dma_start3A_70 = arith.constant 0 : i32
        %dma_start3A_71 = arith.constant 0 : i32
        %dma_start3A_72 = tpu.memref_slice %arg4[%dma_start3A_70, %dma_start3A_71] : memref<10000x128xf32, #tpu.memory_space<hbm>> -> memref<10000x128xf32, #tpu.memory_space<hbm>>
        tpu.enqueue_indirect_dma source(%dma_start3A_72 : memref<10000x128xf32, #tpu.memory_space<hbm>>) target(%arg11 : memref<128x128xf32, #tpu.memory_space<vmem>>) offsets(%arg7 : memref<128xi32, #tpu.memory_space<vmem>>) semaphore(%arg14 : memref<!tpu.dma_semaphore, #tpu.memory_space<semaphore_mem>>)
      } else {
      }
      %add3A_59 = arith.constant 3 : i32
      %add3A_60 = arith.addi %mul3A_35, %add3A_59 : i32
      %lt3A_61 = arith.constant 80 : i32
      %lt3A_62 = arith.cmpi slt, %add3A_60, %lt3A_61 : i32
      %convert_element_type3A_63 = arith.extui %lt3A_62 : i1 to i32
      %cond3A_64 = arith.constant 0 : i32
      %cond3A_65 = arith.cmpi ne, %convert_element_type3A_63, %cond3A_64 : i32
      scf.if %cond3A_65 {
        %add3A_66 = arith.constant 3 : i32
        %add3A_67 = arith.addi %mul3A_35, %add3A_66 : i32
        %mul3A_68 = arith.constant 128 : i32
        %mul3A_69 = arith.muli %add3A_67, %mul3A_68 : i32
        %add3A_70 = arith.addi %mul3A_4, %mul3A_69 : i32
        %dma_start3A_71 = tpu.memref_slice %arg2[%add3A_70] : memref<327680xi32, #tpu.memory_space<hbm>> -> memref<128xi32, #tpu.memory_space<hbm>>
        %dma_start3A_72 = tpu.memref_slice %arg2[%add3A_70] : memref<327680xi32, #tpu.memory_space<hbm>> -> memref<128xi32, #tpu.memory_space<hbm>>
        tpu.enqueue_dma source(%dma_start3A_72 : memref<128xi32, #tpu.memory_space<hbm>>) target(%arg9 : memref<128xi32, #tpu.memory_space<vmem>>) target_semaphore(%arg17 : memref<!tpu.dma_semaphore, #tpu.memory_space<semaphore_mem>>)
        %dma_start3A_73 = tpu.memref_slice %arg3[%add3A_70] : memref<327680xi32, #tpu.memory_space<hbm>> -> memref<128xi32, #tpu.memory_space<hbm>>
        %dma_start3A_74 = tpu.memref_slice %arg3[%add3A_70] : memref<327680xi32, #tpu.memory_space<hbm>> -> memref<128xi32, #tpu.memory_space<hbm>>
        tpu.enqueue_dma source(%dma_start3A_74 : memref<128xi32, #tpu.memory_space<hbm>>) target(%arg10 : memref<128xi32, #tpu.memory_space<vmem>>) target_semaphore(%arg17 : memref<!tpu.dma_semaphore, #tpu.memory_space<semaphore_mem>>)
      } else {
      }
    }
    %scan3A_25 = arith.constant 40 : i32
    %barrier3A_26 = arith.constant 0 : index
    tpu.barrier barrier_id(%barrier3A_26)
    %scan3A_27 = arith.constant 0 : i32
    %scan3A_28 = arith.constant 0 : i32
    %scan3A_29 = arith.constant 5 : i32
    %scan3A_30 = arith.addi %scan3A_28, %scan3A_29 : i32
    %scan3A_31 = arith.constant 1 : i32
    scf.for %scan3A_33 = %scan3A_28 to %scan3A_30 step %scan3A_31  : i32 {
      %mul3A_34 = arith.constant 640 : i32
      %mul3A_35 = arith.muli %arg1, %mul3A_34 : i32
      %mul3A_36 = arith.constant 128 : i32
      %mul3A_37 = arith.muli %scan3A_33, %mul3A_36 : i32
      %add3A_38 = arith.addi %mul3A_35, %mul3A_37 : i32
      "tpu.region"() ({
        %run_scoped3A = tpu.sem_alloc : memref<!tpu.dma_semaphore, #tpu.memory_space<semaphore_mem>>
        %dma_start3A_39 = arith.constant 0 : i32
        %dma_start3A_40 = tpu.memref_slice %arg13[%add3A_38, %dma_start3A_39] : memref<10240x128xf32, #tpu.memory_space<vmem_shared>> -> memref<128x128xf32, #tpu.memory_space<vmem_shared>>
        %dma_start3A_41 = arith.constant 0 : i32
        %dma_start3A_42 = tpu.memref_slice %arg13[%add3A_38, %dma_start3A_41] : memref<10240x128xf32, #tpu.memory_space<vmem_shared>> -> memref<128x128xf32, #tpu.memory_space<vmem_shared>>
        tpu.enqueue_dma source(%dma_start3A_42 : memref<128x128xf32, #tpu.memory_space<vmem_shared>>) target(%arg11 : memref<128x128xf32, #tpu.memory_space<vmem>>) target_semaphore(%run_scoped3A : memref<!tpu.dma_semaphore, #tpu.memory_space<semaphore_mem>>)
        %dma_wait3A = arith.constant 0 : i32
        %dma_wait3A_43 = tpu.memref_slice %arg13[%add3A_38, %dma_wait3A] : memref<10240x128xf32, #tpu.memory_space<vmem_shared>> -> memref<128x128xf32, #tpu.memory_space<vmem_shared>>
        %dma_wait3A_44 = arith.constant 0 : i32
        %dma_wait3A_45 = tpu.memref_slice %arg13[%add3A_38, %dma_wait3A_44] : memref<10240x128xf32, #tpu.memory_space<vmem_shared>> -> memref<128x128xf32, #tpu.memory_space<vmem_shared>>
        tpu.wait_dma2 semaphore(%run_scoped3A : memref<!tpu.dma_semaphore, #tpu.memory_space<semaphore_mem>>) src(%dma_wait3A_45 : memref<128x128xf32, #tpu.memory_space<vmem_shared>>) dst(%arg11 : memref<128x128xf32, #tpu.memory_space<vmem>>)
        tpu.yield
      }) : () -> ()
      "tpu.region"() ({
        %run_scoped3A = tpu.sem_alloc : memref<!tpu.dma_semaphore, #tpu.memory_space<semaphore_mem>>
        %dma_start3A_39 = arith.constant 0 : i32
        %dma_start3A_40 = tpu.memref_slice %arg6[%arg0, %add3A_38, %dma_start3A_39] : memref<2x10240x128xf32, #tpu.memory_space<hbm>> -> memref<1x128x128xf32, #tpu.memory_space<hbm>>
        %dma_start3A_41 = tpu.memref_squeeze %dma_start3A_40 : memref<1x128x128xf32, #tpu.memory_space<hbm>> -> memref<128x128xf32, #tpu.memory_space<hbm>>
        %dma_start3A_42 = arith.constant 0 : i32
        %dma_start3A_43 = tpu.memref_slice %arg6[%arg0, %add3A_38, %dma_start3A_42] : memref<2x10240x128xf32, #tpu.memory_space<hbm>> -> memref<1x128x128xf32, #tpu.memory_space<hbm>>
        %dma_start3A_44 = tpu.memref_squeeze %dma_start3A_43 : memref<1x128x128xf32, #tpu.memory_space<hbm>> -> memref<128x128xf32, #tpu.memory_space<hbm>>
        tpu.enqueue_dma source(%arg11 : memref<128x128xf32, #tpu.memory_space<vmem>>) target(%dma_start3A_44 : memref<128x128xf32, #tpu.memory_space<hbm>>) target_semaphore(%run_scoped3A : memref<!tpu.dma_semaphore, #tpu.memory_space<semaphore_mem>>)
        %dma_wait3A = arith.constant 0 : i32
        %dma_wait3A_45 = tpu.memref_slice %arg6[%arg0, %add3A_38, %dma_wait3A] : memref<2x10240x128xf32, #tpu.memory_space<hbm>> -> memref<1x128x128xf32, #tpu.memory_space<hbm>>
        %dma_wait3A_46 = tpu.memref_squeeze %dma_wait3A_45 : memref<1x128x128xf32, #tpu.memory_space<hbm>> -> memref<128x128xf32, #tpu.memory_space<hbm>>
        %dma_wait3A_47 = arith.constant 0 : i32
        %dma_wait3A_48 = tpu.memref_slice %arg6[%arg0, %add3A_38, %dma_wait3A_47] : memref<2x10240x128xf32, #tpu.memory_space<hbm>> -> memref<1x128x128xf32, #tpu.memory_space<hbm>>
        %dma_wait3A_49 = tpu.memref_squeeze %dma_wait3A_48 : memref<1x128x128xf32, #tpu.memory_space<hbm>> -> memref<128x128xf32, #tpu.memory_space<hbm>>
        tpu.wait_dma2 semaphore(%run_scoped3A : memref<!tpu.dma_semaphore, #tpu.memory_space<semaphore_mem>>) src(%arg11 : memref<128x128xf32, #tpu.memory_space<vmem>>) dst(%dma_wait3A_49 : memref<128x128xf32, #tpu.memory_space<hbm>>)
        tpu.yield
      }) : () -> ()
    }
    %scan3A_32 = arith.constant 5 : i32
    return
  }
}

module attributes {stable_mosaic.version = 14 : i64} {
  func.func @_frontend_body(%arg0: i32, %arg1: memref<400x400xf32, #tpu.memory_space<vmem>>, %arg2: memref<400x16xf32, #tpu.memory_space<vmem>>, %arg3: memref<400x256xf32, #tpu.memory_space<vmem>>, %arg4: memref<1x256xf32, #tpu.memory_space<vmem>>, %arg5: memref<256x128xf32, #tpu.memory_space<vmem>>, %arg6: memref<16x128xf32, #tpu.memory_space<vmem>>, %arg7: memref<1x128xf32, #tpu.memory_space<vmem>>, %arg8: memref<256x128xf32, #tpu.memory_space<vmem>>, %arg9: memref<16x128xf32, #tpu.memory_space<vmem>>, %arg10: memref<1x128xf32, #tpu.memory_space<vmem>>, %arg11: memref<400x128xf32, #tpu.memory_space<vmem>>, %arg12: memref<400x128xf32, #tpu.memory_space<vmem>>) attributes {dimension_semantics = [#tpu.dimension_semantics<arbitrary>], iteration_bounds = array<i64: 25>, scalar_prefetch = 0 : i64, scratch_operands = 0 : i64, tpu.core_type = #tpu.core_type<tc>, window_params = [{transform_indices = @transform_0, window_bounds = array<i64: 400, 400>}, {transform_indices = @transform_1, window_bounds = array<i64: 400, 16>}, {pipeline_mode = #tpu.pipeline_mode<synchronous>, transform_indices = @transform_2, window_bounds = array<i64: 400, 256>}, {pipeline_mode = #tpu.pipeline_mode<synchronous>, transform_indices = @transform_3, window_bounds = array<i64: 1, 256>}, {pipeline_mode = #tpu.pipeline_mode<synchronous>, transform_indices = @transform_4, window_bounds = array<i64: 256, 128>}, {pipeline_mode = #tpu.pipeline_mode<synchronous>, transform_indices = @transform_5, window_bounds = array<i64: 16, 128>}, {pipeline_mode = #tpu.pipeline_mode<synchronous>, transform_indices = @transform_6, window_bounds = array<i64: 1, 128>}, {pipeline_mode = #tpu.pipeline_mode<synchronous>, transform_indices = @transform_7, window_bounds = array<i64: 256, 128>}, {pipeline_mode = #tpu.pipeline_mode<synchronous>, transform_indices = @transform_8, window_bounds = array<i64: 16, 128>}, {pipeline_mode = #tpu.pipeline_mode<synchronous>, transform_indices = @transform_9, window_bounds = array<i64: 1, 128>}, {transform_indices = @transform_10, window_bounds = array<i64: 400, 128>}, {transform_indices = @transform_11, window_bounds = array<i64: 400, 128>}]} {
    %get3A = arith.constant 0 : index
    %get3A_0 = arith.constant 0 : index
    %get3A_1 = vector.load %arg1[%get3A, %get3A_0] : memref<400x400xf32, #tpu.memory_space<vmem>>, vector<400x400xf32>
    %get3A_2 = arith.constant 0 : index
    %get3A_3 = arith.constant 0 : index
    %get3A_4 = vector.load %arg3[%get3A_2, %get3A_3] : memref<400x256xf32, #tpu.memory_space<vmem>>, vector<400x256xf32>
    %dot_general3A = arith.constant dense<0.000000e+00> : vector<400x256xf32>
    %dot_general3A_5 = tpu.matmul %get3A_1, %get3A_4, %dot_general3A {dimension_numbers = #tpu.dot_dimension_numbers<[1], [0], [0], [1], [0, 0, 1, 1], [], []>, transpose_lhs_hint = false} : vector<400x400xf32>, vector<400x256xf32>, vector<400x256xf32> -> vector<400x256xf32>
    %get3A_6 = arith.constant 0 : index
    %get3A_7 = arith.constant 0 : index
    %get3A_8 = vector.load %arg4[%get3A_6, %get3A_7] : memref<1x256xf32, #tpu.memory_space<vmem>>, vector<1x256xf32>
    %add3A = vector.broadcast %get3A_8 : vector<1x256xf32> to vector<400x256xf32>
    %add3A_9 = arith.addf %dot_general3A_5, %add3A : vector<400x256xf32>
    %max3A = arith.constant 0.000000e+00 : f32
    %max3A_10 = vector.broadcast %max3A : f32 to vector<400x256xf32>
    %max3A_11 = arith.maximumf %add3A_9, %max3A_10 : vector<400x256xf32>
    %get3A_12 = arith.constant 0 : index
    %get3A_13 = arith.constant 0 : index
    %get3A_14 = vector.load %arg2[%get3A_12, %get3A_13] : memref<400x16xf32, #tpu.memory_space<vmem>>, vector<400x16xf32>
    %max3A_15 = arith.constant 0.000000e+00 : f32
    %max3A_16 = vector.broadcast %max3A_15 : f32 to vector<400x16xf32>
    %max3A_17 = arith.maximumf %get3A_14, %max3A_16 : vector<400x16xf32>
    %get3A_18 = arith.constant 0 : index
    %get3A_19 = arith.constant 0 : index
    %get3A_20 = vector.load %arg5[%get3A_18, %get3A_19] : memref<256x128xf32, #tpu.memory_space<vmem>>, vector<256x128xf32>
    %dot_general3A_21 = arith.constant dense<0.000000e+00> : vector<400x128xf32>
    %dot_general3A_22 = tpu.matmul %max3A_11, %get3A_20, %dot_general3A_21 {dimension_numbers = #tpu.dot_dimension_numbers<[1], [0], [0], [1], [0, 0, 1, 1], [], []>, transpose_lhs_hint = false} : vector<400x256xf32>, vector<256x128xf32>, vector<400x128xf32> -> vector<400x128xf32>
    %get3A_23 = arith.constant 0 : index
    %get3A_24 = arith.constant 0 : index
    %get3A_25 = vector.load %arg6[%get3A_23, %get3A_24] : memref<16x128xf32, #tpu.memory_space<vmem>>, vector<16x128xf32>
    %dot_general3A_26 = arith.constant dense<0.000000e+00> : vector<400x128xf32>
    %dot_general3A_27 = tpu.matmul %max3A_17, %get3A_25, %dot_general3A_26 {dimension_numbers = #tpu.dot_dimension_numbers<[1], [0], [0], [1], [0, 0, 1, 1], [], []>, transpose_lhs_hint = false} : vector<400x16xf32>, vector<16x128xf32>, vector<400x128xf32> -> vector<400x128xf32>
    %add3A_28 = arith.addf %dot_general3A_22, %dot_general3A_27 : vector<400x128xf32>
    %get3A_29 = arith.constant 0 : index
    %get3A_30 = arith.constant 0 : index
    %get3A_31 = vector.load %arg7[%get3A_29, %get3A_30] : memref<1x128xf32, #tpu.memory_space<vmem>>, vector<1x128xf32>
    %add3A_32 = vector.broadcast %get3A_31 : vector<1x128xf32> to vector<400x128xf32>
    %add3A_33 = arith.addf %add3A_28, %add3A_32 : vector<400x128xf32>
    %swap3A = arith.constant 0 : index
    %swap3A_34 = arith.constant 0 : index
    %swap3A_35 = vector.load %arg11[%swap3A, %swap3A_34] : memref<400x128xf32, #tpu.memory_space<vmem>>, vector<400x128xf32>
    tpu.vector_store %arg11[%swap3A, %swap3A_34], %add3A_33 {strides = array<i32>} : memref<400x128xf32, #tpu.memory_space<vmem>>, vector<400x128xf32>,
    %get3A_36 = arith.constant 0 : index
    %get3A_37 = arith.constant 0 : index
    %get3A_38 = vector.load %arg8[%get3A_36, %get3A_37] : memref<256x128xf32, #tpu.memory_space<vmem>>, vector<256x128xf32>
    %dot_general3A_39 = arith.constant dense<0.000000e+00> : vector<400x128xf32>
    %dot_general3A_40 = tpu.matmul %max3A_11, %get3A_38, %dot_general3A_39 {dimension_numbers = #tpu.dot_dimension_numbers<[1], [0], [0], [1], [0, 0, 1, 1], [], []>, transpose_lhs_hint = false} : vector<400x256xf32>, vector<256x128xf32>, vector<400x128xf32> -> vector<400x128xf32>
    %get3A_41 = arith.constant 0 : index
    %get3A_42 = arith.constant 0 : index
    %get3A_43 = vector.load %arg9[%get3A_41, %get3A_42] : memref<16x128xf32, #tpu.memory_space<vmem>>, vector<16x128xf32>
    %dot_general3A_44 = arith.constant dense<0.000000e+00> : vector<400x128xf32>
    %dot_general3A_45 = tpu.matmul %max3A_17, %get3A_43, %dot_general3A_44 {dimension_numbers = #tpu.dot_dimension_numbers<[1], [0], [0], [1], [0, 0, 1, 1], [], []>, transpose_lhs_hint = false} : vector<400x16xf32>, vector<16x128xf32>, vector<400x128xf32> -> vector<400x128xf32>
    %add3A_46 = arith.addf %dot_general3A_40, %dot_general3A_45 : vector<400x128xf32>
    %get3A_47 = arith.constant 0 : index
    %get3A_48 = arith.constant 0 : index
    %get3A_49 = vector.load %arg10[%get3A_47, %get3A_48] : memref<1x128xf32, #tpu.memory_space<vmem>>, vector<1x128xf32>
    %add3A_50 = vector.broadcast %get3A_49 : vector<1x128xf32> to vector<400x128xf32>
    %add3A_51 = arith.addf %add3A_46, %add3A_50 : vector<400x128xf32>
    %swap3A_52 = arith.constant 0 : index
    %swap3A_53 = arith.constant 0 : index
    %swap3A_54 = vector.load %arg12[%swap3A_52, %swap3A_53] : memref<400x128xf32, #tpu.memory_space<vmem>>, vector<400x128xf32>
    tpu.vector_store %arg12[%swap3A_52, %swap3A_53], %add3A_51 {strides = array<i32>} : memref<400x128xf32, #tpu.memory_space<vmem>>, vector<400x128xf32>,
    return
  }
  func.func @transform_0(%arg0: i32) -> (i32, i32) {
    %c0_i32 = arith.constant 0 : i32
    %c0_i32_0 = arith.constant 0 : i32
    return %arg0, %c0_i32 : i32, i32
  }
  func.func @transform_1(%arg0: i32) -> (i32, i32) {
    %c0_i32 = arith.constant 0 : i32
    %c0_i32_0 = arith.constant 0 : i32
    return %arg0, %c0_i32 : i32, i32
  }
  func.func @transform_2(%arg0: i32) -> (i32, i32) {
    %c0_i32 = arith.constant 0 : i32
    %c0_i32_0 = arith.constant 0 : i32
    %c0_i32_1 = arith.constant 0 : i32
    return %c0_i32, %c0_i32_0 : i32, i32
  }
  func.func @transform_3(%arg0: i32) -> (i32, i32) {
    %c0_i32 = arith.constant 0 : i32
    %c0_i32_0 = arith.constant 0 : i32
    %c0_i32_1 = arith.constant 0 : i32
    return %c0_i32, %c0_i32_0 : i32, i32
  }
  func.func @transform_4(%arg0: i32) -> (i32, i32) {
    %c0_i32 = arith.constant 0 : i32
    %c0_i32_0 = arith.constant 0 : i32
    %c0_i32_1 = arith.constant 0 : i32
    return %c0_i32, %c0_i32_0 : i32, i32
  }
  func.func @transform_5(%arg0: i32) -> (i32, i32) {
    %c0_i32 = arith.constant 0 : i32
    %c0_i32_0 = arith.constant 0 : i32
    %c0_i32_1 = arith.constant 0 : i32
    return %c0_i32, %c0_i32_0 : i32, i32
  }
  func.func @transform_6(%arg0: i32) -> (i32, i32) {
    %c0_i32 = arith.constant 0 : i32
    %c0_i32_0 = arith.constant 0 : i32
    %c0_i32_1 = arith.constant 0 : i32
    return %c0_i32, %c0_i32_0 : i32, i32
  }
  func.func @transform_7(%arg0: i32) -> (i32, i32) {
    %c0_i32 = arith.constant 0 : i32
    %c0_i32_0 = arith.constant 0 : i32
    %c0_i32_1 = arith.constant 0 : i32
    return %c0_i32, %c0_i32_0 : i32, i32
  }
  func.func @transform_8(%arg0: i32) -> (i32, i32) {
    %c0_i32 = arith.constant 0 : i32
    %c0_i32_0 = arith.constant 0 : i32
    %c0_i32_1 = arith.constant 0 : i32
    return %c0_i32, %c0_i32_0 : i32, i32
  }
  func.func @transform_9(%arg0: i32) -> (i32, i32) {
    %c0_i32 = arith.constant 0 : i32
    %c0_i32_0 = arith.constant 0 : i32
    %c0_i32_1 = arith.constant 0 : i32
    return %c0_i32, %c0_i32_0 : i32, i32
  }
  func.func @transform_10(%arg0: i32) -> (i32, i32) {
    %c0_i32 = arith.constant 0 : i32
    %c0_i32_0 = arith.constant 0 : i32
    return %arg0, %c0_i32 : i32, i32
  }
  func.func @transform_11(%arg0: i32) -> (i32, i32) {
    %c0_i32 = arith.constant 0 : i32
    %c0_i32_0 = arith.constant 0 : i32
    return %arg0, %c0_i32 : i32, i32
  }
}

module attributes {stable_mosaic.version = 14 : i64} {
  func.func @_combine1_body(%arg0: i32, %arg1: memref<400x128xf32, #tpu.memory_space<vmem>>, %arg2: memref<400x128xf32, #tpu.memory_space<vmem>>, %arg3: memref<400x128xf32, #tpu.memory_space<vmem>>, %arg4: memref<400x128xf32, #tpu.memory_space<vmem>>) attributes {dimension_semantics = [#tpu.dimension_semantics<arbitrary>], iteration_bounds = array<i64: 25>, scalar_prefetch = 0 : i64, scratch_operands = 0 : i64, tpu.core_type = #tpu.core_type<tc>, window_params = [{transform_indices = @transform_0, window_bounds = array<i64: 400, 128>}, {transform_indices = @transform_1, window_bounds = array<i64: 400, 128>}, {transform_indices = @transform_2, window_bounds = array<i64: 400, 128>}, {transform_indices = @transform_3, window_bounds = array<i64: 400, 128>}]} {
    %get3A = arith.constant 0 : index
    %get3A_0 = arith.constant 0 : index
    %get3A_1 = vector.load %arg1[%get3A, %get3A_0] : memref<400x128xf32, #tpu.memory_space<vmem>>, vector<400x128xf32>
    %get3A_2 = arith.constant 0 : index
    %get3A_3 = arith.constant 0 : index
    %get3A_4 = vector.load %arg2[%get3A_2, %get3A_3] : memref<400x128xf32, #tpu.memory_space<vmem>>, vector<400x128xf32>
    %add3A = arith.addf %get3A_1, %get3A_4 : vector<400x128xf32>
    %get3A_5 = arith.constant 0 : index
    %get3A_6 = arith.constant 0 : index
    %get3A_7 = vector.load %arg3[%get3A_5, %get3A_6] : memref<400x128xf32, #tpu.memory_space<vmem>>, vector<400x128xf32>
    %add3A_8 = arith.addf %add3A, %get3A_7 : vector<400x128xf32>
    %swap3A = arith.constant 0 : index
    %swap3A_9 = arith.constant 0 : index
    %swap3A_10 = vector.load %arg4[%swap3A, %swap3A_9] : memref<400x128xf32, #tpu.memory_space<vmem>>, vector<400x128xf32>
    tpu.vector_store %arg4[%swap3A, %swap3A_9], %add3A_8 {strides = array<i32>} : memref<400x128xf32, #tpu.memory_space<vmem>>, vector<400x128xf32>,
    return
  }
  func.func @transform_0(%arg0: i32) -> (i32, i32) {
    %c0_i32 = arith.constant 0 : i32
    %c0_i32_0 = arith.constant 0 : i32
    return %arg0, %c0_i32 : i32, i32
  }
  func.func @transform_1(%arg0: i32) -> (i32, i32) {
    %c0_i32 = arith.constant 0 : i32
    %c0_i32_0 = arith.constant 0 : i32
    return %arg0, %c0_i32 : i32, i32
  }
  func.func @transform_2(%arg0: i32) -> (i32, i32) {
    %c0_i32 = arith.constant 0 : i32
    %c0_i32_0 = arith.constant 0 : i32
    return %arg0, %c0_i32 : i32, i32
  }
  func.func @transform_3(%arg0: i32) -> (i32, i32) {
    %c0_i32 = arith.constant 0 : i32
    %c0_i32_0 = arith.constant 0 : i32
    return %arg0, %c0_i32 : i32, i32
  }
}

module attributes {stable_mosaic.version = 14 : i64} {
  func.func @_sage_ln_body(%arg0: i32, %arg1: memref<400x128xf32, #tpu.memory_space<vmem>>, %arg2: memref<400x128xf32, #tpu.memory_space<vmem>>, %arg3: memref<400x1xf32, #tpu.memory_space<vmem>>, %arg4: memref<400x1xf32, #tpu.memory_space<vmem>>, %arg5: memref<400x128xf32, #tpu.memory_space<vmem>>, %arg6: memref<128x128xf32, #tpu.memory_space<vmem>>, %arg7: memref<1x128xf32, #tpu.memory_space<vmem>>, %arg8: memref<128x128xf32, #tpu.memory_space<vmem>>, %arg9: memref<1x128xf32, #tpu.memory_space<vmem>>, %arg10: memref<1x128xf32, #tpu.memory_space<vmem>>, %arg11: memref<400x128xf32, #tpu.memory_space<vmem>>) attributes {dimension_semantics = [#tpu.dimension_semantics<arbitrary>], iteration_bounds = array<i64: 25>, scalar_prefetch = 0 : i64, scratch_operands = 0 : i64, tpu.core_type = #tpu.core_type<tc>, window_params = [{transform_indices = @transform_0, window_bounds = array<i64: 400, 128>}, {transform_indices = @transform_1, window_bounds = array<i64: 400, 128>}, {transform_indices = @transform_2, window_bounds = array<i64: 400, 1>}, {transform_indices = @transform_3, window_bounds = array<i64: 400, 1>}, {transform_indices = @transform_4, window_bounds = array<i64: 400, 128>}, {pipeline_mode = #tpu.pipeline_mode<synchronous>, transform_indices = @transform_5, window_bounds = array<i64: 128, 128>}, {pipeline_mode = #tpu.pipeline_mode<synchronous>, transform_indices = @transform_6, window_bounds = array<i64: 1, 128>}, {pipeline_mode = #tpu.pipeline_mode<synchronous>, transform_indices = @transform_7, window_bounds = array<i64: 128, 128>}, {pipeline_mode = #tpu.pipeline_mode<synchronous>, transform_indices = @transform_8, window_bounds = array<i64: 1, 128>}, {pipeline_mode = #tpu.pipeline_mode<synchronous>, transform_indices = @transform_9, window_bounds = array<i64: 1, 128>}, {transform_indices = @transform_10, window_bounds = array<i64: 400, 128>}]} {
    %get3A = arith.constant 0 : index
    %get3A_0 = arith.constant 0 : index
    %get3A_1 = vector.load %arg3[%get3A, %get3A_0] : memref<400x1xf32, #tpu.memory_space<vmem>>, vector<400x1xf32>
    %get3A_2 = arith.constant 0 : index
    %get3A_3 = arith.constant 0 : index
    %get3A_4 = vector.load %arg4[%get3A_2, %get3A_3] : memref<400x1xf32, #tpu.memory_space<vmem>>, vector<400x1xf32>
    %add3A = arith.addf %get3A_1, %get3A_4 : vector<400x1xf32>
    %max3A = arith.constant 1.000000e+00 : f32
    %max3A_5 = vector.broadcast %max3A : f32 to vector<400x1xf32>
    %max3A_6 = arith.maximumf %add3A, %max3A_5 : vector<400x1xf32>
    %get3A_7 = arith.constant 0 : index
    %get3A_8 = arith.constant 0 : index
    %get3A_9 = vector.load %arg1[%get3A_7, %get3A_8] : memref<400x128xf32, #tpu.memory_space<vmem>>, vector<400x128xf32>
    %get3A_10 = arith.constant 0 : index
    %get3A_11 = arith.constant 0 : index
    %get3A_12 = vector.load %arg2[%get3A_10, %get3A_11] : memref<400x128xf32, #tpu.memory_space<vmem>>, vector<400x128xf32>
    %add3A_13 = arith.addf %get3A_9, %get3A_12 : vector<400x128xf32>
    %div3A = vector.broadcast %max3A_6 : vector<400x1xf32> to vector<400x128xf32>
    %div3A_14 = arith.divf %add3A_13, %div3A : vector<400x128xf32>
    %get3A_15 = arith.constant 0 : index
    %get3A_16 = arith.constant 0 : index
    %get3A_17 = vector.load %arg6[%get3A_15, %get3A_16] : memref<128x128xf32, #tpu.memory_space<vmem>>, vector<128x128xf32>
    %dot_general3A = arith.constant dense<0.000000e+00> : vector<400x128xf32>
    %dot_general3A_18 = tpu.matmul %div3A_14, %get3A_17, %dot_general3A {dimension_numbers = #tpu.dot_dimension_numbers<[1], [0], [0], [1], [0, 0, 1, 1], [], []>, transpose_lhs_hint = false} : vector<400x128xf32>, vector<128x128xf32>, vector<400x128xf32> -> vector<400x128xf32>
    %get3A_19 = arith.constant 0 : index
    %get3A_20 = arith.constant 0 : index
    %get3A_21 = vector.load %arg7[%get3A_19, %get3A_20] : memref<1x128xf32, #tpu.memory_space<vmem>>, vector<1x128xf32>
    %add3A_22 = vector.broadcast %get3A_21 : vector<1x128xf32> to vector<400x128xf32>
    %add3A_23 = arith.addf %dot_general3A_18, %add3A_22 : vector<400x128xf32>
    %get3A_24 = arith.constant 0 : index
    %get3A_25 = arith.constant 0 : index
    %get3A_26 = vector.load %arg5[%get3A_24, %get3A_25] : memref<400x128xf32, #tpu.memory_space<vmem>>, vector<400x128xf32>
    %get3A_27 = arith.constant 0 : index
    %get3A_28 = arith.constant 0 : index
    %get3A_29 = vector.load %arg8[%get3A_27, %get3A_28] : memref<128x128xf32, #tpu.memory_space<vmem>>, vector<128x128xf32>
    %dot_general3A_30 = arith.constant dense<0.000000e+00> : vector<400x128xf32>
    %dot_general3A_31 = tpu.matmul %get3A_26, %get3A_29, %dot_general3A_30 {dimension_numbers = #tpu.dot_dimension_numbers<[1], [0], [0], [1], [0, 0, 1, 1], [], []>, transpose_lhs_hint = false} : vector<400x128xf32>, vector<128x128xf32>, vector<400x128xf32> -> vector<400x128xf32>
    %add3A_32 = arith.addf %add3A_23, %dot_general3A_31 : vector<400x128xf32>
    %max3A_33 = arith.constant 0.000000e+00 : f32
    %max3A_34 = vector.broadcast %max3A_33 : f32 to vector<400x128xf32>
    %max3A_35 = arith.maximumf %add3A_32, %max3A_34 : vector<400x128xf32>
    %reduce_sum3A = arith.constant dense<0.000000e+00> : vector<400xf32>
    %reduce_sum3A_36 = vector.multi_reduction <add>, %max3A_35, %reduce_sum3A [1] : vector<400x128xf32> to vector<400xf32>
    %broadcast_in_dim3A = vector.shape_cast %reduce_sum3A_36 : vector<400xf32> to vector<400x1xf32>
    %div3A_37 = arith.constant 1.280000e+02 : f32
    %div3A_38 = vector.broadcast %div3A_37 : f32 to vector<400x1xf32>
    %div3A_39 = arith.divf %broadcast_in_dim3A, %div3A_38 : vector<400x1xf32>
    %sub3A = vector.broadcast %div3A_39 : vector<400x1xf32> to vector<400x128xf32>
    %sub3A_40 = arith.subf %max3A_35, %sub3A : vector<400x128xf32>
    %integer_pow3A = arith.mulf %sub3A_40, %sub3A_40 : vector<400x128xf32>
    %reduce_sum3A_41 = arith.constant dense<0.000000e+00> : vector<400xf32>
    %reduce_sum3A_42 = vector.multi_reduction <add>, %integer_pow3A, %reduce_sum3A_41 [1] : vector<400x128xf32> to vector<400xf32>
    %broadcast_in_dim3A_43 = vector.shape_cast %reduce_sum3A_42 : vector<400xf32> to vector<400x1xf32>
    %div3A_44 = arith.constant 1.280000e+02 : f32
    %div3A_45 = vector.broadcast %div3A_44 : f32 to vector<400x1xf32>
    %div3A_46 = arith.divf %broadcast_in_dim3A_43, %div3A_45 : vector<400x1xf32>
    %sub3A_47 = vector.broadcast %div3A_39 : vector<400x1xf32> to vector<400x128xf32>
    %sub3A_48 = arith.subf %max3A_35, %sub3A_47 : vector<400x128xf32>
    %add3A_49 = arith.constant 9.99999974E-6 : f32
    %add3A_50 = vector.broadcast %add3A_49 : f32 to vector<400x1xf32>
    %add3A_51 = arith.addf %div3A_46, %add3A_50 : vector<400x1xf32>
    %sqrt3A = math.sqrt %add3A_51 : vector<400x1xf32>
    %div3A_52 = vector.broadcast %sqrt3A : vector<400x1xf32> to vector<400x128xf32>
    %div3A_53 = arith.divf %sub3A_48, %div3A_52 : vector<400x128xf32>
    %get3A_54 = arith.constant 0 : index
    %get3A_55 = arith.constant 0 : index
    %get3A_56 = vector.load %arg9[%get3A_54, %get3A_55] : memref<1x128xf32, #tpu.memory_space<vmem>>, vector<1x128xf32>
    %mul3A = vector.broadcast %get3A_56 : vector<1x128xf32> to vector<400x128xf32>
    %mul3A_57 = arith.mulf %div3A_53, %mul3A : vector<400x128xf32>
    %get3A_58 = arith.constant 0 : index
    %get3A_59 = arith.constant 0 : index
    %get3A_60 = vector.load %arg10[%get3A_58, %get3A_59] : memref<1x128xf32, #tpu.memory_space<vmem>>, vector<1x128xf32>
    %add3A_61 = vector.broadcast %get3A_60 : vector<1x128xf32> to vector<400x128xf32>
    %add3A_62 = arith.addf %mul3A_57, %add3A_61 : vector<400x128xf32>
    %swap3A = arith.constant 0 : index
    %swap3A_63 = arith.constant 0 : index
    %swap3A_64 = vector.load %arg11[%swap3A, %swap3A_63] : memref<400x128xf32, #tpu.memory_space<vmem>>, vector<400x128xf32>
    tpu.vector_store %arg11[%swap3A, %swap3A_63], %add3A_62 {strides = array<i32>} : memref<400x128xf32, #tpu.memory_space<vmem>>, vector<400x128xf32>,
    return
  }
  func.func @transform_0(%arg0: i32) -> (i32, i32) {
    %c0_i32 = arith.constant 0 : i32
    %c0_i32_0 = arith.constant 0 : i32
    return %arg0, %c0_i32 : i32, i32
  }
  func.func @transform_1(%arg0: i32) -> (i32, i32) {
    %c0_i32 = arith.constant 0 : i32
    %c0_i32_0 = arith.constant 0 : i32
    return %arg0, %c0_i32 : i32, i32
  }
  func.func @transform_2(%arg0: i32) -> (i32, i32) {
    %c0_i32 = arith.constant 0 : i32
    %c0_i32_0 = arith.constant 0 : i32
    return %arg0, %c0_i32 : i32, i32
  }
  func.func @transform_3(%arg0: i32) -> (i32, i32) {
    %c0_i32 = arith.constant 0 : i32
    %c0_i32_0 = arith.constant 0 : i32
    return %arg0, %c0_i32 : i32, i32
  }
  func.func @transform_4(%arg0: i32) -> (i32, i32) {
    %c0_i32 = arith.constant 0 : i32
    %c0_i32_0 = arith.constant 0 : i32
    return %arg0, %c0_i32 : i32, i32
  }
  func.func @transform_5(%arg0: i32) -> (i32, i32) {
    %c0_i32 = arith.constant 0 : i32
    %c0_i32_0 = arith.constant 0 : i32
    %c0_i32_1 = arith.constant 0 : i32
    return %c0_i32, %c0_i32_0 : i32, i32
  }
  func.func @transform_6(%arg0: i32) -> (i32, i32) {
    %c0_i32 = arith.constant 0 : i32
    %c0_i32_0 = arith.constant 0 : i32
    %c0_i32_1 = arith.constant 0 : i32
    return %c0_i32, %c0_i32_0 : i32, i32
  }
  func.func @transform_7(%arg0: i32) -> (i32, i32) {
    %c0_i32 = arith.constant 0 : i32
    %c0_i32_0 = arith.constant 0 : i32
    %c0_i32_1 = arith.constant 0 : i32
    return %c0_i32, %c0_i32_0 : i32, i32
  }
  func.func @transform_8(%arg0: i32) -> (i32, i32) {
    %c0_i32 = arith.constant 0 : i32
    %c0_i32_0 = arith.constant 0 : i32
    %c0_i32_1 = arith.constant 0 : i32
    return %c0_i32, %c0_i32_0 : i32, i32
  }
  func.func @transform_9(%arg0: i32) -> (i32, i32) {
    %c0_i32 = arith.constant 0 : i32
    %c0_i32_0 = arith.constant 0 : i32
    %c0_i32_1 = arith.constant 0 : i32
    return %c0_i32, %c0_i32_0 : i32, i32
  }
  func.func @transform_10(%arg0: i32) -> (i32, i32) {
    %c0_i32 = arith.constant 0 : i32
    %c0_i32_0 = arith.constant 0 : i32
    return %arg0, %c0_i32 : i32, i32
  }
}

module attributes {stable_mosaic.version = 14 : i64} {
  func.func @_final_body(%arg0: i32, %arg1: memref<400x128xf32, #tpu.memory_space<vmem>>, %arg2: memref<400x128xf32, #tpu.memory_space<vmem>>, %arg3: memref<400x1xf32, #tpu.memory_space<vmem>>, %arg4: memref<400x1xf32, #tpu.memory_space<vmem>>, %arg5: memref<400x128xf32, #tpu.memory_space<vmem>>, %arg6: memref<128x128xf32, #tpu.memory_space<vmem>>, %arg7: memref<1x128xf32, #tpu.memory_space<vmem>>, %arg8: memref<128x128xf32, #tpu.memory_space<vmem>>, %arg9: memref<128x128xf32, #tpu.memory_space<vmem>>, %arg10: memref<1x128xf32, #tpu.memory_space<vmem>>, %arg11: memref<128x40xf32, #tpu.memory_space<vmem>>, %arg12: memref<1x40xf32, #tpu.memory_space<vmem>>, %arg13: memref<400x128xf32, #tpu.memory_space<vmem>>, %arg14: memref<400x40xf32, #tpu.memory_space<vmem>>) attributes {dimension_semantics = [#tpu.dimension_semantics<arbitrary>], iteration_bounds = array<i64: 25>, scalar_prefetch = 0 : i64, scratch_operands = 0 : i64, tpu.core_type = #tpu.core_type<tc>, window_params = [{transform_indices = @transform_0, window_bounds = array<i64: 400, 128>}, {transform_indices = @transform_1, window_bounds = array<i64: 400, 128>}, {transform_indices = @transform_2, window_bounds = array<i64: 400, 1>}, {transform_indices = @transform_3, window_bounds = array<i64: 400, 1>}, {transform_indices = @transform_4, window_bounds = array<i64: 400, 128>}, {pipeline_mode = #tpu.pipeline_mode<synchronous>, transform_indices = @transform_5, window_bounds = array<i64: 128, 128>}, {pipeline_mode = #tpu.pipeline_mode<synchronous>, transform_indices = @transform_6, window_bounds = array<i64: 1, 128>}, {pipeline_mode = #tpu.pipeline_mode<synchronous>, transform_indices = @transform_7, window_bounds = array<i64: 128, 128>}, {pipeline_mode = #tpu.pipeline_mode<synchronous>, transform_indices = @transform_8, window_bounds = array<i64: 128, 128>}, {pipeline_mode = #tpu.pipeline_mode<synchronous>, transform_indices = @transform_9, window_bounds = array<i64: 1, 128>}, {pipeline_mode = #tpu.pipeline_mode<synchronous>, transform_indices = @transform_10, window_bounds = array<i64: 128, 40>}, {pipeline_mode = #tpu.pipeline_mode<synchronous>, transform_indices = @transform_11, window_bounds = array<i64: 1, 40>}, {transform_indices = @transform_12, window_bounds = array<i64: 400, 128>}, {transform_indices = @transform_13, window_bounds = array<i64: 400, 40>}]} {
    %get3A = arith.constant 0 : index
    %get3A_0 = arith.constant 0 : index
    %get3A_1 = vector.load %arg3[%get3A, %get3A_0] : memref<400x1xf32, #tpu.memory_space<vmem>>, vector<400x1xf32>
    %get3A_2 = arith.constant 0 : index
    %get3A_3 = arith.constant 0 : index
    %get3A_4 = vector.load %arg4[%get3A_2, %get3A_3] : memref<400x1xf32, #tpu.memory_space<vmem>>, vector<400x1xf32>
    %add3A = arith.addf %get3A_1, %get3A_4 : vector<400x1xf32>
    %max3A = arith.constant 1.000000e+00 : f32
    %max3A_5 = vector.broadcast %max3A : f32 to vector<400x1xf32>
    %max3A_6 = arith.maximumf %add3A, %max3A_5 : vector<400x1xf32>
    %get3A_7 = arith.constant 0 : index
    %get3A_8 = arith.constant 0 : index
    %get3A_9 = vector.load %arg1[%get3A_7, %get3A_8] : memref<400x128xf32, #tpu.memory_space<vmem>>, vector<400x128xf32>
    %get3A_10 = arith.constant 0 : index
    %get3A_11 = arith.constant 0 : index
    %get3A_12 = vector.load %arg2[%get3A_10, %get3A_11] : memref<400x128xf32, #tpu.memory_space<vmem>>, vector<400x128xf32>
    %add3A_13 = arith.addf %get3A_9, %get3A_12 : vector<400x128xf32>
    %div3A = vector.broadcast %max3A_6 : vector<400x1xf32> to vector<400x128xf32>
    %div3A_14 = arith.divf %add3A_13, %div3A : vector<400x128xf32>
    %get3A_15 = arith.constant 0 : index
    %get3A_16 = arith.constant 0 : index
    %get3A_17 = vector.load %arg6[%get3A_15, %get3A_16] : memref<128x128xf32, #tpu.memory_space<vmem>>, vector<128x128xf32>
    %dot_general3A = arith.constant dense<0.000000e+00> : vector<400x128xf32>
    %dot_general3A_18 = tpu.matmul %div3A_14, %get3A_17, %dot_general3A {dimension_numbers = #tpu.dot_dimension_numbers<[1], [0], [0], [1], [0, 0, 1, 1], [], []>, transpose_lhs_hint = false} : vector<400x128xf32>, vector<128x128xf32>, vector<400x128xf32> -> vector<400x128xf32>
    %get3A_19 = arith.constant 0 : index
    %get3A_20 = arith.constant 0 : index
    %get3A_21 = vector.load %arg7[%get3A_19, %get3A_20] : memref<1x128xf32, #tpu.memory_space<vmem>>, vector<1x128xf32>
    %add3A_22 = vector.broadcast %get3A_21 : vector<1x128xf32> to vector<400x128xf32>
    %add3A_23 = arith.addf %dot_general3A_18, %add3A_22 : vector<400x128xf32>
    %get3A_24 = arith.constant 0 : index
    %get3A_25 = arith.constant 0 : index
    %get3A_26 = vector.load %arg5[%get3A_24, %get3A_25] : memref<400x128xf32, #tpu.memory_space<vmem>>, vector<400x128xf32>
    %get3A_27 = arith.constant 0 : index
    %get3A_28 = arith.constant 0 : index
    %get3A_29 = vector.load %arg8[%get3A_27, %get3A_28] : memref<128x128xf32, #tpu.memory_space<vmem>>, vector<128x128xf32>
    %dot_general3A_30 = arith.constant dense<0.000000e+00> : vector<400x128xf32>
    %dot_general3A_31 = tpu.matmul %get3A_26, %get3A_29, %dot_general3A_30 {dimension_numbers = #tpu.dot_dimension_numbers<[1], [0], [0], [1], [0, 0, 1, 1], [], []>, transpose_lhs_hint = false} : vector<400x128xf32>, vector<128x128xf32>, vector<400x128xf32> -> vector<400x128xf32>
    %add3A_32 = arith.addf %add3A_23, %dot_general3A_31 : vector<400x128xf32>
    %swap3A = arith.constant 0 : index
    %swap3A_33 = arith.constant 0 : index
    %swap3A_34 = vector.load %arg13[%swap3A, %swap3A_33] : memref<400x128xf32, #tpu.memory_space<vmem>>, vector<400x128xf32>
    tpu.vector_store %arg13[%swap3A, %swap3A_33], %add3A_32 {strides = array<i32>} : memref<400x128xf32, #tpu.memory_space<vmem>>, vector<400x128xf32>,
    %max3A_35 = arith.constant 0.000000e+00 : f32
    %max3A_36 = vector.broadcast %max3A_35 : f32 to vector<400x128xf32>
    %max3A_37 = arith.maximumf %add3A_32, %max3A_36 : vector<400x128xf32>
    %get3A_38 = arith.constant 0 : index
    %get3A_39 = arith.constant 0 : index
    %get3A_40 = vector.load %arg9[%get3A_38, %get3A_39] : memref<128x128xf32, #tpu.memory_space<vmem>>, vector<128x128xf32>
    %dot_general3A_41 = arith.constant dense<0.000000e+00> : vector<400x128xf32>
    %dot_general3A_42 = tpu.matmul %max3A_37, %get3A_40, %dot_general3A_41 {dimension_numbers = #tpu.dot_dimension_numbers<[1], [0], [0], [1], [0, 0, 1, 1], [], []>, transpose_lhs_hint = false} : vector<400x128xf32>, vector<128x128xf32>, vector<400x128xf32> -> vector<400x128xf32>
    %get3A_43 = arith.constant 0 : index
    %get3A_44 = arith.constant 0 : index
    %get3A_45 = vector.load %arg10[%get3A_43, %get3A_44] : memref<1x128xf32, #tpu.memory_space<vmem>>, vector<1x128xf32>
    %add3A_46 = vector.broadcast %get3A_45 : vector<1x128xf32> to vector<400x128xf32>
    %add3A_47 = arith.addf %dot_general3A_42, %add3A_46 : vector<400x128xf32>
    %get3A_48 = arith.constant 0 : index
    %get3A_49 = arith.constant 0 : index
    %get3A_50 = vector.load %arg11[%get3A_48, %get3A_49] : memref<128x40xf32, #tpu.memory_space<vmem>>, vector<128x40xf32>
    %dot_general3A_51 = arith.constant dense<0.000000e+00> : vector<400x40xf32>
    %dot_general3A_52 = tpu.matmul %add3A_47, %get3A_50, %dot_general3A_51 {dimension_numbers = #tpu.dot_dimension_numbers<[1], [0], [0], [1], [0, 0, 1, 1], [], []>, transpose_lhs_hint = false} : vector<400x128xf32>, vector<128x40xf32>, vector<400x40xf32> -> vector<400x40xf32>
    %get3A_53 = arith.constant 0 : index
    %get3A_54 = arith.constant 0 : index
    %get3A_55 = vector.load %arg12[%get3A_53, %get3A_54] : memref<1x40xf32, #tpu.memory_space<vmem>>, vector<1x40xf32>
    %add3A_56 = vector.broadcast %get3A_55 : vector<1x40xf32> to vector<400x40xf32>
    %add3A_57 = arith.addf %dot_general3A_52, %add3A_56 : vector<400x40xf32>
    %reduce_max3A = arith.constant dense<0xFF800000> : vector<400xf32>
    %reduce_max3A_58 = vector.multi_reduction <maximumf>, %add3A_57, %reduce_max3A [1] : vector<400x40xf32> to vector<400xf32>
    %broadcast_in_dim3A = vector.shape_cast %reduce_max3A_58 : vector<400xf32> to vector<400x1xf32>
    %sub3A = vector.broadcast %broadcast_in_dim3A : vector<400x1xf32> to vector<400x40xf32>
    %sub3A_59 = arith.subf %add3A_57, %sub3A : vector<400x40xf32>
    %exp3A = math.exp %sub3A_59 : vector<400x40xf32>
    %reduce_sum3A = arith.constant dense<0.000000e+00> : vector<400xf32>
    %reduce_sum3A_60 = vector.multi_reduction <add>, %exp3A, %reduce_sum3A [1] : vector<400x40xf32> to vector<400xf32>
    %broadcast_in_dim3A_61 = vector.shape_cast %reduce_sum3A_60 : vector<400xf32> to vector<400x1xf32>
    %log3A = math.log %broadcast_in_dim3A_61 : vector<400x1xf32>
    %add3A_62 = arith.addf %log3A, %broadcast_in_dim3A : vector<400x1xf32>
    %sub3A_63 = vector.broadcast %add3A_62 : vector<400x1xf32> to vector<400x40xf32>
    %sub3A_64 = arith.subf %add3A_57, %sub3A_63 : vector<400x40xf32>
    %swap3A_65 = arith.constant 0 : index
    %swap3A_66 = arith.constant 0 : index
    %swap3A_67 = vector.load %arg14[%swap3A_65, %swap3A_66] : memref<400x40xf32, #tpu.memory_space<vmem>>, vector<400x40xf32>
    tpu.vector_store %arg14[%swap3A_65, %swap3A_66], %sub3A_64 {strides = array<i32>} : memref<400x40xf32, #tpu.memory_space<vmem>>, vector<400x40xf32>,
    return
  }
  func.func @transform_0(%arg0: i32) -> (i32, i32) {
    %c0_i32 = arith.constant 0 : i32
    %c0_i32_0 = arith.constant 0 : i32
    return %arg0, %c0_i32 : i32, i32
  }
  func.func @transform_1(%arg0: i32) -> (i32, i32) {
    %c0_i32 = arith.constant 0 : i32
    %c0_i32_0 = arith.constant 0 : i32
    return %arg0, %c0_i32 : i32, i32
  }
  func.func @transform_2(%arg0: i32) -> (i32, i32) {
    %c0_i32 = arith.constant 0 : i32
    %c0_i32_0 = arith.constant 0 : i32
    return %arg0, %c0_i32 : i32, i32
  }
  func.func @transform_3(%arg0: i32) -> (i32, i32) {
    %c0_i32 = arith.constant 0 : i32
    %c0_i32_0 = arith.constant 0 : i32
    return %arg0, %c0_i32 : i32, i32
  }
  func.func @transform_4(%arg0: i32) -> (i32, i32) {
    %c0_i32 = arith.constant 0 : i32
    %c0_i32_0 = arith.constant 0 : i32
    return %arg0, %c0_i32 : i32, i32
  }
  func.func @transform_5(%arg0: i32) -> (i32, i32) {
    %c0_i32 = arith.constant 0 : i32
    %c0_i32_0 = arith.constant 0 : i32
    %c0_i32_1 = arith.constant 0 : i32
    return %c0_i32, %c0_i32_0 : i32, i32
  }
  func.func @transform_6(%arg0: i32) -> (i32, i32) {
    %c0_i32 = arith.constant 0 : i32
    %c0_i32_0 = arith.constant 0 : i32
    %c0_i32_1 = arith.constant 0 : i32
    return %c0_i32, %c0_i32_0 : i32, i32
  }
  func.func @transform_7(%arg0: i32) -> (i32, i32) {
    %c0_i32 = arith.constant 0 : i32
    %c0_i32_0 = arith.constant 0 : i32
    %c0_i32_1 = arith.constant 0 : i32
    return %c0_i32, %c0_i32_0 : i32, i32
  }
  func.func @transform_8(%arg0: i32) -> (i32, i32) {
    %c0_i32 = arith.constant 0 : i32
    %c0_i32_0 = arith.constant 0 : i32
    %c0_i32_1 = arith.constant 0 : i32
    return %c0_i32, %c0_i32_0 : i32, i32
  }
  func.func @transform_9(%arg0: i32) -> (i32, i32) {
    %c0_i32 = arith.constant 0 : i32
    %c0_i32_0 = arith.constant 0 : i32
    %c0_i32_1 = arith.constant 0 : i32
    return %c0_i32, %c0_i32_0 : i32, i32
  }
  func.func @transform_10(%arg0: i32) -> (i32, i32) {
    %c0_i32 = arith.constant 0 : i32
    %c0_i32_0 = arith.constant 0 : i32
    %c0_i32_1 = arith.constant 0 : i32
    return %c0_i32, %c0_i32_0 : i32, i32
  }
  func.func @transform_11(%arg0: i32) -> (i32, i32) {
    %c0_i32 = arith.constant 0 : i32
    %c0_i32_0 = arith.constant 0 : i32
    %c0_i32_1 = arith.constant 0 : i32
    return %c0_i32, %c0_i32_0 : i32, i32
  }
  func.func @transform_12(%arg0: i32) -> (i32, i32) {
    %c0_i32 = arith.constant 0 : i32
    %c0_i32_0 = arith.constant 0 : i32
    return %arg0, %c0_i32 : i32, i32
  }
  func.func @transform_13(%arg0: i32) -> (i32, i32) {
    %c0_i32 = arith.constant 0 : i32
    %c0_i32_0 = arith.constant 0 : i32
    return %arg0, %c0_i32 : i32, i32
  }
}

</mosaic_0001>

<sc_bundles>
// kernel: kernel.12.cloned.1.call-start
scs
__scs_entry_jumppad:
0x0: {  	(pc) =	sbr.rel $0x88, $3  }
0x1: {  	(tag) =	ssettag $0x0;
	lr =	simm.s32 $0x1  }
0x2: {  	[smem:$0x3F87] =	sst lr;
	_ =	strace $0xD0000000  }
0x3: {  	_ = 	snop  }
0x4: {  	_ = 	snop  }
0x5: {  	_ = 	snop  }
0x6: {  	_ = 	snop  }
0x7: {  	_ = 	snop  }
__scs_overlays_trampoline_lowered:
0x8: {  	[smem:$0x3F96] =	sst s0  }
0x9: {  	[smem:$0x3F97] =	sst s1  }
0xa: {  	[smem:$0x3F98] =	sst s2  }
0xb: {  	[smem:$0x3F99] =	sst s3  }
0xc: {  	[smem:$0x3F9A] =	sst s4  }
0xd: {  	[smem:$0x3F9B] =	sst s5  }
0xe: {  	[smem:$0x3F9C] =	sst s6  }
0xf: {  	[smem:$0x3F9D] =	sst s7  }
0x10: {  	[smem:$0x3F9E] =	sst s8  }
0x11: {  	[smem:$0x3F9F] =	sst s9;
	s0 =	simm.s32 @!p0 $0x0  }
0x12: {  	s1 =	sld [smem:$0x3F85];
	s0 =	simm.s32 @p0 $0x1  }
0x13: {  	[smem:$0x3FA0] =	sst s0;
	s0 =	simm.s32 @!p1 $0x0  }
0x14: {  	s2 =	sld [smem:$0x3F84];
	s0 =	simm.s32 @p1 $0x1  }
0x15: {  	[smem:$0x3FA1] =	sst s0;
	s0 =	simm.s32 @!p2 $0x0  }
0x16: {  	s3 =	sld [smem:$0x3FDB];
	s0 =	simm.s32 @p2 $0x1  }
0x17: {  	s4 =	simm.s32 $0x1BF5;
	[smem:$0x3FA3] =	sst s0  }
0x18: {  	s0 =	sld [smem:$0x3F86];
	_ =	swait.ge [sflag:s4], $0x0  }
0x19: {  	s7 =	sld [smem:$0x3F87]  }
0x1a: {  	s8 =	sadd.s32 $0xFFFFE003, lr  }
0x1b: {  	s9 =	sadd.s32 $0xFFFFFEF7, lr;
	s5 =	simm.s32 $0xFFFFFFFF;
	p2 =	slt.u32 s8, $0xFFFFF086  }
0x1c: {  	p1 =	slt.u32 s9, $0xF7A;
	s5 =	simm.s32 @!p2 $0x0  }
0x1d: {  	s5 =	simm.s32 @p1 $0x1;
	p0 =	seq.s32 s7, s2  }
0x1e: {  	s7 =	smul.u32 @!p0 $0xF7A, s2;
	p2 =	seq.s32 @!p0 s5, $0x0  }
0x1f: {  	s9 =	smul.u32 $0xF7A, s1;
	s8 =	simm.s32 @!p0 $0x1BF5;
	p2 =	por !p2, p0  }
0x20: {  	[sflag:s8] =	ssyncset.s32 @!p0 $0xFFFFF086;
	s6 =	sadd.s32 @!p0 s3, s7;
	s7 =	simm.s32 @!p0 $0x108  }
0x21: {  	s3 =	sadd.s32 s3, s9;
	s6 =	sadd.s32 @!p0 $0x88, s6;
	s7 =	simm.s32 @p2 $0x1082  }
0x22: {  	[simem:s7], [sflag:s8] =	dma.local @!p0 [hbm:s6], $0xF7A  }
0x23: {  	s9 =	sor.u32 $0xD0000000, s2;
	s6 =	simm.s32 $0x108;
	_ =	swait.ge @!p0 [sflag:s8], $0x0  }
0x24: {  	s3 =	sadd.s32 $0x88, s3;
	s6 =	simm.s32 @!p1 $0x1082;
	[sflag:s4] =	ssyncset.s32 $0xFFFFF086  }
0x25: {  	[simem:s6], [sflag:s4] =	dma.local [hbm:s3], $0xF7A  }
0x26: {  	[smem:$0x3F87] =	sst s1;
	(tag) =	ssettag s2;
	_ =	strace s9  }
0x27: {  	s1 =	sld [smem:$0x3F97]  }
0x28: {  	s2 =	sld [smem:$0x3F98]  }
0x29: {  	s4 =	sld [smem:$0x3F9A]  }
0x2a: {  	p0 =	seq.s32 s5, $0x0;
	s5 =	sld [smem:$0x3F9B]  }
0x2b: {  	s6 =	sld [smem:$0x3F9C]  }
0x2c: {  	s7 =	sld [smem:$0x3F9D]  }
0x2d: {  	s3 =	simm.s32 $0x108;
	s8 =	sld [smem:$0x3F9E]  }
0x2e: {  	s3 =	simm.s32 @!p0 $0x1082;
	s9 =	sld [smem:$0x3F9F]  }
0x2f: {  	lr =	sadd.s32 s0, s3;
	s0 =	sld [smem:$0x3F96]  }
0x30: {  	s3 =	sld [smem:$0x3F99]  }
0x31: {  	[smem:$0x3FA2] =	sst s10  }
0x32: {  	s10 =	sld [smem:$0x3FA0];
	_ =	sdelay $0x3  }
0x33: {  	p0 =	seq.s32 s10, $0x1;
	s10 =	sld [smem:$0x3FA2];
	_ =	sdelay $0x3  }
0x34: {  	[smem:$0x3FA2] =	sst s10  }
0x35: {  	s10 =	sld [smem:$0x3FA1];
	_ =	sdelay $0x3  }
0x36: {  	p1 =	seq.s32 s10, $0x1;
	s10 =	sld [smem:$0x3FA2];
	_ =	sdelay $0x3  }
0x37: {  	[smem:$0x3FA2] =	sst s10  }
0x38: {  	s10 =	sld [smem:$0x3FA3]  }
0x39: {  	_ = 	snop;
	(pc) =	sbr.ind lr, $3  }
0x3a: {  	_ = 	snop  }
0x3b: {  	_ = 	snop  }
0x3c: {  	p2 =	seq.s32 s10, $0x1;
	s10 =	sld [smem:$0x3FA2]  }
0x3d: {  	_ =	shalt  }
0x3e: {  	_ =	shalt  }
0x3f: {  	_ =	shalt  }
0x40: {  	_ =	shalt  }
0x41: {  	_ =	shalt  }
0x42: {  	_ =	shalt  }
0x43: {  	_ =	shalt  }
0x44: {  	_ =	shalt  }
0x45: {  	_ =	shalt  }
0x46: {  	_ =	shalt  }
0x47: {  	_ =	shalt  }
0x48: {  	_ =	shalt  }
0x49: {  	_ =	shalt  }
0x4a: {  	_ =	shalt  }
0x4b: {  	_ =	shalt  }
0x4c: {  	_ =	shalt  }
0x4d: {  	_ =	shalt  }
0x4e: {  	_ =	shalt  }
0x4f: {  	_ =	shalt  }
0x50: {  	_ =	shalt  }
0x51: {  	_ =	shalt  }
0x52: {  	_ =	shalt  }
0x53: {  	_ =	shalt  }
0x54: {  	_ =	shalt  }
0x55: {  	_ =	shalt  }
0x56: {  	_ =	shalt  }
0x57: {  	_ =	shalt  }
0x58: {  	_ =	shalt  }
0x59: {  	_ =	shalt  }
0x5a: {  	_ =	shalt  }
0x5b: {  	_ =	shalt  }
0x5c: {  	_ =	shalt  }
0x5d: {  	_ =	shalt  }
0x5e: {  	_ =	shalt  }
0x5f: {  	_ =	shalt  }
0x60: {  	_ =	shalt  }
0x61: {  	_ =	shalt  }
0x62: {  	_ =	shalt  }
0x63: {  	_ =	shalt  }
0x64: {  	_ =	shalt  }
0x65: {  	_ =	shalt  }
0x66: {  	_ =	shalt  }
0x67: {  	_ =	shalt  }
0x68: {  	_ =	shalt  }
0x69: {  	_ =	shalt  }
0x6a: {  	_ =	shalt  }
0x6b: {  	_ =	shalt  }
0x6c: {  	_ =	shalt  }
0x6d: {  	_ =	shalt  }
0x6e: {  	_ =	shalt  }
0x6f: {  	_ =	shalt  }
0x70: {  	_ =	shalt  }
0x71: {  	_ =	shalt  }
0x72: {  	_ =	shalt  }
0x73: {  	_ =	shalt  }
0x74: {  	_ =	shalt  }
0x75: {  	_ =	shalt  }
0x76: {  	_ =	shalt  }
0x77: {  	_ =	shalt  }
0x78: {  	_ =	shalt  }
0x79: {  	_ =	shalt  }
0x7a: {  	_ =	shalt  }
0x7b: {  	_ =	shalt  }
0x7c: {  	_ =	shalt  }
0x7d: {  	_ =	shalt  }
0x7e: {  	_ =	shalt  }
0x7f: {  	_ =	shalt  }
0x80: {  	_ =	shalt  }
0x81: {  	_ =	shalt  }
0x82: {  	_ =	shalt  }
0x83: {  	_ =	shalt  }
0x84: {  	_ =	shalt  }
0x85: {  	_ =	shalt  }
0x86: {  	_ =	shalt  }
0x87: {  	_ =	shalt  }
.Lfunc_end0:
.L_simem_size_0:
called_computation_lowered:
.L_overlay_start_0:
0x88: {  	s2 =	sld [smem:$0x3FD9]  }
0x89: {  	s3 =	sld [smem:$0x3FFE];
	_ =	sdelay $0x1  }
0x8a: {  	s1 =	srdreg.scid  }
0x8b: {  	s0 =	sand.u32 $0x1, s1  }
0x8c: {  	s17 =	sshll.u32 s0, $0xA;
	s2 =	sadd.s32 s3, s2  }
0x8d: {  	s2 =	sadd.s32 s2, s17  }
0x8e: {  	[smem:$0x3FAE] =	sst s2  }
0x8f: {  	_ = 	snop  }
0x90: {  	(tm) =	ssettm $0x1  }
0x91: {  	s18 =	sld [smem:$0x3FFB];
	_ =	sdelay $0x3  }
0x92: {  	_ =	strace s18  }
0x93: {  	s2 =	sld [smem:$0x3FFC];
	_ =	sdelay $0x3  }
0x94: {  	_ =	strace s2  }
0x95: {  	s2 =	sld [smem:$0x3FFD];
	_ =	sdelay $0x3  }
0x96: {  	_ =	strace s2  }
0x97: {  	_ =	strace $0x8FFFFFFF  }
0x98: {  	s19 =	sld [smem:$0x3FDB];
	_ =	sdelay $0x1  }
0x99: {  	s20 =	simm.s32 $_scs_section_size  }
0x9a: {  	s4 =	simm.s32 $_size__tile_overlayer_lowered;
	s5 =	simm.s32 $_tile_overlayer_lowered  }
0x9b: {  	s6 =	simm.s32 $0x1BFF;
	s21 =	sshll.u32 s5, $0x1;
	s3 =	sadd.s32 s20, s19  }
0x9c: {  	s22 =	simm.s32 $0x0;
	s4 =	sshll.u32 s4, $0x1;
	s5 =	sadd.s32 s21, s3  }
0x9d: {  	[timem:s22], [sflag:s6] =	dma.local [hbm:s5], s4  }
0x9e: {  	_ =	swait.ge [sflag:s6], s4  }
0x9f: {  	s4 =	ssub.s32 $0x0, s4;
	[sflag:s6] =	ssyncset.done $0x0  }
0xa0: {  	[sflag:s6] =	ssyncadd.s32 s4;
	_ =	sdelay $0x1  }
0xa1: {  	s23 =	simm.s32 $0x1B8B  }
0xa2: {  	_ =	swait.ge [sflag:s23], $0x1  }
0xa3: {  	[sflag:s23] =	ssyncset.done $0x0  }
0xa4: {  	[sflag:s23] =	ssyncadd.s32 $0xFFFFFFFF  }
0xa5: {  	s4 =	sld [smem:$0x0]  }
0xa6: {  	s5 =	sand.u32 $0xFFFFFFFE, s1  }
0xa7: {  	p0 =	sne.s32 s1, s5  }
0xa8: {  	s5 =	sshll.u32 @p0 s5, $0xE  }
0xa9: {  	s5 =	sadd.s32 @p0 $0x11B8D, s5;
	s6 =	sshll.u32 @p0 s4, $0x11  }
0xaa: {  	s5 =	sor.u32 @p0 s6, s5  }
0xab: {  	[sflag:s5] =	ssyncadd.remote.s32 @p0 $0x1;
	_ =	sdelay $0x1  }
0xac: {  	s5 =	simm.s32 @p0 $0x1B8D  }
0xad: {  	_ =	swait.eq @p0 [sflag:s5], $0x1  }
0xae: {  	[sflag:s5] =	ssyncadd.s32 @p0 $0xFFFFFFFF  }
0xaf: {  	s6 =	sshll.u32 @!p0 s1, $0xE  }
0xb0: {  	s6 =	sor.u32 @!p0 $0x4000, s6;
	s5 =	simm.s32 @!p0 $0x1B8D  }
0xb1: {  	s4 =	sshll.u32 @!p0 s4, $0x11;
	s6 =	sadd.s32 @!p0 $0x11B8D, s6;
	_ =	swait.eq @!p0 [sflag:s5], $0x1  }
0xb2: {  	s4 =	sor.u32 @!p0 s4, s6;
	[sflag:s5] =	ssyncadd.s32 @!p0 $0xFFFFFFFF  }
0xb3: {  	s25 =	simm.s32 $0x1B8E;
	s24 =	sld [smem:$0x3FFE];
	[sflag:s4] =	ssyncadd.remote.s32 @!p0 $0x1  }
0xb4: {  	s26 =	simm.s32 $execute0_lowered;
	[smem:$0x3FD2] =	sst s25  }
0xb5: {  	s5 =	sshll.u32 s26, $0x1;
	_ =	strace $0x80000049;
	[dreg:$0x1] =	wrdreg $0xFFFFFFFF  }
0xb6: {  	s28 =	simm.s32 $_size_execute0_lowered;
	s3 =	sadd.s32 s3, s5;
	[dreg:$0x0] =	wrdreg $0x0  }
0xb7: {  	s5 =	sshll.u32 s28, $0x1;
	[dreg:$0x2] =	wrdreg s3  }
0xb8: {  	[dreg:$0x3] =	wrdreg s5  }
0xb9: {  	[dreg:$0x4] =	wrdreg $0xC0  }
0xba: {  	_ =	task [dreg:s22], $0x5FFFF  }
0xbb: {  	[dreg:$0x1] =	wrdreg $0xFFFFFFFF  }
0xbc: {  	[dreg:$0x0] =	wrdreg $0x60  }
0xbd: {  	[dreg:$0x2] =	wrdreg s24  }
0xbe: {  	[dreg:$0x3] =	wrdreg $0x41000  }
0xbf: {  	[dreg:$0x4] =	wrdreg $0x9  }
0xc0: {  	_ =	task.clear_ibuf [dreg:s22], $0x5FFFF;
	_ =	strace $0x90000049  }
0xc1: {  	s29 =	simm.s32 $0x9;
	_ =	strace $0x8000004B  }
0xc2: {  	_ =	swait.ge [sflag:s29], $0x1  }
0xc3: {  	[sflag:s29] =	ssyncadd.s32 $0xFFFFFFFF  }
0xc4: {  	_ =	strace $0x9000004B  }
0xc5: {  	_ =	sfence  }
0xc6: {  	s30 =	sld [smem:$0x0];
	_ =	sdelay $0x2  }
0xc7: {  	s31 =	sshll.u32 s1, $0xD;
	s1 =	sshrl.u32 s1, $0x2  }
0xc8: {  	s4 =	sand.u32 $0x4000, s31;
	s1 =	sadd.s32 s1, s30  }
0xc9: {  	s0 =	sor.u32 s4, s0;
	s1 =	sshll.u32 s1, $0x11  }
0xca: {  	s0 =	sor.u32 s1, s0  }
0xcb: {  	s0 =	sadd.s32 $0x8F2B, s0  }
0xcc: {  	[sflag:s0] =	ssyncadd.remote.s32 $0x1  }
0xcd: {  	_ =	sfence.sel $0xFFFF  }
0xce: {  	[dreg:$0x0] =	wrdreg $0xFFFFFFFF;
	(pc) =	sbr.abs _section_cstart, $3  }
0xcf: {  	[dreg:$0x1] =	wrdreg $0xFFFFFFFF  }
0xd0: {  	_ =	task.clear_ibuf [dreg:s22], $0x2FFFF;
	_ =	strace $0x9FFFFFFF  }
0xd1: {  	(tm) =	ssettm $0x7FFFFFFF  }
tec
execute0_lowered:
.L_overlay_start_1:
0x0: {  	(tag) =	ssettag $0x1  }
0x1: {  	s0 =	rddreg [dreg:$0x0]  }
0x2: {  	s1 =	rddreg [dreg:$0x1];
	s3 =	simm.s32 $0x0;
	s2 =	srdreg.scid  }
0x3: {  	s4 =	stileid.u32;
	s28 =	simm.s32 $0x80;
	s29 =	simm.s32 $0x1  }
0x4: {  	s30 =	simm.s32 $0x2;
	s31 =	simm.s32 $0x0;
	[smem:$0x7FF] =	sst s3  }
0x5: {  	s2 =	sand.u32 $0x1, s2;
	s5 =	sshll.u32 s4, $0x1;
	s9 =	smul.u32 $0x50000, s4  }
0x6: {  	s24 =	sadd.s32 $0x5000, s0;
	s6 =	sadd.s32 $0x19000, s0;
	s19 =	smul.u32 $0x14000, s4  }
0x7: {  	s20 =	smul.u32 $0x5000, s4;
	_ =	strace $0x8000004A;
	[dreg:$0x3] =	wrdreg s6  }
0x8: {  	s22 =	sor.u32 s2, s5;
	s5 =	sadd.s32 $0x69800, s0;
	s18 =	smul.u32 $0x140000, s2  }
0x9: {  	s7 =	ssub.s32 $0x2, s2;
	s0 =	sadd.s32 $0x6A000, s0;
	s2 =	smul.u32 $0x2800, s2  }
0xa: {  	s6 =	smul.u32 $0x2800, s22;
	s8 =	sshrl.u32 s7, $0x1;
	s23 =	sshrl.u32 s9, $0x2  }
0xb: {  	s15 =	sadd.s32 $0x4000, s19;
	s21 =	sadd.s32 $0x8000, s19;
	s22 =	sadd.s32 $0xC000, s19  }
0xc: {  	s10 =	ssub.s32 s7, s8;
	s7 =	sadd.s32 s23, s1;
	s13 =	sadd.s32 s18, s19  }
0xd: {  	s16 =	sadd.s32 s18, s15;
	s15 =	sadd.s32 s15, s1;
	s17 =	sadd.s32 s21, s1  }
0xe: {  	s21 =	sadd.s32 s18, s21;
	s2 =	sadd.s32 s2, s20;
	s25 =	sadd.s32 s18, s22  }
0xf: {  	s23 =	sadd.s32 $0x10000, s19;
	s6 =	sshrl.u32 s6, $0x3;
	s9 =	smax.u32 s10, $0x1  }
0x10: {  	s10 =	sadd.s32 $0x4000, s7;
	s11 =	sadd.s32 $0x8000, s7;
	s12 =	sadd.s32 $0xC000, s7  }
0x11: {  	s14 =	sshrl.u32 s13, $0x3;
	s13 =	sadd.s32 $0x10000, s7;
	s16 =	sshrl.u32 s16, $0x3  }
0x12: {  	s26 =	sshrl.u32 s21, $0x3;
	s20 =	sshrl.u32 s25, $0x3;
	s4 =	sadd.s32 s18, s23  }
0x13: {  	s21 =	sadd.s32 s22, s1;
	s22 =	sadd.s32 s23, s1;
	s6 =	sadd.s32 s24, s6  }
0x14: {  	s14 =	sadd.s32 s0, s14;
	s16 =	sadd.s32 s0, s16;
	s18 =	sadd.s32 s0, s26  }
0x15: {  	s19 =	sadd.s32 s0, s20;
	s25 =	sshrl.u32 s4, $0x3;
	s26 =	sor.u32 $0x180, s2  }
0x16: {  	s2 =	sor.u32 $0x100, s2;
	s8 =	sadd.s32 $0x10, s6;
	s20 =	sadd.s32 s0, s25  }
0x17: {  	s0 =	sshrl.u32 s26, $0x3;
	s2 =	sshrl.u32 s2, $0x3;
	s25 =	simm.s32 $0x100  }
0x18: {  	s26 =	simm.s32 $0x3;
	s23 =	sadd.s32 s0, s24;
	s24 =	sadd.s32 s2, s24  }
.LBB2_1:
0x19: {  	s0 =	rddreg [dreg:$0x3]  }
0x1a: {  	[tilespmem:s25], [sflag:$0x3] =	stream.linear.gather [hbm4b:s0+s3], $0x4000, $0x38;
	[tilespmem:$0x18100] =	vst v63  }
0x1b: {  	_ =	swait.ge [sflag:s26], $0x4000  }
0x1c: {  	[sflag:s26] =	ssyncset.done $0x0  }
0x1d: {  	[sflag:s26] =	ssyncadd.s32 $0xFFFFC000  }
0x1e: {  	[spmem:s7] =	stream.linear.scatter [tilespmem:s25], [sflag:$0x3], $0x4000, $0x38;
	[tilespmem:$0x18100] =	vst v63  }
0x1f: {  	_ =	swait.ge [sflag:s26], $0x4000  }
0x20: {  	[sflag:s26] =	ssyncset.done $0x0  }
0x21: {  	[sflag:s26] =	ssyncadd.s32 $0xFFFFC000  }
0x22: {  	[spmem:s10] =	stream.linear.scatter [tilespmem:s25], [sflag:$0x3], $0x4000, $0x38;
	[tilespmem:$0x18100] =	vst v63  }
0x23: {  	_ =	swait.ge [sflag:s26], $0x4000  }
0x24: {  	[sflag:s26] =	ssyncset.done $0x0  }
0x25: {  	[sflag:s26] =	ssyncadd.s32 $0xFFFFC000  }
0x26: {  	[spmem:s11] =	stream.linear.scatter [tilespmem:s25], [sflag:$0x3], $0x4000, $0x38;
	[tilespmem:$0x18100] =	vst v63  }
0x27: {  	_ =	swait.ge [sflag:s26], $0x4000  }
0x28: {  	[sflag:s26] =	ssyncset.done $0x0  }
0x29: {  	[sflag:s26] =	ssyncadd.s32 $0xFFFFC000  }
0x2a: {  	[spmem:s12] =	stream.linear.scatter [tilespmem:s25], [sflag:$0x3], $0x4000, $0x38;
	[tilespmem:$0x18100] =	vst v63  }
0x2b: {  	_ =	swait.ge [sflag:s26], $0x4000  }
0x2c: {  	[sflag:s26] =	ssyncset.done $0x0  }
0x2d: {  	[sflag:s26] =	ssyncadd.s32 $0xFFFFC000  }
0x2e: {  	[spmem:s13] =	stream.linear.scatter [tilespmem:s25], [sflag:$0x3], $0x4000, $0x38;
	[tilespmem:$0x18100] =	vst v63  }
0x2f: {  	_ =	swait.ge [sflag:s26], $0x4000  }
0x30: {  	[sflag:s26] =	ssyncset.done $0x0  }
0x31: {  	[sflag:s26] =	ssyncadd.s32 $0xFFFFC000  }
0x32: {  	[tilespmem:s25], [sflag:$0x3] =	stream.linear.gather [hbm4b:s5+s3], $0x4000, $0x38;
	[tilespmem:$0x18100] =	vst v63  }
0x33: {  	_ =	swait.ge [sflag:s26], $0x4000  }
0x34: {  	[sflag:s26] =	ssyncset.done $0x0  }
0x35: {  	[sflag:s26] =	ssyncadd.s32 $0xFFFFC000  }
0x36: {  	[bflag:$0x0] =	sbarrier.arrive $0xFFFF  }
0x37: {  	[tilespmem:s3], [sflag:$0x1] =	stream.linear.gather [hbm4b:s6+s3], $0x80, $0x38;
	[tilespmem:$0x18100] =	vst v63  }
0x38: {  	_ = 	snop  }
0x39: {  	[tilespmem:s28], [sflag:$0x2] =	stream.linear.gather [hbm4b:s8+s3], $0x80, $0x38;
	[tilespmem:$0x18100] =	vst v63  }
0x3a: {  	_ =	swait.ge [sflag:s29], $0x80  }
0x3b: {  	[sflag:s29] =	ssyncset.done $0x0  }
0x3c: {  	[sflag:s29] =	ssyncadd.s32 $0xFFFFFF80  }
0x3d: {  	[spmem:s1] =	stream.indirect.scatter.add.f32 [tilespmem:s25], [sflag:$0x3], $0x80, s3, s28, $0xb8;
	[tilespmem:$0x18100] =	vst v63  }
0x3e: {  	_ =	swait.ge [sflag:s26], $0x4000  }
0x3f: {  	[sflag:s26] =	ssyncset.done $0x0  }
0x40: {  	s4 =	sadd.s32 $0x0, s24;
	[sflag:s26] =	ssyncadd.s32 $0xFFFFC000  }
0x41: {  	[tilespmem:s3], [sflag:$0x1] =	stream.linear.gather [hbm4b:s4+s3], $0x80, $0x38;
	[tilespmem:$0x18100] =	vst v63  }
0x42: {  	_ =	swait.ge [sflag:s30], $0x80  }
0x43: {  	[sflag:s30] =	ssyncset.done $0x0  }
0x44: {  	[sflag:s30] =	ssyncadd.s32 $0xFFFFFF80  }
0x45: {  	[spmem:s1] =	stream.indirect.scatter.add.f32 [tilespmem:s25], [sflag:$0x3], $0x80, s28, s28, $0xb8;
	[tilespmem:$0x18100] =	vst v63  }
0x46: {  	_ =	swait.ge [sflag:s26], $0x4000  }
0x47: {  	[sflag:s26] =	ssyncset.done $0x0  }
0x48: {  	s2 =	sadd.s32 $0x0, s23;
	s0 =	simm.s32 $0x20;
	[sflag:s26] =	ssyncadd.s32 $0xFFFFC000  }
.LBB2_2:
0x49: {  	[tilespmem:s28], [sflag:$0x2] =	stream.linear.gather [hbm4b:s2+s3], $0x80, $0x38;
	[tilespmem:$0x18100] =	vst v63  }
0x4a: {  	s2 =	smov.u32 s0  }
0x4b: {  	p0 =	sne.s32 s0, $0x4C0;
	s0 =	sadd.s32 $0x20, s0;
	_ =	swait.ge [sflag:s29], $0x80  }
0x4c: {  	[sflag:s29] =	ssyncset.done $0x0  }
0x4d: {  	[sflag:s29] =	ssyncadd.s32 $0xFFFFFF80  }
0x4e: {  	[spmem:s1] =	stream.indirect.scatter.add.f32 [tilespmem:s25], [sflag:$0x3], $0x80, s3, s28, $0xb8;
	[tilespmem:$0x18100] =	vst v63  }
0x4f: {  	_ =	swait.ge [sflag:s26], $0x4000  }
0x50: {  	[sflag:s26] =	ssyncset.done $0x0  }
0x51: {  	s4 =	sadd.s32 s2, s24;
	[sflag:s26] =	ssyncadd.s32 $0xFFFFC000  }
0x52: {  	[tilespmem:s3], [sflag:$0x1] =	stream.linear.gather [hbm4b:s4+s3], $0x80, $0x38;
	[tilespmem:$0x18100] =	vst v63  }
0x53: {  	_ =	swait.ge [sflag:s30], $0x80  }
0x54: {  	[sflag:s30] =	ssyncset.done $0x0  }
.Ltmp0:
0x55: {  	[sflag:s30] =	ssyncadd.s32 $0xFFFFFF80;
	(pc) =	sbr.rel @p0 .LBB2_2-.Ltmp0, $4  }
0x56: {  	[spmem:s1] =	stream.indirect.scatter.add.f32 [tilespmem:s25], [sflag:$0x3], $0x80, s28, s28, $0xb8;
	[tilespmem:$0x18100] =	vst v63  }
0x57: {  	_ =	swait.ge [sflag:s26], $0x4000  }
0x58: {  	[sflag:s26] =	ssyncset.done $0x0  }
0x59: {  	s2 =	sadd.s32 s2, s23;
	[sflag:s26] =	ssyncadd.s32 $0xFFFFC000  }
0x5a: {  	[tilespmem:s28], [sflag:$0x2] =	stream.linear.gather [hbm4b:s2+s3], $0x80, $0x38;
	[tilespmem:$0x18100] =	vst v63  }
0x5b: {  	_ =	swait.ge [sflag:s29], $0x80  }
0x5c: {  	[sflag:s29] =	ssyncset.done $0x0  }
0x5d: {  	[sflag:s29] =	ssyncadd.s32 $0xFFFFFF80  }
0x5e: {  	[spmem:s1] =	stream.indirect.scatter.add.f32 [tilespmem:s25], [sflag:$0x3], $0x80, s3, s28, $0xb8;
	[tilespmem:$0x18100] =	vst v63  }
0x5f: {  	_ =	swait.ge [sflag:s26], $0x4000  }
0x60: {  	[sflag:s26] =	ssyncset.done $0x0  }
0x61: {  	[sflag:s26] =	ssyncadd.s32 $0xFFFFC000  }
0x62: {  	_ =	swait.ge [sflag:s30], $0x80  }
0x63: {  	[sflag:s30] =	ssyncset.done $0x0  }
0x64: {  	[sflag:s30] =	ssyncadd.s32 $0xFFFFFF80  }
0x65: {  	[spmem:s1] =	stream.indirect.scatter.add.f32 [tilespmem:s25], [sflag:$0x3], $0x80, s28, s28, $0xb8;
	[tilespmem:$0x18100] =	vst v63  }
0x66: {  	_ =	swait.ge [sflag:s26], $0x4000  }
0x67: {  	[sflag:s26] =	ssyncset.done $0x0  }
0x68: {  	[sflag:s26] =	ssyncadd.s32 $0xFFFFC000  }
0x69: {  	[bflag:$0x0] =	sbarrier.arrive $0xFFFF  }
0x6a: {  	[tilespmem:s25], [sflag:$0x3] =	stream.linear.gather [spmem:s7], $0x4000, $0x38;
	[tilespmem:$0x18100] =	vst v63  }
0x6b: {  	_ =	swait.ge [sflag:s26], $0x4000  }
0x6c: {  	[sflag:s26] =	ssyncset.done $0x0  }
0x6d: {  	[sflag:s26] =	ssyncadd.s32 $0xFFFFC000  }
0x6e: {  	[hbm4b:s14+s3] =	stream.linear.scatter [tilespmem:s25], [sflag:$0x3], $0x4000, $0x38;
	[tilespmem:$0x18100] =	vst v63  }
0x6f: {  	_ =	swait.ge [sflag:s26], $0x4000  }
0x70: {  	[sflag:s26] =	ssyncset.done $0x0  }
0x71: {  	[sflag:s26] =	ssyncadd.s32 $0xFFFFC000  }
0x72: {  	[tilespmem:s25], [sflag:$0x3] =	stream.linear.gather [spmem:s15], $0x4000, $0x38;
	[tilespmem:$0x18100] =	vst v63  }
0x73: {  	_ =	swait.ge [sflag:s26], $0x4000  }
0x74: {  	[sflag:s26] =	ssyncset.done $0x0  }
0x75: {  	[sflag:s26] =	ssyncadd.s32 $0xFFFFC000  }
0x76: {  	[hbm4b:s16+s3] =	stream.linear.scatter [tilespmem:s25], [sflag:$0x3], $0x4000, $0x38;
	[tilespmem:$0x18100] =	vst v63  }
0x77: {  	_ =	swait.ge [sflag:s26], $0x4000  }
0x78: {  	[sflag:s26] =	ssyncset.done $0x0  }
0x79: {  	[sflag:s26] =	ssyncadd.s32 $0xFFFFC000  }
0x7a: {  	[tilespmem:s25], [sflag:$0x3] =	stream.linear.gather [spmem:s17], $0x4000, $0x38;
	[tilespmem:$0x18100] =	vst v63  }
0x7b: {  	_ =	swait.ge [sflag:s26], $0x4000  }
0x7c: {  	[sflag:s26] =	ssyncset.done $0x0  }
0x7d: {  	[sflag:s26] =	ssyncadd.s32 $0xFFFFC000  }
0x7e: {  	[hbm4b:s18+s3] =	stream.linear.scatter [tilespmem:s25], [sflag:$0x3], $0x4000, $0x38;
	[tilespmem:$0x18100] =	vst v63  }
0x7f: {  	_ =	swait.ge [sflag:s26], $0x4000  }
0x80: {  	[sflag:s26] =	ssyncset.done $0x0  }
0x81: {  	[sflag:s26] =	ssyncadd.s32 $0xFFFFC000  }
0x82: {  	[tilespmem:s25], [sflag:$0x3] =	stream.linear.gather [spmem:s21], $0x4000, $0x38;
	[tilespmem:$0x18100] =	vst v63  }
0x83: {  	_ =	swait.ge [sflag:s26], $0x4000  }
0x84: {  	[sflag:s26] =	ssyncset.done $0x0  }
0x85: {  	[sflag:s26] =	ssyncadd.s32 $0xFFFFC000  }
0x86: {  	[hbm4b:s19+s3] =	stream.linear.scatter [tilespmem:s25], [sflag:$0x3], $0x4000, $0x38;
	[tilespmem:$0x18100] =	vst v63  }
0x87: {  	_ =	swait.ge [sflag:s26], $0x4000  }
0x88: {  	[sflag:s26] =	ssyncset.done $0x0  }
0x89: {  	[sflag:s26] =	ssyncadd.s32 $0xFFFFC000  }
0x8a: {  	[tilespmem:s25], [sflag:$0x3] =	stream.linear.gather [spmem:s22], $0x4000, $0x38;
	[tilespmem:$0x18100] =	vst v63  }
0x8b: {  	s31 =	sadd.s32 $0x1, s31;
	_ =	swait.ge [sflag:s26], $0x4000  }
0x8c: {  	p0 =	sne.s32 s31, s9;
	[sflag:s26] =	ssyncset.done $0x0  }
.Ltmp1:
0x8d: {  	[sflag:s26] =	ssyncadd.s32 $0xFFFFC000;
	(pc) =	sbr.rel @p0 .LBB2_1-.Ltmp1, $4  }
0x8e: {  	[hbm4b:s20+s3] =	stream.linear.scatter [tilespmem:s25], [sflag:$0x3], $0x4000, $0x38;
	[tilespmem:$0x18100] =	vst v63  }
0x8f: {  	_ =	swait.ge [sflag:s26], $0x4000  }
0x90: {  	[sflag:s26] =	ssyncset.done $0x0  }
0x91: {  	[sflag:s26] =	ssyncadd.s32 $0xFFFFC000  }
0x92: {  	_ =	sfence.sel $0x180000  }
0x93: {  	[bflag:$0x0] =	sbarrier.arrive $0xFFFF  }
0x94: {  	_ =	strace $0x9000004A  }
0x95: {  	s0 =	stileid.u32;
	[bflag:$0x2] =	sbarrier.arrive $0xFFFF  }
0x96: {  	p0 =	sne.s32 s0, $0x0;
	s0 =	rddreg [dreg:$0x2]  }
0x97: {  	s0 =	sadd.s32 @!p0 $0x100000, s0  }
0x98: {  	[sflag:s0] =	ssyncadd.tile.s32 @!p0 $0x1;
	_ =	shalt  }
.Lfunc_end2:
_tile_overlayer_lowered:
.L_overlay_start_2:
0x99: {  	(tag) =	ssettag $0x2  }
0x9a: {  	s0 =	rddreg [dreg:$0x0];
	s2 =	stileid.u32  }
0x9b: {  	s1 =	rddreg [dreg:$0x1];
	p0 =	sne.s32 s2, $0x0  }
0x9c: {  	s3 =	rddreg [dreg:$0x2];
	[bflag:$0x3] =	sbarrier.arrive $0xFFFF;
	s2 =	simm.s32 @!p0 $0x1C03  }
0x9d: {  	[timem:s3], [sflag:s2] =	dma.local @!p0 [hbm:s0], s1  }
0x9e: {  	s0 =	simm.s32 @!p0 $0x3  }
0x9f: {  	_ =	swait.ge @!p0 [sflag:s0], s1  }
0xa0: {  	s1 =	ssub.s32 @!p0 $0x0, s1;
	[sflag:s0] =	ssyncset.done @!p0 $0x0  }
0xa1: {  	[sflag:s0] =	ssyncadd.s32 @!p0 s1  }
0xa2: {  	[bflag:$0x3] =	sbarrier.arrive $0xFFFF  }
0xa3: {  	_ =	shalt  }

// kernel: kernel.15.cloned.1.call-start
scs
__scs_entry_jumppad:
0x0: {  	(pc) =	sbr.rel $0x88, $3  }
0x1: {  	(tag) =	ssettag $0x0;
	lr =	simm.s32 $0x1  }
0x2: {  	[smem:$0x3F87] =	sst lr;
	_ =	strace $0xD0000000  }
0x3: {  	_ = 	snop  }
0x4: {  	_ = 	snop  }
0x5: {  	_ = 	snop  }
0x6: {  	_ = 	snop  }
0x7: {  	_ = 	snop  }
__scs_overlays_trampoline_lowered:
0x8: {  	[smem:$0x3F96] =	sst s0  }
0x9: {  	[smem:$0x3F97] =	sst s1  }
0xa: {  	[smem:$0x3F98] =	sst s2  }
0xb: {  	[smem:$0x3F99] =	sst s3  }
0xc: {  	[smem:$0x3F9A] =	sst s4  }
0xd: {  	[smem:$0x3F9B] =	sst s5  }
0xe: {  	[smem:$0x3F9C] =	sst s6  }
0xf: {  	[smem:$0x3F9D] =	sst s7  }
0x10: {  	[smem:$0x3F9E] =	sst s8  }
0x11: {  	[smem:$0x3F9F] =	sst s9;
	s0 =	simm.s32 @!p0 $0x0  }
0x12: {  	s1 =	sld [smem:$0x3F85];
	s0 =	simm.s32 @p0 $0x1  }
0x13: {  	[smem:$0x3FA0] =	sst s0;
	s0 =	simm.s32 @!p1 $0x0  }
0x14: {  	s2 =	sld [smem:$0x3F84];
	s0 =	simm.s32 @p1 $0x1  }
0x15: {  	[smem:$0x3FA1] =	sst s0;
	s0 =	simm.s32 @!p2 $0x0  }
0x16: {  	s3 =	sld [smem:$0x3FDB];
	s0 =	simm.s32 @p2 $0x1  }
0x17: {  	s4 =	simm.s32 $0x1BF5;
	[smem:$0x3FA3] =	sst s0  }
0x18: {  	s0 =	sld [smem:$0x3F86];
	_ =	swait.ge [sflag:s4], $0x0  }
0x19: {  	s7 =	sld [smem:$0x3F87]  }
0x1a: {  	s8 =	sadd.s32 $0xFFFFE003, lr  }
0x1b: {  	s9 =	sadd.s32 $0xFFFFFEF7, lr;
	s5 =	simm.s32 $0xFFFFFFFF;
	p2 =	slt.u32 s8, $0xFFFFF086  }
0x1c: {  	p1 =	slt.u32 s9, $0xF7A;
	s5 =	simm.s32 @!p2 $0x0  }
0x1d: {  	s5 =	simm.s32 @p1 $0x1;
	p0 =	seq.s32 s7, s2  }
0x1e: {  	s7 =	smul.u32 @!p0 $0xF7A, s2;
	p2 =	seq.s32 @!p0 s5, $0x0  }
0x1f: {  	s9 =	smul.u32 $0xF7A, s1;
	s8 =	simm.s32 @!p0 $0x1BF5;
	p2 =	por !p2, p0  }
0x20: {  	[sflag:s8] =	ssyncset.s32 @!p0 $0xFFFFF086;
	s6 =	sadd.s32 @!p0 s3, s7;
	s7 =	simm.s32 @!p0 $0x108  }
0x21: {  	s3 =	sadd.s32 s3, s9;
	s6 =	sadd.s32 @!p0 $0x88, s6;
	s7 =	simm.s32 @p2 $0x1082  }
0x22: {  	[simem:s7], [sflag:s8] =	dma.local @!p0 [hbm:s6], $0xF7A  }
0x23: {  	s9 =	sor.u32 $0xD0000000, s2;
	s6 =	simm.s32 $0x108;
	_ =	swait.ge @!p0 [sflag:s8], $0x0  }
0x24: {  	s3 =	sadd.s32 $0x88, s3;
	s6 =	simm.s32 @!p1 $0x1082;
	[sflag:s4] =	ssyncset.s32 $0xFFFFF086  }
0x25: {  	[simem:s6], [sflag:s4] =	dma.local [hbm:s3], $0xF7A  }
0x26: {  	[smem:$0x3F87] =	sst s1;
	(tag) =	ssettag s2;
	_ =	strace s9  }
0x27: {  	s1 =	sld [smem:$0x3F97]  }
0x28: {  	s2 =	sld [smem:$0x3F98]  }
0x29: {  	s4 =	sld [smem:$0x3F9A]  }
0x2a: {  	p0 =	seq.s32 s5, $0x0;
	s5 =	sld [smem:$0x3F9B]  }
0x2b: {  	s6 =	sld [smem:$0x3F9C]  }
0x2c: {  	s7 =	sld [smem:$0x3F9D]  }
0x2d: {  	s3 =	simm.s32 $0x108;
	s8 =	sld [smem:$0x3F9E]  }
0x2e: {  	s3 =	simm.s32 @!p0 $0x1082;
	s9 =	sld [smem:$0x3F9F]  }
0x2f: {  	lr =	sadd.s32 s0, s3;
	s0 =	sld [smem:$0x3F96]  }
0x30: {  	s3 =	sld [smem:$0x3F99]  }
0x31: {  	[smem:$0x3FA2] =	sst s10  }
0x32: {  	s10 =	sld [smem:$0x3FA0];
	_ =	sdelay $0x3  }
0x33: {  	p0 =	seq.s32 s10, $0x1;
	s10 =	sld [smem:$0x3FA2];
	_ =	sdelay $0x3  }
0x34: {  	[smem:$0x3FA2] =	sst s10  }
0x35: {  	s10 =	sld [smem:$0x3FA1];
	_ =	sdelay $0x3  }
0x36: {  	p1 =	seq.s32 s10, $0x1;
	s10 =	sld [smem:$0x3FA2];
	_ =	sdelay $0x3  }
0x37: {  	[smem:$0x3FA2] =	sst s10  }
0x38: {  	s10 =	sld [smem:$0x3FA3]  }
0x39: {  	_ = 	snop;
	(pc) =	sbr.ind lr, $3  }
0x3a: {  	_ = 	snop  }
0x3b: {  	_ = 	snop  }
0x3c: {  	p2 =	seq.s32 s10, $0x1;
	s10 =	sld [smem:$0x3FA2]  }
0x3d: {  	_ =	shalt  }
0x3e: {  	_ =	shalt  }
0x3f: {  	_ =	shalt  }
0x40: {  	_ =	shalt  }
0x41: {  	_ =	shalt  }
0x42: {  	_ =	shalt  }
0x43: {  	_ =	shalt  }
0x44: {  	_ =	shalt  }
0x45: {  	_ =	shalt  }
0x46: {  	_ =	shalt  }
0x47: {  	_ =	shalt  }
0x48: {  	_ =	shalt  }
0x49: {  	_ =	shalt  }
0x4a: {  	_ =	shalt  }
0x4b: {  	_ =	shalt  }
0x4c: {  	_ =	shalt  }
0x4d: {  	_ =	shalt  }
0x4e: {  	_ =	shalt  }
0x4f: {  	_ =	shalt  }
0x50: {  	_ =	shalt  }
0x51: {  	_ =	shalt  }
0x52: {  	_ =	shalt  }
0x53: {  	_ =	shalt  }
0x54: {  	_ =	shalt  }
0x55: {  	_ =	shalt  }
0x56: {  	_ =	shalt  }
0x57: {  	_ =	shalt  }
0x58: {  	_ =	shalt  }
0x59: {  	_ =	shalt  }
0x5a: {  	_ =	shalt  }
0x5b: {  	_ =	shalt  }
0x5c: {  	_ =	shalt  }
0x5d: {  	_ =	shalt  }
0x5e: {  	_ =	shalt  }
0x5f: {  	_ =	shalt  }
0x60: {  	_ =	shalt  }
0x61: {  	_ =	shalt  }
0x62: {  	_ =	shalt  }
0x63: {  	_ =	shalt  }
0x64: {  	_ =	shalt  }
0x65: {  	_ =	shalt  }
0x66: {  	_ =	shalt  }
0x67: {  	_ =	shalt  }
0x68: {  	_ =	shalt  }
0x69: {  	_ =	shalt  }
0x6a: {  	_ =	shalt  }
0x6b: {  	_ =	shalt  }
0x6c: {  	_ =	shalt  }
0x6d: {  	_ =	shalt  }
0x6e: {  	_ =	shalt  }
0x6f: {  	_ =	shalt  }
0x70: {  	_ =	shalt  }
0x71: {  	_ =	shalt  }
0x72: {  	_ =	shalt  }
0x73: {  	_ =	shalt  }
0x74: {  	_ =	shalt  }
0x75: {  	_ =	shalt  }
0x76: {  	_ =	shalt  }
0x77: {  	_ =	shalt  }
0x78: {  	_ =	shalt  }
0x79: {  	_ =	shalt  }
0x7a: {  	_ =	shalt  }
0x7b: {  	_ =	shalt  }
0x7c: {  	_ =	shalt  }
0x7d: {  	_ =	shalt  }
0x7e: {  	_ =	shalt  }
0x7f: {  	_ =	shalt  }
0x80: {  	_ =	shalt  }
0x81: {  	_ =	shalt  }
0x82: {  	_ =	shalt  }
0x83: {  	_ =	shalt  }
0x84: {  	_ =	shalt  }
0x85: {  	_ =	shalt  }
0x86: {  	_ =	shalt  }
0x87: {  	_ =	shalt  }
.Lfunc_end0:
.L_simem_size_0:
called_computation.1_lowered:
.L_overlay_start_0:
0x88: {  	s2 =	sld [smem:$0x3FD9]  }
0x89: {  	s3 =	sld [smem:$0x3FFE];
	_ =	sdelay $0x1  }
0x8a: {  	s1 =	srdreg.scid  }
0x8b: {  	s0 =	sand.u32 $0x1, s1  }
0x8c: {  	s14 =	sshll.u32 s0, $0xA;
	s2 =	sadd.s32 s3, s2  }
0x8d: {  	s2 =	sadd.s32 s2, s14  }
0x8e: {  	[smem:$0x3FAE] =	sst s2  }
0x8f: {  	_ = 	snop  }
0x90: {  	s2 =	sld [smem:$0x3FD0];
	_ =	sdelay $0x2  }
0x91: {  	s15 =	simm.s32 $0xB;
	s4 =	simm.s32 $0x10  }
0x92: {  	[smem:s4], [sflag:s15] =	dma.local [hbm:s2], $0x1  }
0x93: {  	_ =	swait.eq [sflag:s15], $0x1  }
0x94: {  	[sflag:s15] =	ssyncset.done $0x0  }
0x95: {  	s16 =	sld [smem:$0x10];
	[sflag:s15] =	ssyncadd.s32 $0xFFFFFFFF  }
0x96: {  	s17 =	sld [smem:$0x11];
	(tm) =	ssettm $0x1  }
0x97: {  	s18 =	sld [smem:$0x3FFB];
	_ =	sdelay $0x3  }
0x98: {  	_ =	strace s18  }
0x99: {  	s4 =	sld [smem:$0x3FFC];
	_ =	sdelay $0x3  }
0x9a: {  	_ =	strace s4  }
0x9b: {  	s4 =	sld [smem:$0x3FFD];
	_ =	sdelay $0x3  }
0x9c: {  	_ =	strace s4  }
0x9d: {  	_ =	strace $0x8FFFFFFF  }
0x9e: {  	s19 =	sld [smem:$0x3FDB];
	_ =	sdelay $0x1  }
0x9f: {  	s5 =	simm.s32 $_scs_section_size  }
0xa0: {  	s6 =	simm.s32 $_size__tile_overlayer_lowered;
	s7 =	simm.s32 $_tile_overlayer_lowered  }
0xa1: {  	s22 =	simm.s32 $0x1BFF;
	s21 =	sshll.u32 s7, $0x1;
	s4 =	sadd.s32 s5, s19  }
0xa2: {  	s8 =	simm.s32 $0x0;
	s20 =	sshll.u32 s6, $0x1;
	s6 =	sadd.s32 s21, s4  }
0xa3: {  	[timem:s8], [sflag:s22] =	dma.local [hbm:s6], s20  }
0xa4: {  	_ =	swait.ge [sflag:s22], s20  }
0xa5: {  	s5 =	ssub.s32 $0x0, s20;
	[sflag:s22] =	ssyncset.done $0x0  }
0xa6: {  	[sflag:s22] =	ssyncadd.s32 s5;
	_ =	sdelay $0x1  }
0xa7: {  	s23 =	simm.s32 $0x1B8B  }
0xa8: {  	_ =	swait.ge [sflag:s23], $0x1  }
0xa9: {  	[sflag:s23] =	ssyncset.done $0x0  }
0xaa: {  	s25 =	simm.s32 $0x1B8E;
	s24 =	sld [smem:$0x3FFE];
	[sflag:s23] =	ssyncadd.s32 $0xFFFFFFFF  }
0xab: {  	s26 =	simm.s32 $execute0_lowered;
	[smem:$0x3FD2] =	sst s25  }
0xac: {  	s6 =	sshll.u32 s26, $0x1;
	_ =	strace $0x80000046;
	[dreg:$0x1] =	wrdreg $0xFFFFFFFF  }
0xad: {  	s28 =	simm.s32 $_size_execute0_lowered;
	s4 =	sadd.s32 s4, s6;
	[dreg:$0x0] =	wrdreg $0x0  }
0xae: {  	s6 =	sshll.u32 s28, $0x1;
	[dreg:$0x2] =	wrdreg s4  }
0xaf: {  	[dreg:$0x3] =	wrdreg s6  }
0xb0: {  	[dreg:$0x4] =	wrdreg $0xC0  }
0xb1: {  	_ =	task [dreg:s8], $0x5FFFF  }
0xb2: {  	[dreg:$0x1] =	wrdreg $0xFFFFFFFF  }
0xb3: {  	[dreg:$0x0] =	wrdreg $0x60  }
0xb4: {  	[dreg:$0x2] =	wrdreg s24  }
0xb5: {  	[dreg:$0x3] =	wrdreg s17  }
0xb6: {  	[dreg:$0x4] =	wrdreg s16  }
0xb7: {  	[dreg:$0x5] =	wrdreg $0x82000  }
0xb8: {  	[dreg:$0x6] =	wrdreg $0xA  }
0xb9: {  	_ =	task.clear_ibuf [dreg:s8], $0x7FFFF;
	_ =	strace $0x90000046  }
0xba: {  	s29 =	simm.s32 $0xA;
	_ =	strace $0x80000048  }
0xbb: {  	_ =	swait.ge [sflag:s29], $0x1  }
0xbc: {  	[sflag:s29] =	ssyncadd.s32 $0xFFFFFFFF  }
0xbd: {  	_ =	strace $0x90000048  }
0xbe: {  	_ =	sfence  }
0xbf: {  	s30 =	sld [smem:$0x0];
	_ =	sdelay $0x2  }
0xc0: {  	s31 =	sshll.u32 s1, $0xD;
	s1 =	sshrl.u32 s1, $0x2  }
0xc1: {  	s3 =	sand.u32 $0x4000, s31;
	s1 =	sadd.s32 s1, s30  }
0xc2: {  	s0 =	sor.u32 s3, s0;
	s1 =	sshll.u32 s1, $0x11  }
0xc3: {  	s0 =	sor.u32 s1, s0  }
0xc4: {  	s0 =	sadd.s32 $0x8F2B, s0  }
0xc5: {  	[sflag:s0] =	ssyncadd.remote.s32 $0x1  }
0xc6: {  	_ =	sfence.sel $0xFFFF  }
0xc7: {  	[dreg:$0x0] =	wrdreg $0xFFFFFFFF;
	(pc) =	sbr.abs _section_cstart, $3  }
0xc8: {  	[dreg:$0x1] =	wrdreg $0xFFFFFFFF  }
0xc9: {  	_ =	task.clear_ibuf [dreg:s8], $0x2FFFF;
	_ =	strace $0x9FFFFFFF  }
0xca: {  	(tm) =	ssettm $0x7FFFFFFF  }
0xcb: {  	_ =	shalt  }
tec
execute0_lowered:
.L_overlay_start_1:
0x0: {  	(tag) =	ssettag $0x1  }
0x1: {  	s0 =	rddreg [dreg:$0x0]  }
0x2: {  	s1 =	rddreg [dreg:$0x1]  }
0x3: {  	s2 =	rddreg [dreg:$0x2]  }
0x4: {  	s3 =	rddreg [dreg:$0x3]  }
0x5: {  	s5 =	srdreg.scid;
	s13 =	stileid.u32  }
0x6: {  	s4 =	simm.s32 $0x0;
	s30 =	simm.s32 $0x200;
	s31 =	simm.s32 $0x5  }
0x7: {  	s5 =	sand.u32 $0x1, s5;
	s6 =	sshll.u32 s13, $0x1;
	s10 =	smul.u32 $0x50000, s13  }
0x8: {  	[smem:$0x7FF] =	sst s4;
	s8 =	sadd.s32 $0xF000, s0;
	s12 =	smul.u32 $0x14000, s13  }
0x9: {  	s11 =	sadd.s32 $0x19000, s0;
	s0 =	sadd.s32 $0x19800, s0;
	s13 =	smul.u32 $0x5000, s13  }
0xa: {  	s6 =	sor.u32 s5, s6;
	_ =	strace $0x80000047;
	s20 =	smul.u32 $0x140000, s5  }
0xb: {  	s7 =	ssub.s32 $0x2, s5;
	[dreg:$0x5] =	wrdreg s11;
	s5 =	smul.u32 $0x2800, s5  }
0xc: {  	s6 =	smul.u32 $0x2800, s6;
	s9 =	sshrl.u32 s7, $0x1;
	s18 =	sshrl.u32 s10, $0x2  }
0xd: {  	s15 =	sadd.s32 $0xC000, s12;
	s7 =	ssub.s32 s7, s9;
	s23 =	sadd.s32 s20, s12  }
0xe: {  	s5 =	sadd.s32 s5, s13;
	s19 =	sshrl.u32 s6, $0x3;
	s6 =	sadd.s32 s18, s3  }
0xf: {  	s7 =	smax.u32 s7, $0x1;
	s24 =	sshrl.u32 s23, $0x3;
	s21 =	sor.u32 $0x10, s19  }
0x10: {  	s14 =	sadd.s32 s8, s19;
	s10 =	sadd.s32 s1, s19;
	[dreg:$0xa] =	wrdreg s7  }
0x11: {  	s7 =	sadd.s32 s0, s24;
	s24 =	sor.u32 $0x180, s5;
	[dreg:$0x6] =	wrdreg s14  }
0x12: {  	s5 =	sor.u32 $0x100, s5;
	s28 =	sadd.s32 $0xC000, s6;
	[dreg:$0x7] =	wrdreg s10  }
0x13: {  	s29 =	sadd.s32 $0x10000, s6;
	s22 =	sadd.s32 s8, s21;
	[dreg:$0xb] =	wrdreg s7  }
0x14: {  	s9 =	sadd.s32 s1, s21;
	s10 =	sadd.s32 $0x4000, s12;
	[dreg:$0x8] =	wrdreg s22  }
0x15: {  	s21 =	sadd.s32 $0x4000, s6;
	[dreg:$0x9] =	wrdreg s9;
	s25 =	sadd.s32 s20, s10  }
0x16: {  	s9 =	sadd.s32 $0x8000, s12;
	s22 =	sadd.s32 s20, s15;
	s12 =	sadd.s32 $0x10000, s12  }
0x17: {  	s26 =	sshrl.u32 s25, $0x3;
	s14 =	sadd.s32 s20, s9;
	s11 =	sadd.s32 s20, s12  }
0x18: {  	s25 =	sshrl.u32 s24, $0x3;
	s24 =	sadd.s32 s15, s3;
	s7 =	sadd.s32 s0, s26  }
0x19: {  	s23 =	sshrl.u32 s11, $0x3;
	s17 =	sadd.s32 s25, s1;
	s18 =	sadd.s32 s25, s8  }
0x1a: {  	s26 =	sshrl.u32 s5, $0x3;
	s25 =	sadd.s32 s12, s3;
	s5 =	simm.s32 $0x180  }
0x1b: {  	s11 =	simm.s32 $0x3;
	s12 =	simm.s32 $0x0;
	[dreg:$0xc] =	wrdreg s7  }
0x1c: {  	s7 =	sshrl.u32 s14, $0x3;
	s16 =	sadd.s32 s0, s23;
	s19 =	sadd.s32 s26, s1  }
0x1d: {  	s20 =	sadd.s32 s26, s8;
	s23 =	sadd.s32 s9, s3;
	s26 =	sadd.s32 $0x8000, s6  }
0x1e: {  	s1 =	simm.s32 $0x100;
	s8 =	simm.s32 $0x4200;
	s7 =	sadd.s32 s0, s7  }
0x1f: {  	s9 =	simm.s32 $0x1;
	[dreg:$0xd] =	wrdreg s7;
	s7 =	sshrl.u32 s22, $0x3  }
0x20: {  	s22 =	sadd.s32 s10, s3;
	s10 =	simm.s32 $0x2;
	s7 =	sadd.s32 s0, s7  }
0x21: {  	s0 =	simm.s32 $0x80;
	[dreg:$0xe] =	wrdreg s7;
	s7 =	simm.s32 $0x4  }
.LBB2_1:
0x22: {  	s13 =	rddreg [dreg:$0x5]  }
0x23: {  	[tilespmem:s30], [sflag:$0x5] =	stream.linear.gather [hbm4b:s13+s4], $0x4000, $0x38;
	[tilespmem:$0x1C200] =	vst v63  }
0x24: {  	_ =	swait.ge [sflag:s31], $0x4000  }
0x25: {  	[sflag:s31] =	ssyncset.done $0x0  }
0x26: {  	[sflag:s31] =	ssyncadd.s32 $0xFFFFC000  }
0x27: {  	[spmem:s6] =	stream.linear.scatter [tilespmem:s30], [sflag:$0x5], $0x4000, $0x38;
	[tilespmem:$0x1C200] =	vst v63  }
0x28: {  	_ =	swait.ge [sflag:s31], $0x4000  }
0x29: {  	[sflag:s31] =	ssyncset.done $0x0  }
0x2a: {  	[sflag:s31] =	ssyncadd.s32 $0xFFFFC000  }
0x2b: {  	[spmem:s21] =	stream.linear.scatter [tilespmem:s30], [sflag:$0x5], $0x4000, $0x38;
	[tilespmem:$0x1C200] =	vst v63  }
0x2c: {  	_ =	swait.ge [sflag:s31], $0x4000  }
0x2d: {  	[sflag:s31] =	ssyncset.done $0x0  }
0x2e: {  	[sflag:s31] =	ssyncadd.s32 $0xFFFFC000  }
0x2f: {  	[spmem:s26] =	stream.linear.scatter [tilespmem:s30], [sflag:$0x5], $0x4000, $0x38;
	[tilespmem:$0x1C200] =	vst v63  }
0x30: {  	_ =	swait.ge [sflag:s31], $0x4000  }
0x31: {  	[sflag:s31] =	ssyncset.done $0x0  }
0x32: {  	[sflag:s31] =	ssyncadd.s32 $0xFFFFC000  }
0x33: {  	[spmem:s28] =	stream.linear.scatter [tilespmem:s30], [sflag:$0x5], $0x4000, $0x38;
	[tilespmem:$0x1C200] =	vst v63  }
0x34: {  	_ =	swait.ge [sflag:s31], $0x4000  }
0x35: {  	[sflag:s31] =	ssyncset.done $0x0  }
0x36: {  	[sflag:s31] =	ssyncadd.s32 $0xFFFFC000  }
0x37: {  	[spmem:s29] =	stream.linear.scatter [tilespmem:s30], [sflag:$0x5], $0x4000, $0x38;
	[tilespmem:$0x1C200] =	vst v63  }
0x38: {  	_ =	swait.ge [sflag:s31], $0x4000  }
0x39: {  	[sflag:s31] =	ssyncset.done $0x0  }
0x3a: {  	[sflag:s31] =	ssyncadd.s32 $0xFFFFC000  }
0x3b: {  	[bflag:$0x0] =	sbarrier.arrive $0xFFFF  }
0x3c: {  	s15 =	rddreg [dreg:$0x6]  }
0x3d: {  	[tilespmem:s4], [sflag:$0x5] =	stream.linear.gather [hbm4b:s15+s4], $0x80, $0x38;
	[tilespmem:$0x1C200] =	vst v63  }
0x3e: {  	_ =	swait.ge [sflag:s31], $0x80  }
0x3f: {  	[sflag:s31] =	ssyncset.done $0x0  }
0x40: {  	s14 =	rddreg [dreg:$0x7];
	[sflag:s31] =	ssyncadd.s32 $0xFFFFFF80  }
0x41: {  	[tilespmem:s0], [sflag:$0x5] =	stream.linear.gather [hbm4b:s14+s4], $0x80, $0x38;
	[tilespmem:$0x1C200] =	vst v63  }
0x42: {  	_ =	swait.ge [sflag:s31], $0x80  }
0x43: {  	[sflag:s31] =	ssyncset.done $0x0  }
0x44: {  	[sflag:s31] =	ssyncadd.s32 $0xFFFFFF80  }
0x45: {  	[tilespmem:s30], [sflag:$0x1] =	stream.indirect.gather [hbm4b:s2+s0], $0x80, s4, s0, $0xb8;
	[tilespmem:$0x1C200] =	vst v63  }
0x46: {  	s15 =	rddreg [dreg:$0x8]  }
0x47: {  	[tilespmem:s1], [sflag:$0x4] =	stream.linear.gather [hbm4b:s15+s4], $0x80, $0x38;
	[tilespmem:$0x1C200] =	vst v63  }
0x48: {  	s14 =	rddreg [dreg:$0x9]  }
0x49: {  	[tilespmem:s5], [sflag:$0x4] =	stream.linear.gather [hbm4b:s14+s4], $0x80, $0x38;
	[tilespmem:$0x1C200] =	vst v63  }
0x4a: {  	_ =	swait.ge [sflag:s7], $0x80  }
0x4b: {  	[sflag:s7] =	ssyncset.done $0x0  }
0x4c: {  	[sflag:s7] =	ssyncadd.s32 $0xFFFFFF80  }
0x4d: {  	_ =	swait.ge [sflag:s7], $0x80  }
0x4e: {  	[sflag:s7] =	ssyncset.done $0x0  }
0x4f: {  	[sflag:s7] =	ssyncadd.s32 $0xFFFFFF80  }
0x50: {  	[tilespmem:s8], [sflag:$0x2] =	stream.indirect.gather [hbm4b:s2+s0], $0x80, s1, s0, $0xb8;
	[tilespmem:$0x1C200] =	vst v63  }
0x51: {  	_ =	swait.ge [sflag:s9], $0x4000  }
0x52: {  	[sflag:s9] =	ssyncset.done $0x0  }
0x53: {  	[sflag:s9] =	ssyncadd.s32 $0xFFFFC000  }
0x54: {  	[spmem:s3] =	stream.indirect.scatter.add.f32 [tilespmem:s30], [sflag:$0x5], $0x80, s0, s0, $0xb8;
	[tilespmem:$0x1C200] =	vst v63  }
0x55: {  	_ =	swait.ge [sflag:s31], $0x4000  }
0x56: {  	[sflag:s31] =	ssyncset.done $0x0  }
0x57: {  	s15 =	sadd.s32 $0x0, s20;
	[sflag:s31] =	ssyncadd.s32 $0xFFFFC000  }
0x58: {  	[tilespmem:s4], [sflag:$0x3] =	stream.linear.gather [hbm4b:s15+s4], $0x80, $0x38;
	[tilespmem:$0x1C200] =	vst v63  }
0x59: {  	s14 =	sadd.s32 $0x0, s19  }
0x5a: {  	[tilespmem:s0], [sflag:$0x3] =	stream.linear.gather [hbm4b:s14+s4], $0x80, $0x38;
	[tilespmem:$0x1C200] =	vst v63  }
0x5b: {  	_ =	swait.ge [sflag:s10], $0x4000  }
0x5c: {  	[sflag:s10] =	ssyncset.done $0x0  }
0x5d: {  	[sflag:s10] =	ssyncadd.s32 $0xFFFFC000  }
0x5e: {  	[spmem:s3] =	stream.indirect.scatter.add.f32 [tilespmem:s8], [sflag:$0x5], $0x80, s5, s0, $0xb8;
	[tilespmem:$0x1C200] =	vst v63  }
0x5f: {  	_ =	swait.ge [sflag:s31], $0x4000  }
0x60: {  	[sflag:s31] =	ssyncset.done $0x0  }
0x61: {  	[sflag:s31] =	ssyncadd.s32 $0xFFFFC000  }
0x62: {  	_ =	swait.ge [sflag:s11], $0x80  }
0x63: {  	[sflag:s11] =	ssyncset.done $0x0  }
0x64: {  	[sflag:s11] =	ssyncadd.s32 $0xFFFFFF80  }
0x65: {  	_ =	swait.ge [sflag:s11], $0x80  }
0x66: {  	[sflag:s11] =	ssyncset.done $0x0  }
0x67: {  	[sflag:s11] =	ssyncadd.s32 $0xFFFFFF80  }
0x68: {  	[tilespmem:s30], [sflag:$0x1] =	stream.indirect.gather [hbm4b:s2+s0], $0x80, s4, s0, $0xb8;
	[tilespmem:$0x1C200] =	vst v63  }
0x69: {  	s13 =	simm.s32 $0x20;
	s15 =	sadd.s32 $0x0, s18;
	s14 =	sadd.s32 $0x0, s17  }
0x6a: {  	[tilespmem:s1], [sflag:$0x4] =	stream.linear.gather [hbm4b:s15+s4], $0x80, $0x38;
	[tilespmem:$0x1C200] =	vst v63  }
.LBB2_2:
0x6b: {  	[tilespmem:s5], [sflag:$0x4] =	stream.linear.gather [hbm4b:s14+s4], $0x80, $0x38;
	[tilespmem:$0x1C200] =	vst v63  }
0x6c: {  	s14 =	smov.u32 s13  }
0x6d: {  	p0 =	sne.s32 s13, $0x4C0;
	s13 =	sadd.s32 $0x20, s13;
	_ =	swait.ge [sflag:s7], $0x80  }
0x6e: {  	[sflag:s7] =	ssyncset.done $0x0  }
0x6f: {  	[sflag:s7] =	ssyncadd.s32 $0xFFFFFF80  }
0x70: {  	_ =	swait.ge [sflag:s7], $0x80  }
0x71: {  	[sflag:s7] =	ssyncset.done $0x0  }
0x72: {  	[sflag:s7] =	ssyncadd.s32 $0xFFFFFF80  }
0x73: {  	[tilespmem:s8], [sflag:$0x2] =	stream.indirect.gather [hbm4b:s2+s0], $0x80, s1, s0, $0xb8;
	[tilespmem:$0x1C200] =	vst v63  }
0x74: {  	_ =	swait.ge [sflag:s9], $0x4000  }
0x75: {  	[sflag:s9] =	ssyncset.done $0x0  }
0x76: {  	[sflag:s9] =	ssyncadd.s32 $0xFFFFC000  }
0x77: {  	[spmem:s3] =	stream.indirect.scatter.add.f32 [tilespmem:s30], [sflag:$0x5], $0x80, s0, s0, $0xb8;
	[tilespmem:$0x1C200] =	vst v63  }
0x78: {  	_ =	swait.ge [sflag:s31], $0x4000  }
0x79: {  	[sflag:s31] =	ssyncset.done $0x0  }
0x7a: {  	s15 =	sadd.s32 s14, s20;
	[sflag:s31] =	ssyncadd.s32 $0xFFFFC000  }
0x7b: {  	[tilespmem:s4], [sflag:$0x3] =	stream.linear.gather [hbm4b:s15+s4], $0x80, $0x38;
	[tilespmem:$0x1C200] =	vst v63  }
0x7c: {  	s15 =	sadd.s32 s14, s19  }
0x7d: {  	[tilespmem:s0], [sflag:$0x3] =	stream.linear.gather [hbm4b:s15+s4], $0x80, $0x38;
	[tilespmem:$0x1C200] =	vst v63  }
0x7e: {  	_ =	swait.ge [sflag:s10], $0x4000  }
0x7f: {  	[sflag:s10] =	ssyncset.done $0x0  }
0x80: {  	[sflag:s10] =	ssyncadd.s32 $0xFFFFC000  }
0x81: {  	[spmem:s3] =	stream.indirect.scatter.add.f32 [tilespmem:s8], [sflag:$0x5], $0x80, s5, s0, $0xb8;
	[tilespmem:$0x1C200] =	vst v63  }
0x82: {  	_ =	swait.ge [sflag:s31], $0x4000  }
0x83: {  	[sflag:s31] =	ssyncset.done $0x0  }
0x84: {  	[sflag:s31] =	ssyncadd.s32 $0xFFFFC000  }
0x85: {  	_ =	swait.ge [sflag:s11], $0x80  }
0x86: {  	[sflag:s11] =	ssyncset.done $0x0  }
0x87: {  	[sflag:s11] =	ssyncadd.s32 $0xFFFFFF80  }
0x88: {  	_ =	swait.ge [sflag:s11], $0x80  }
0x89: {  	[sflag:s11] =	ssyncset.done $0x0  }
.Ltmp0:
0x8a: {  	[sflag:s11] =	ssyncadd.s32 $0xFFFFFF80;
	(pc) =	sbr.rel @p0 .LBB2_2-.Ltmp0, $4  }
0x8b: {  	[tilespmem:s30], [sflag:$0x1] =	stream.indirect.gather [hbm4b:s2+s0], $0x80, s4, s0, $0xb8;
	[tilespmem:$0x1C200] =	vst v63  }
0x8c: {  	s15 =	sadd.s32 s14, s18  }
0x8d: {  	[tilespmem:s1], [sflag:$0x4] =	stream.linear.gather [hbm4b:s15+s4], $0x80, $0x38;
	[tilespmem:$0x1C200] =	vst v63  }
0x8e: {  	s14 =	sadd.s32 s14, s17  }
0x8f: {  	[tilespmem:s5], [sflag:$0x4] =	stream.linear.gather [hbm4b:s14+s4], $0x80, $0x38;
	[tilespmem:$0x1C200] =	vst v63  }
0x90: {  	_ =	swait.ge [sflag:s7], $0x80  }
0x91: {  	[sflag:s7] =	ssyncset.done $0x0  }
0x92: {  	[sflag:s7] =	ssyncadd.s32 $0xFFFFFF80  }
0x93: {  	_ =	swait.ge [sflag:s7], $0x80  }
0x94: {  	[sflag:s7] =	ssyncset.done $0x0  }
0x95: {  	[sflag:s7] =	ssyncadd.s32 $0xFFFFFF80  }
0x96: {  	[tilespmem:s8], [sflag:$0x2] =	stream.indirect.gather [hbm4b:s2+s0], $0x80, s1, s0, $0xb8;
	[tilespmem:$0x1C200] =	vst v63  }
0x97: {  	_ =	swait.ge [sflag:s9], $0x4000  }
0x98: {  	[sflag:s9] =	ssyncset.done $0x0  }
0x99: {  	[sflag:s9] =	ssyncadd.s32 $0xFFFFC000  }
0x9a: {  	[spmem:s3] =	stream.indirect.scatter.add.f32 [tilespmem:s30], [sflag:$0x5], $0x80, s0, s0, $0xb8;
	[tilespmem:$0x1C200] =	vst v63  }
0x9b: {  	_ =	swait.ge [sflag:s31], $0x4000  }
0x9c: {  	[sflag:s31] =	ssyncset.done $0x0  }
0x9d: {  	[sflag:s31] =	ssyncadd.s32 $0xFFFFC000  }
0x9e: {  	_ =	swait.ge [sflag:s10], $0x4000  }
0x9f: {  	[sflag:s10] =	ssyncset.done $0x0  }
0xa0: {  	[sflag:s10] =	ssyncadd.s32 $0xFFFFC000  }
0xa1: {  	[spmem:s3] =	stream.indirect.scatter.add.f32 [tilespmem:s8], [sflag:$0x5], $0x80, s5, s0, $0xb8;
	[tilespmem:$0x1C200] =	vst v63  }
0xa2: {  	_ =	swait.ge [sflag:s31], $0x4000  }
0xa3: {  	[sflag:s31] =	ssyncset.done $0x0  }
0xa4: {  	[sflag:s31] =	ssyncadd.s32 $0xFFFFC000  }
0xa5: {  	[bflag:$0x0] =	sbarrier.arrive $0xFFFF  }
0xa6: {  	[tilespmem:s30], [sflag:$0x5] =	stream.linear.gather [spmem:s6], $0x4000, $0x38;
	[tilespmem:$0x1C200] =	vst v63  }
0xa7: {  	_ =	swait.ge [sflag:s31], $0x4000  }
0xa8: {  	[sflag:s31] =	ssyncset.done $0x0  }
0xa9: {  	s13 =	rddreg [dreg:$0xb];
	[sflag:s31] =	ssyncadd.s32 $0xFFFFC000  }
0xaa: {  	[hbm4b:s13+s4] =	stream.linear.scatter [tilespmem:s30], [sflag:$0x5], $0x4000, $0x38;
	[tilespmem:$0x1C200] =	vst v63  }
0xab: {  	_ =	swait.ge [sflag:s31], $0x4000  }
0xac: {  	[sflag:s31] =	ssyncset.done $0x0  }
0xad: {  	[sflag:s31] =	ssyncadd.s32 $0xFFFFC000  }
0xae: {  	[tilespmem:s30], [sflag:$0x5] =	stream.linear.gather [spmem:s22], $0x4000, $0x38;
	[tilespmem:$0x1C200] =	vst v63  }
0xaf: {  	_ =	swait.ge [sflag:s31], $0x4000  }
0xb0: {  	[sflag:s31] =	ssyncset.done $0x0  }
0xb1: {  	s14 =	rddreg [dreg:$0xc];
	[sflag:s31] =	ssyncadd.s32 $0xFFFFC000  }
0xb2: {  	[hbm4b:s14+s4] =	stream.linear.scatter [tilespmem:s30], [sflag:$0x5], $0x4000, $0x38;
	[tilespmem:$0x1C200] =	vst v63  }
0xb3: {  	_ =	swait.ge [sflag:s31], $0x4000  }
0xb4: {  	[sflag:s31] =	ssyncset.done $0x0  }
0xb5: {  	[sflag:s31] =	ssyncadd.s32 $0xFFFFC000  }
0xb6: {  	[tilespmem:s30], [sflag:$0x5] =	stream.linear.gather [spmem:s23], $0x4000, $0x38;
	[tilespmem:$0x1C200] =	vst v63  }
0xb7: {  	_ =	swait.ge [sflag:s31], $0x4000  }
0xb8: {  	[sflag:s31] =	ssyncset.done $0x0  }
0xb9: {  	s15 =	rddreg [dreg:$0xd];
	[sflag:s31] =	ssyncadd.s32 $0xFFFFC000  }
0xba: {  	[hbm4b:s15+s4] =	stream.linear.scatter [tilespmem:s30], [sflag:$0x5], $0x4000, $0x38;
	[tilespmem:$0x1C200] =	vst v63  }
0xbb: {  	_ =	swait.ge [sflag:s31], $0x4000  }
0xbc: {  	[sflag:s31] =	ssyncset.done $0x0  }
0xbd: {  	[sflag:s31] =	ssyncadd.s32 $0xFFFFC000  }
0xbe: {  	[tilespmem:s30], [sflag:$0x5] =	stream.linear.gather [spmem:s24], $0x4000, $0x38;
	[tilespmem:$0x1C200] =	vst v63  }
0xbf: {  	_ =	swait.ge [sflag:s31], $0x4000  }
0xc0: {  	[sflag:s31] =	ssyncset.done $0x0  }
0xc1: {  	s14 =	rddreg [dreg:$0xe];
	[sflag:s31] =	ssyncadd.s32 $0xFFFFC000  }
0xc2: {  	[hbm4b:s14+s4] =	stream.linear.scatter [tilespmem:s30], [sflag:$0x5], $0x4000, $0x38;
	[tilespmem:$0x1C200] =	vst v63  }
0xc3: {  	_ =	swait.ge [sflag:s31], $0x4000  }
0xc4: {  	[sflag:s31] =	ssyncset.done $0x0  }
0xc5: {  	[sflag:s31] =	ssyncadd.s32 $0xFFFFC000  }
0xc6: {  	[tilespmem:s30], [sflag:$0x5] =	stream.linear.gather [spmem:s25], $0x4000, $0x38;
	[tilespmem:$0x1C200] =	vst v63  }
0xc7: {  	_ =	swait.ge [sflag:s31], $0x4000  }
0xc8: {  	[sflag:s31] =	ssyncset.done $0x0  }
0xc9: {  	[sflag:s31] =	ssyncadd.s32 $0xFFFFC000  }
0xca: {  	[hbm4b:s16+s4] =	stream.linear.scatter [tilespmem:s30], [sflag:$0x5], $0x4000, $0x38;
	[tilespmem:$0x1C200] =	vst v63  }
0xcb: {  	_ =	swait.ge [sflag:s31], $0x4000  }
0xcc: {  	s12 =	sadd.s32 $0x1, s12;
	s15 =	rddreg [dreg:$0xa]  }
0xcd: {  	p0 =	sne.s32 s12, s15  }
.Ltmp1:
0xce: {  	_ = 	snop;
	(pc) =	sbr.rel @p0 .LBB2_1-.Ltmp1, $3  }
0xcf: {  	_ =	sdelay $0x1  }
0xd0: {  	[sflag:s31] =	ssyncset.done $0x0  }
0xd1: {  	[sflag:s31] =	ssyncadd.s32 $0xFFFFC000  }
0xd2: {  	_ =	sfence.sel $0x180000  }
0xd3: {  	[bflag:$0x0] =	sbarrier.arrive $0xFFFF  }
0xd4: {  	_ =	strace $0x90000047  }
0xd5: {  	s0 =	stileid.u32;
	[bflag:$0x2] =	sbarrier.arrive $0xFFFF  }
0xd6: {  	p0 =	sne.s32 s0, $0x0;
	s0 =	rddreg [dreg:$0x4]  }
0xd7: {  	s0 =	sadd.s32 @!p0 $0x100000, s0  }
0xd8: {  	[sflag:s0] =	ssyncadd.tile.s32 @!p0 $0x1;
	_ =	shalt  }
.Lfunc_end2:
_tile_overlayer_lowered:
.L_overlay_start_2:
0xd9: {  	(tag) =	ssettag $0x2  }
0xda: {  	s0 =	rddreg [dreg:$0x0];
	s2 =	stileid.u32  }
0xdb: {  	s1 =	rddreg [dreg:$0x1];
	p0 =	sne.s32 s2, $0x0  }
0xdc: {  	s3 =	rddreg [dreg:$0x2];
	[bflag:$0x3] =	sbarrier.arrive $0xFFFF;
	s2 =	simm.s32 @!p0 $0x1C05  }
0xdd: {  	[timem:s3], [sflag:s2] =	dma.local @!p0 [hbm:s0], s1  }
0xde: {  	s0 =	simm.s32 @!p0 $0x5  }
0xdf: {  	_ =	swait.ge @!p0 [sflag:s0], s1  }
0xe0: {  	s1 =	ssub.s32 @!p0 $0x0, s1;
	[sflag:s0] =	ssyncset.done @!p0 $0x0  }
0xe1: {  	[sflag:s0] =	ssyncadd.s32 @!p0 s1  }
0xe2: {  	[bflag:$0x3] =	sbarrier.arrive $0xFFFF  }
0xe3: {  	_ =	shalt  }

// kernel: kernel.18.cloned.1.call-start
scs
__scs_entry_jumppad:
0x0: {  	(pc) =	sbr.rel $0x88, $3  }
0x1: {  	(tag) =	ssettag $0x0;
	lr =	simm.s32 $0x1  }
0x2: {  	[smem:$0x3F87] =	sst lr;
	_ =	strace $0xD0000000  }
0x3: {  	_ = 	snop  }
0x4: {  	_ = 	snop  }
0x5: {  	_ = 	snop  }
0x6: {  	_ = 	snop  }
0x7: {  	_ = 	snop  }
__scs_overlays_trampoline_lowered:
0x8: {  	[smem:$0x3F96] =	sst s0  }
0x9: {  	[smem:$0x3F97] =	sst s1  }
0xa: {  	[smem:$0x3F98] =	sst s2  }
0xb: {  	[smem:$0x3F99] =	sst s3  }
0xc: {  	[smem:$0x3F9A] =	sst s4  }
0xd: {  	[smem:$0x3F9B] =	sst s5  }
0xe: {  	[smem:$0x3F9C] =	sst s6  }
0xf: {  	[smem:$0x3F9D] =	sst s7  }
0x10: {  	[smem:$0x3F9E] =	sst s8  }
0x11: {  	[smem:$0x3F9F] =	sst s9;
	s0 =	simm.s32 @!p0 $0x0  }
0x12: {  	s1 =	sld [smem:$0x3F85];
	s0 =	simm.s32 @p0 $0x1  }
0x13: {  	[smem:$0x3FA0] =	sst s0;
	s0 =	simm.s32 @!p1 $0x0  }
0x14: {  	s2 =	sld [smem:$0x3F84];
	s0 =	simm.s32 @p1 $0x1  }
0x15: {  	[smem:$0x3FA1] =	sst s0;
	s0 =	simm.s32 @!p2 $0x0  }
0x16: {  	s3 =	sld [smem:$0x3FDB];
	s0 =	simm.s32 @p2 $0x1  }
0x17: {  	s4 =	simm.s32 $0x1BF5;
	[smem:$0x3FA3] =	sst s0  }
0x18: {  	s0 =	sld [smem:$0x3F86];
	_ =	swait.ge [sflag:s4], $0x0  }
0x19: {  	s7 =	sld [smem:$0x3F87]  }
0x1a: {  	s8 =	sadd.s32 $0xFFFFE003, lr  }
0x1b: {  	s9 =	sadd.s32 $0xFFFFFEF7, lr;
	s5 =	simm.s32 $0xFFFFFFFF;
	p2 =	slt.u32 s8, $0xFFFFF086  }
0x1c: {  	p1 =	slt.u32 s9, $0xF7A;
	s5 =	simm.s32 @!p2 $0x0  }
0x1d: {  	s5 =	simm.s32 @p1 $0x1;
	p0 =	seq.s32 s7, s2  }
0x1e: {  	s7 =	smul.u32 @!p0 $0xF7A, s2;
	p2 =	seq.s32 @!p0 s5, $0x0  }
0x1f: {  	s9 =	smul.u32 $0xF7A, s1;
	s8 =	simm.s32 @!p0 $0x1BF5;
	p2 =	por !p2, p0  }
0x20: {  	[sflag:s8] =	ssyncset.s32 @!p0 $0xFFFFF086;
	s6 =	sadd.s32 @!p0 s3, s7;
	s7 =	simm.s32 @!p0 $0x108  }
0x21: {  	s3 =	sadd.s32 s3, s9;
	s6 =	sadd.s32 @!p0 $0x88, s6;
	s7 =	simm.s32 @p2 $0x1082  }
0x22: {  	[simem:s7], [sflag:s8] =	dma.local @!p0 [hbm:s6], $0xF7A  }
0x23: {  	s9 =	sor.u32 $0xD0000000, s2;
	s6 =	simm.s32 $0x108;
	_ =	swait.ge @!p0 [sflag:s8], $0x0  }
0x24: {  	s3 =	sadd.s32 $0x88, s3;
	s6 =	simm.s32 @!p1 $0x1082;
	[sflag:s4] =	ssyncset.s32 $0xFFFFF086  }
0x25: {  	[simem:s6], [sflag:s4] =	dma.local [hbm:s3], $0xF7A  }
0x26: {  	[smem:$0x3F87] =	sst s1;
	(tag) =	ssettag s2;
	_ =	strace s9  }
0x27: {  	s1 =	sld [smem:$0x3F97]  }
0x28: {  	s2 =	sld [smem:$0x3F98]  }
0x29: {  	s4 =	sld [smem:$0x3F9A]  }
0x2a: {  	p0 =	seq.s32 s5, $0x0;
	s5 =	sld [smem:$0x3F9B]  }
0x2b: {  	s6 =	sld [smem:$0x3F9C]  }
0x2c: {  	s7 =	sld [smem:$0x3F9D]  }
0x2d: {  	s3 =	simm.s32 $0x108;
	s8 =	sld [smem:$0x3F9E]  }
0x2e: {  	s3 =	simm.s32 @!p0 $0x1082;
	s9 =	sld [smem:$0x3F9F]  }
0x2f: {  	lr =	sadd.s32 s0, s3;
	s0 =	sld [smem:$0x3F96]  }
0x30: {  	s3 =	sld [smem:$0x3F99]  }
0x31: {  	[smem:$0x3FA2] =	sst s10  }
0x32: {  	s10 =	sld [smem:$0x3FA0];
	_ =	sdelay $0x3  }
0x33: {  	p0 =	seq.s32 s10, $0x1;
	s10 =	sld [smem:$0x3FA2];
	_ =	sdelay $0x3  }
0x34: {  	[smem:$0x3FA2] =	sst s10  }
0x35: {  	s10 =	sld [smem:$0x3FA1];
	_ =	sdelay $0x3  }
0x36: {  	p1 =	seq.s32 s10, $0x1;
	s10 =	sld [smem:$0x3FA2];
	_ =	sdelay $0x3  }
0x37: {  	[smem:$0x3FA2] =	sst s10  }
0x38: {  	s10 =	sld [smem:$0x3FA3]  }
0x39: {  	_ = 	snop;
	(pc) =	sbr.ind lr, $3  }
0x3a: {  	_ = 	snop  }
0x3b: {  	_ = 	snop  }
0x3c: {  	p2 =	seq.s32 s10, $0x1;
	s10 =	sld [smem:$0x3FA2]  }
0x3d: {  	_ =	shalt  }
0x3e: {  	_ =	shalt  }
0x3f: {  	_ =	shalt  }
0x40: {  	_ =	shalt  }
0x41: {  	_ =	shalt  }
0x42: {  	_ =	shalt  }
0x43: {  	_ =	shalt  }
0x44: {  	_ =	shalt  }
0x45: {  	_ =	shalt  }
0x46: {  	_ =	shalt  }
0x47: {  	_ =	shalt  }
0x48: {  	_ =	shalt  }
0x49: {  	_ =	shalt  }
0x4a: {  	_ =	shalt  }
0x4b: {  	_ =	shalt  }
0x4c: {  	_ =	shalt  }
0x4d: {  	_ =	shalt  }
0x4e: {  	_ =	shalt  }
0x4f: {  	_ =	shalt  }
0x50: {  	_ =	shalt  }
0x51: {  	_ =	shalt  }
0x52: {  	_ =	shalt  }
0x53: {  	_ =	shalt  }
0x54: {  	_ =	shalt  }
0x55: {  	_ =	shalt  }
0x56: {  	_ =	shalt  }
0x57: {  	_ =	shalt  }
0x58: {  	_ =	shalt  }
0x59: {  	_ =	shalt  }
0x5a: {  	_ =	shalt  }
0x5b: {  	_ =	shalt  }
0x5c: {  	_ =	shalt  }
0x5d: {  	_ =	shalt  }
0x5e: {  	_ =	shalt  }
0x5f: {  	_ =	shalt  }
0x60: {  	_ =	shalt  }
0x61: {  	_ =	shalt  }
0x62: {  	_ =	shalt  }
0x63: {  	_ =	shalt  }
0x64: {  	_ =	shalt  }
0x65: {  	_ =	shalt  }
0x66: {  	_ =	shalt  }
0x67: {  	_ =	shalt  }
0x68: {  	_ =	shalt  }
0x69: {  	_ =	shalt  }
0x6a: {  	_ =	shalt  }
0x6b: {  	_ =	shalt  }
0x6c: {  	_ =	shalt  }
0x6d: {  	_ =	shalt  }
0x6e: {  	_ =	shalt  }
0x6f: {  	_ =	shalt  }
0x70: {  	_ =	shalt  }
0x71: {  	_ =	shalt  }
0x72: {  	_ =	shalt  }
0x73: {  	_ =	shalt  }
0x74: {  	_ =	shalt  }
0x75: {  	_ =	shalt  }
0x76: {  	_ =	shalt  }
0x77: {  	_ =	shalt  }
0x78: {  	_ =	shalt  }
0x79: {  	_ =	shalt  }
0x7a: {  	_ =	shalt  }
0x7b: {  	_ =	shalt  }
0x7c: {  	_ =	shalt  }
0x7d: {  	_ =	shalt  }
0x7e: {  	_ =	shalt  }
0x7f: {  	_ =	shalt  }
0x80: {  	_ =	shalt  }
0x81: {  	_ =	shalt  }
0x82: {  	_ =	shalt  }
0x83: {  	_ =	shalt  }
0x84: {  	_ =	shalt  }
0x85: {  	_ =	shalt  }
0x86: {  	_ =	shalt  }
0x87: {  	_ =	shalt  }
.Lfunc_end0:
.L_simem_size_0:
called_computation.2_lowered:
.L_overlay_start_0:
0x88: {  	s2 =	sld [smem:$0x3FD9]  }
0x89: {  	s3 =	sld [smem:$0x3FFE];
	_ =	sdelay $0x1  }
0x8a: {  	s1 =	srdreg.scid  }
0x8b: {  	s0 =	sand.u32 $0x1, s1  }
0x8c: {  	s15 =	sshll.u32 s0, $0xA;
	s2 =	sadd.s32 s3, s2  }
0x8d: {  	s2 =	sadd.s32 s2, s15  }
0x8e: {  	[smem:$0x3FAE] =	sst s2  }
0x8f: {  	_ = 	snop  }
0x90: {  	s2 =	sld [smem:$0x3FD0];
	_ =	sdelay $0x2  }
0x91: {  	s16 =	simm.s32 $0xB;
	s4 =	simm.s32 $0x10  }
0x92: {  	[smem:s4], [sflag:s16] =	dma.local [hbm:s2], $0x1  }
0x93: {  	_ =	swait.eq [sflag:s16], $0x1  }
0x94: {  	[sflag:s16] =	ssyncset.done $0x0  }
0x95: {  	[sflag:s16] =	ssyncadd.s32 $0xFFFFFFFF  }
0x96: {  	s17 =	sld [smem:$0x10];
	(tm) =	ssettm $0x1  }
0x97: {  	s18 =	sld [smem:$0x3FFB];
	_ =	sdelay $0x3  }
0x98: {  	_ =	strace s18  }
0x99: {  	s2 =	sld [smem:$0x3FFC];
	_ =	sdelay $0x3  }
0x9a: {  	_ =	strace s2  }
0x9b: {  	s2 =	sld [smem:$0x3FFD];
	_ =	sdelay $0x3  }
0x9c: {  	_ =	strace s2  }
0x9d: {  	_ =	strace $0x8FFFFFFF  }
0x9e: {  	s19 =	sld [smem:$0x3FDB];
	_ =	sdelay $0x1  }
0x9f: {  	s20 =	simm.s32 $_scs_section_size  }
0xa0: {  	s5 =	simm.s32 $_size__tile_overlayer_lowered;
	s6 =	simm.s32 $_tile_overlayer_lowered  }
0xa1: {  	s7 =	simm.s32 $0x1BFF;
	s21 =	sshll.u32 s6, $0x1;
	s4 =	sadd.s32 s20, s19  }
0xa2: {  	s22 =	simm.s32 $0x0;
	s5 =	sshll.u32 s5, $0x1;
	s6 =	sadd.s32 s21, s4  }
0xa3: {  	[timem:s22], [sflag:s7] =	dma.local [hbm:s6], s5  }
0xa4: {  	_ =	swait.ge [sflag:s7], s5  }
0xa5: {  	s5 =	ssub.s32 $0x0, s5;
	[sflag:s7] =	ssyncset.done $0x0  }
0xa6: {  	[sflag:s7] =	ssyncadd.s32 s5;
	_ =	sdelay $0x1  }
0xa7: {  	s23 =	simm.s32 $0x1B8B  }
0xa8: {  	_ =	swait.ge [sflag:s23], $0x1  }
0xa9: {  	[sflag:s23] =	ssyncset.done $0x0  }
0xaa: {  	[sflag:s23] =	ssyncadd.s32 $0xFFFFFFFF  }
0xab: {  	s5 =	sld [smem:$0x0]  }
0xac: {  	s6 =	sand.u32 $0xFFFFFFFE, s1  }
0xad: {  	p0 =	sne.s32 s1, s6  }
0xae: {  	s6 =	sshll.u32 @p0 s6, $0xE  }
0xaf: {  	s6 =	sadd.s32 @p0 $0x11B8D, s6;
	s7 =	sshll.u32 @p0 s5, $0x11  }
0xb0: {  	s6 =	sor.u32 @p0 s7, s6  }
0xb1: {  	[sflag:s6] =	ssyncadd.remote.s32 @p0 $0x1;
	_ =	sdelay $0x1  }
0xb2: {  	s6 =	simm.s32 @p0 $0x1B8D  }
0xb3: {  	_ =	swait.eq @p0 [sflag:s6], $0x1  }
0xb4: {  	[sflag:s6] =	ssyncadd.s32 @p0 $0xFFFFFFFF  }
0xb5: {  	s7 =	sshll.u32 @!p0 s1, $0xE  }
0xb6: {  	s7 =	sor.u32 @!p0 $0x4000, s7;
	s6 =	simm.s32 @!p0 $0x1B8D  }
0xb7: {  	s5 =	sshll.u32 @!p0 s5, $0x11;
	s7 =	sadd.s32 @!p0 $0x11B8D, s7;
	_ =	swait.eq @!p0 [sflag:s6], $0x1  }
0xb8: {  	s5 =	sor.u32 @!p0 s5, s7;
	[sflag:s6] =	ssyncadd.s32 @!p0 $0xFFFFFFFF  }
0xb9: {  	s25 =	simm.s32 $0x1B8E;
	s24 =	sld [smem:$0x3FFE];
	[sflag:s5] =	ssyncadd.remote.s32 @!p0 $0x1  }
0xba: {  	s26 =	simm.s32 $execute0_lowered;
	[smem:$0x3FD2] =	sst s25  }
0xbb: {  	s6 =	sshll.u32 s26, $0x1;
	_ =	strace $0x8000004C;
	[dreg:$0x1] =	wrdreg $0xFFFFFFFF  }
0xbc: {  	s28 =	simm.s32 $_size_execute0_lowered;
	s4 =	sadd.s32 s4, s6;
	[dreg:$0x0] =	wrdreg $0x0  }
0xbd: {  	s6 =	sshll.u32 s28, $0x1;
	[dreg:$0x2] =	wrdreg s4  }
0xbe: {  	[dreg:$0x3] =	wrdreg s6  }
0xbf: {  	[dreg:$0x4] =	wrdreg $0xC0  }
0xc0: {  	_ =	task [dreg:s22], $0x5FFFF  }
0xc1: {  	[dreg:$0x1] =	wrdreg $0xFFFFFFFF  }
0xc2: {  	[dreg:$0x0] =	wrdreg $0x60  }
0xc3: {  	[dreg:$0x2] =	wrdreg s24  }
0xc4: {  	[dreg:$0x3] =	wrdreg s17  }
0xc5: {  	[dreg:$0x4] =	wrdreg $0x82000  }
0xc6: {  	[dreg:$0x5] =	wrdreg $0xA  }
0xc7: {  	_ =	task.clear_ibuf [dreg:s22], $0x6FFFF;
	_ =	strace $0x9000004C  }
0xc8: {  	s29 =	simm.s32 $0xA;
	_ =	strace $0x8000004E  }
0xc9: {  	_ =	swait.ge [sflag:s29], $0x1  }
0xca: {  	[sflag:s29] =	ssyncadd.s32 $0xFFFFFFFF  }
0xcb: {  	_ =	strace $0x9000004E  }
0xcc: {  	_ =	sfence  }
0xcd: {  	s30 =	sld [smem:$0x0];
	_ =	sdelay $0x2  }
0xce: {  	s31 =	sshll.u32 s1, $0xD;
	s1 =	sshrl.u32 s1, $0x2  }
0xcf: {  	s4 =	sand.u32 $0x4000, s31;
	s1 =	sadd.s32 s1, s30  }
0xd0: {  	s0 =	sor.u32 s4, s0;
	s1 =	sshll.u32 s1, $0x11  }
0xd1: {  	s0 =	sor.u32 s1, s0  }
0xd2: {  	s0 =	sadd.s32 $0x8F2B, s0  }
0xd3: {  	[sflag:s0] =	ssyncadd.remote.s32 $0x1  }
0xd4: {  	_ =	sfence.sel $0xFFFF  }
0xd5: {  	[dreg:$0x0] =	wrdreg $0xFFFFFFFF;
	(pc) =	sbr.abs _section_cstart, $3  }
0xd6: {  	[dreg:$0x1] =	wrdreg $0xFFFFFFFF  }
0xd7: {  	_ =	task.clear_ibuf [dreg:s22], $0x2FFFF;
	_ =	strace $0x9FFFFFFF  }
0xd8: {  	(tm) =	ssettm $0x7FFFFFFF  }
0xd9: {  	_ =	shalt  }
tec
execute0_lowered:
.L_overlay_start_1:
0x0: {  	(tag) =	ssettag $0x1  }
0x1: {  	s0 =	rddreg [dreg:$0x0]  }
0x2: {  	s1 =	rddreg [dreg:$0x1]  }
0x3: {  	s3 =	rddreg [dreg:$0x2]  }
0x4: {  	s4 =	simm.s32 $0x0;
	s2 =	srdreg.scid;
	s13 =	stileid.u32  }
0x5: {  	s30 =	simm.s32 $0x200;
	s31 =	simm.s32 $0x5;
	[smem:$0x7FF] =	sst s4  }
0x6: {  	s2 =	sand.u32 $0x1, s2;
	s5 =	sshll.u32 s13, $0x1;
	s10 =	smul.u32 $0x50000, s13  }
0x7: {  	s7 =	sadd.s32 $0xF000, s0;
	s8 =	sadd.s32 $0x5000, s0;
	s12 =	smul.u32 $0x14000, s13  }
0x8: {  	s11 =	sadd.s32 $0x19000, s0;
	s0 =	sadd.s32 $0x19800, s0;
	s13 =	smul.u32 $0x5000, s13  }
0x9: {  	_ =	strace $0x8000004D;
	s5 =	sor.u32 s2, s5;
	s20 =	smul.u32 $0x140000, s2  }
0xa: {  	s6 =	ssub.s32 $0x2, s2;
	[dreg:$0x4] =	wrdreg s11;
	s2 =	smul.u32 $0x2800, s2  }
0xb: {  	s5 =	smul.u32 $0x2800, s5;
	s9 =	sshrl.u32 s6, $0x1;
	s19 =	sshrl.u32 s10, $0x2  }
0xc: {  	s11 =	sadd.s32 $0x4000, s12;
	s15 =	sadd.s32 $0xC000, s12;
	s9 =	ssub.s32 s6, s9  }
0xd: {  	s6 =	sadd.s32 s19, s3;
	s24 =	sadd.s32 s20, s12;
	s25 =	sadd.s32 s20, s11  }
0xe: {  	s2 =	sadd.s32 s2, s13;
	s5 =	sshrl.u32 s5, $0x3;
	s9 =	smax.u32 s9, $0x1  }
0xf: {  	s26 =	sshrl.u32 s25, $0x3;
	s28 =	sadd.s32 $0xC000, s6;
	s29 =	sadd.s32 $0x10000, s6  }
0x10: {  	s21 =	sor.u32 $0x10, s5;
	s14 =	sadd.s32 s7, s5;
	[dreg:$0x9] =	wrdreg s9  }
0x11: {  	s5 =	sadd.s32 s8, s5;
	s9 =	sadd.s32 $0x8000, s12;
	[dreg:$0x5] =	wrdreg s14  }
0x12: {  	s12 =	sadd.s32 $0x10000, s12;
	[dreg:$0x6] =	wrdreg s5;
	s22 =	sadd.s32 s7, s21  }
0x13: {  	s23 =	sadd.s32 s8, s21;
	s5 =	sshrl.u32 s24, $0x3;
	s14 =	sadd.s32 s20, s9  }
0x14: {  	s10 =	sadd.s32 s20, s12;
	s24 =	sor.u32 $0x180, s2;
	[dreg:$0x7] =	wrdreg s22  }
0x15: {  	s2 =	sor.u32 $0x100, s2;
	s21 =	sadd.s32 $0x4000, s6;
	[dreg:$0x8] =	wrdreg s23  }
0x16: {  	s5 =	sadd.s32 s0, s5;
	s22 =	sadd.s32 s20, s15;
	s23 =	sshrl.u32 s10, $0x3  }
0x17: {  	s25 =	sshrl.u32 s24, $0x3;
	s24 =	sadd.s32 s15, s3;
	s10 =	simm.s32 $0x2  }
0x18: {  	[dreg:$0xa] =	wrdreg s5;
	s5 =	sadd.s32 s0, s26;
	s16 =	sadd.s32 s0, s23  }
0x19: {  	s17 =	sadd.s32 s25, s8;
	s18 =	sadd.s32 s25, s7;
	s26 =	sshrl.u32 s2, $0x3  }
0x1a: {  	s23 =	sadd.s32 s9, s3;
	s25 =	sadd.s32 s12, s3;
	s2 =	simm.s32 $0x100  }
0x1b: {  	s9 =	simm.s32 $0x1;
	s12 =	simm.s32 $0x0;
	[dreg:$0xb] =	wrdreg s5  }
0x1c: {  	s5 =	sshrl.u32 s14, $0x3;
	s19 =	sadd.s32 s26, s8;
	s20 =	sadd.s32 s26, s7  }
0x1d: {  	s26 =	sadd.s32 $0x8000, s6;
	s7 =	simm.s32 $0x4;
	s5 =	sadd.s32 s0, s5  }
0x1e: {  	s8 =	simm.s32 $0x4200;
	[dreg:$0xc] =	wrdreg s5;
	s5 =	sshrl.u32 s22, $0x3  }
0x1f: {  	s22 =	sadd.s32 s11, s3;
	s11 =	simm.s32 $0x3;
	s5 =	sadd.s32 s0, s5  }
0x20: {  	s0 =	simm.s32 $0x80;
	[dreg:$0xd] =	wrdreg s5;
	s5 =	simm.s32 $0x180  }
.LBB2_1:
0x21: {  	s13 =	rddreg [dreg:$0x4]  }
0x22: {  	[tilespmem:s30], [sflag:$0x5] =	stream.linear.gather [hbm4b:s13+s4], $0x4000, $0x38;
	[tilespmem:$0x1C200] =	vst v63  }
0x23: {  	_ =	swait.ge [sflag:s31], $0x4000  }
0x24: {  	[sflag:s31] =	ssyncset.done $0x0  }
0x25: {  	[sflag:s31] =	ssyncadd.s32 $0xFFFFC000  }
0x26: {  	[spmem:s6] =	stream.linear.scatter [tilespmem:s30], [sflag:$0x5], $0x4000, $0x38;
	[tilespmem:$0x1C200] =	vst v63  }
0x27: {  	_ =	swait.ge [sflag:s31], $0x4000  }
0x28: {  	[sflag:s31] =	ssyncset.done $0x0  }
0x29: {  	[sflag:s31] =	ssyncadd.s32 $0xFFFFC000  }
0x2a: {  	[spmem:s21] =	stream.linear.scatter [tilespmem:s30], [sflag:$0x5], $0x4000, $0x38;
	[tilespmem:$0x1C200] =	vst v63  }
0x2b: {  	_ =	swait.ge [sflag:s31], $0x4000  }
0x2c: {  	[sflag:s31] =	ssyncset.done $0x0  }
0x2d: {  	[sflag:s31] =	ssyncadd.s32 $0xFFFFC000  }
0x2e: {  	[spmem:s26] =	stream.linear.scatter [tilespmem:s30], [sflag:$0x5], $0x4000, $0x38;
	[tilespmem:$0x1C200] =	vst v63  }
0x2f: {  	_ =	swait.ge [sflag:s31], $0x4000  }
0x30: {  	[sflag:s31] =	ssyncset.done $0x0  }
0x31: {  	[sflag:s31] =	ssyncadd.s32 $0xFFFFC000  }
0x32: {  	[spmem:s28] =	stream.linear.scatter [tilespmem:s30], [sflag:$0x5], $0x4000, $0x38;
	[tilespmem:$0x1C200] =	vst v63  }
0x33: {  	_ =	swait.ge [sflag:s31], $0x4000  }
0x34: {  	[sflag:s31] =	ssyncset.done $0x0  }
0x35: {  	[sflag:s31] =	ssyncadd.s32 $0xFFFFC000  }
0x36: {  	[spmem:s29] =	stream.linear.scatter [tilespmem:s30], [sflag:$0x5], $0x4000, $0x38;
	[tilespmem:$0x1C200] =	vst v63  }
0x37: {  	_ =	swait.ge [sflag:s31], $0x4000  }
0x38: {  	[sflag:s31] =	ssyncset.done $0x0  }
0x39: {  	[sflag:s31] =	ssyncadd.s32 $0xFFFFC000  }
0x3a: {  	[bflag:$0x0] =	sbarrier.arrive $0xFFFF  }
0x3b: {  	s15 =	rddreg [dreg:$0x5]  }
0x3c: {  	[tilespmem:s4], [sflag:$0x5] =	stream.linear.gather [hbm4b:s15+s4], $0x80, $0x38;
	[tilespmem:$0x1C200] =	vst v63  }
0x3d: {  	_ =	swait.ge [sflag:s31], $0x80  }
0x3e: {  	[sflag:s31] =	ssyncset.done $0x0  }
0x3f: {  	s14 =	rddreg [dreg:$0x6];
	[sflag:s31] =	ssyncadd.s32 $0xFFFFFF80  }
0x40: {  	[tilespmem:s0], [sflag:$0x5] =	stream.linear.gather [hbm4b:s14+s4], $0x80, $0x38;
	[tilespmem:$0x1C200] =	vst v63  }
0x41: {  	_ =	swait.ge [sflag:s31], $0x80  }
0x42: {  	[sflag:s31] =	ssyncset.done $0x0  }
0x43: {  	[sflag:s31] =	ssyncadd.s32 $0xFFFFFF80  }
0x44: {  	[tilespmem:s30], [sflag:$0x1] =	stream.indirect.gather [hbm4b:s1+s0], $0x80, s4, s0, $0xb8;
	[tilespmem:$0x1C200] =	vst v63  }
0x45: {  	s15 =	rddreg [dreg:$0x7]  }
0x46: {  	[tilespmem:s2], [sflag:$0x4] =	stream.linear.gather [hbm4b:s15+s4], $0x80, $0x38;
	[tilespmem:$0x1C200] =	vst v63  }
0x47: {  	s14 =	rddreg [dreg:$0x8]  }
0x48: {  	[tilespmem:s5], [sflag:$0x4] =	stream.linear.gather [hbm4b:s14+s4], $0x80, $0x38;
	[tilespmem:$0x1C200] =	vst v63  }
0x49: {  	_ =	swait.ge [sflag:s7], $0x80  }
0x4a: {  	[sflag:s7] =	ssyncset.done $0x0  }
0x4b: {  	[sflag:s7] =	ssyncadd.s32 $0xFFFFFF80  }
0x4c: {  	_ =	swait.ge [sflag:s7], $0x80  }
0x4d: {  	[sflag:s7] =	ssyncset.done $0x0  }
0x4e: {  	[sflag:s7] =	ssyncadd.s32 $0xFFFFFF80  }
0x4f: {  	[tilespmem:s8], [sflag:$0x2] =	stream.indirect.gather [hbm4b:s1+s0], $0x80, s2, s0, $0xb8;
	[tilespmem:$0x1C200] =	vst v63  }
0x50: {  	_ =	swait.ge [sflag:s9], $0x4000  }
0x51: {  	[sflag:s9] =	ssyncset.done $0x0  }
0x52: {  	[sflag:s9] =	ssyncadd.s32 $0xFFFFC000  }
0x53: {  	[spmem:s3] =	stream.indirect.scatter.add.f32 [tilespmem:s30], [sflag:$0x5], $0x80, s0, s0, $0xb8;
	[tilespmem:$0x1C200] =	vst v63  }
0x54: {  	_ =	swait.ge [sflag:s31], $0x4000  }
0x55: {  	[sflag:s31] =	ssyncset.done $0x0  }
0x56: {  	s15 =	sadd.s32 $0x0, s20;
	[sflag:s31] =	ssyncadd.s32 $0xFFFFC000  }
0x57: {  	[tilespmem:s4], [sflag:$0x3] =	stream.linear.gather [hbm4b:s15+s4], $0x80, $0x38;
	[tilespmem:$0x1C200] =	vst v63  }
0x58: {  	s14 =	sadd.s32 $0x0, s19  }
0x59: {  	[tilespmem:s0], [sflag:$0x3] =	stream.linear.gather [hbm4b:s14+s4], $0x80, $0x38;
	[tilespmem:$0x1C200] =	vst v63  }
0x5a: {  	_ =	swait.ge [sflag:s10], $0x4000  }
0x5b: {  	[sflag:s10] =	ssyncset.done $0x0  }
0x5c: {  	[sflag:s10] =	ssyncadd.s32 $0xFFFFC000  }
0x5d: {  	[spmem:s3] =	stream.indirect.scatter.add.f32 [tilespmem:s8], [sflag:$0x5], $0x80, s5, s0, $0xb8;
	[tilespmem:$0x1C200] =	vst v63  }
0x5e: {  	_ =	swait.ge [sflag:s31], $0x4000  }
0x5f: {  	[sflag:s31] =	ssyncset.done $0x0  }
0x60: {  	[sflag:s31] =	ssyncadd.s32 $0xFFFFC000  }
0x61: {  	_ =	swait.ge [sflag:s11], $0x80  }
0x62: {  	[sflag:s11] =	ssyncset.done $0x0  }
0x63: {  	[sflag:s11] =	ssyncadd.s32 $0xFFFFFF80  }
0x64: {  	_ =	swait.ge [sflag:s11], $0x80  }
0x65: {  	[sflag:s11] =	ssyncset.done $0x0  }
0x66: {  	[sflag:s11] =	ssyncadd.s32 $0xFFFFFF80  }
0x67: {  	[tilespmem:s30], [sflag:$0x1] =	stream.indirect.gather [hbm4b:s1+s0], $0x80, s4, s0, $0xb8;
	[tilespmem:$0x1C200] =	vst v63  }
0x68: {  	s13 =	simm.s32 $0x20;
	s15 =	sadd.s32 $0x0, s18;
	s14 =	sadd.s32 $0x0, s17  }
0x69: {  	[tilespmem:s2], [sflag:$0x4] =	stream.linear.gather [hbm4b:s15+s4], $0x80, $0x38;
	[tilespmem:$0x1C200] =	vst v63  }
.LBB2_2:
0x6a: {  	[tilespmem:s5], [sflag:$0x4] =	stream.linear.gather [hbm4b:s14+s4], $0x80, $0x38;
	[tilespmem:$0x1C200] =	vst v63  }
0x6b: {  	s14 =	smov.u32 s13  }
0x6c: {  	p0 =	sne.s32 s13, $0x4C0;
	s13 =	sadd.s32 $0x20, s13;
	_ =	swait.ge [sflag:s7], $0x80  }
0x6d: {  	[sflag:s7] =	ssyncset.done $0x0  }
0x6e: {  	[sflag:s7] =	ssyncadd.s32 $0xFFFFFF80  }
0x6f: {  	_ =	swait.ge [sflag:s7], $0x80  }
0x70: {  	[sflag:s7] =	ssyncset.done $0x0  }
0x71: {  	[sflag:s7] =	ssyncadd.s32 $0xFFFFFF80  }
0x72: {  	[tilespmem:s8], [sflag:$0x2] =	stream.indirect.gather [hbm4b:s1+s0], $0x80, s2, s0, $0xb8;
	[tilespmem:$0x1C200] =	vst v63  }
0x73: {  	_ =	swait.ge [sflag:s9], $0x4000  }
0x74: {  	[sflag:s9] =	ssyncset.done $0x0  }
0x75: {  	[sflag:s9] =	ssyncadd.s32 $0xFFFFC000  }
0x76: {  	[spmem:s3] =	stream.indirect.scatter.add.f32 [tilespmem:s30], [sflag:$0x5], $0x80, s0, s0, $0xb8;
	[tilespmem:$0x1C200] =	vst v63  }
0x77: {  	_ =	swait.ge [sflag:s31], $0x4000  }
0x78: {  	[sflag:s31] =	ssyncset.done $0x0  }
0x79: {  	s15 =	sadd.s32 s14, s20;
	[sflag:s31] =	ssyncadd.s32 $0xFFFFC000  }
0x7a: {  	[tilespmem:s4], [sflag:$0x3] =	stream.linear.gather [hbm4b:s15+s4], $0x80, $0x38;
	[tilespmem:$0x1C200] =	vst v63  }
0x7b: {  	s15 =	sadd.s32 s14, s19  }
0x7c: {  	[tilespmem:s0], [sflag:$0x3] =	stream.linear.gather [hbm4b:s15+s4], $0x80, $0x38;
	[tilespmem:$0x1C200] =	vst v63  }
0x7d: {  	_ =	swait.ge [sflag:s10], $0x4000  }
0x7e: {  	[sflag:s10] =	ssyncset.done $0x0  }
0x7f: {  	[sflag:s10] =	ssyncadd.s32 $0xFFFFC000  }
0x80: {  	[spmem:s3] =	stream.indirect.scatter.add.f32 [tilespmem:s8], [sflag:$0x5], $0x80, s5, s0, $0xb8;
	[tilespmem:$0x1C200] =	vst v63  }
0x81: {  	_ =	swait.ge [sflag:s31], $0x4000  }
0x82: {  	[sflag:s31] =	ssyncset.done $0x0  }
0x83: {  	[sflag:s31] =	ssyncadd.s32 $0xFFFFC000  }
0x84: {  	_ =	swait.ge [sflag:s11], $0x80  }
0x85: {  	[sflag:s11] =	ssyncset.done $0x0  }
0x86: {  	[sflag:s11] =	ssyncadd.s32 $0xFFFFFF80  }
0x87: {  	_ =	swait.ge [sflag:s11], $0x80  }
0x88: {  	[sflag:s11] =	ssyncset.done $0x0  }
.Ltmp0:
0x89: {  	[sflag:s11] =	ssyncadd.s32 $0xFFFFFF80;
	(pc) =	sbr.rel @p0 .LBB2_2-.Ltmp0, $4  }
0x8a: {  	[tilespmem:s30], [sflag:$0x1] =	stream.indirect.gather [hbm4b:s1+s0], $0x80, s4, s0, $0xb8;
	[tilespmem:$0x1C200] =	vst v63  }
0x8b: {  	s15 =	sadd.s32 s14, s18  }
0x8c: {  	[tilespmem:s2], [sflag:$0x4] =	stream.linear.gather [hbm4b:s15+s4], $0x80, $0x38;
	[tilespmem:$0x1C200] =	vst v63  }
0x8d: {  	s14 =	sadd.s32 s14, s17  }
0x8e: {  	[tilespmem:s5], [sflag:$0x4] =	stream.linear.gather [hbm4b:s14+s4], $0x80, $0x38;
	[tilespmem:$0x1C200] =	vst v63  }
0x8f: {  	_ =	swait.ge [sflag:s7], $0x80  }
0x90: {  	[sflag:s7] =	ssyncset.done $0x0  }
0x91: {  	[sflag:s7] =	ssyncadd.s32 $0xFFFFFF80  }
0x92: {  	_ =	swait.ge [sflag:s7], $0x80  }
0x93: {  	[sflag:s7] =	ssyncset.done $0x0  }
0x94: {  	[sflag:s7] =	ssyncadd.s32 $0xFFFFFF80  }
0x95: {  	[tilespmem:s8], [sflag:$0x2] =	stream.indirect.gather [hbm4b:s1+s0], $0x80, s2, s0, $0xb8;
	[tilespmem:$0x1C200] =	vst v63  }
0x96: {  	_ =	swait.ge [sflag:s9], $0x4000  }
0x97: {  	[sflag:s9] =	ssyncset.done $0x0  }
0x98: {  	[sflag:s9] =	ssyncadd.s32 $0xFFFFC000  }
0x99: {  	[spmem:s3] =	stream.indirect.scatter.add.f32 [tilespmem:s30], [sflag:$0x5], $0x80, s0, s0, $0xb8;
	[tilespmem:$0x1C200] =	vst v63  }
0x9a: {  	_ =	swait.ge [sflag:s31], $0x4000  }
0x9b: {  	[sflag:s31] =	ssyncset.done $0x0  }
0x9c: {  	[sflag:s31] =	ssyncadd.s32 $0xFFFFC000  }
0x9d: {  	_ =	swait.ge [sflag:s10], $0x4000  }
0x9e: {  	[sflag:s10] =	ssyncset.done $0x0  }
0x9f: {  	[sflag:s10] =	ssyncadd.s32 $0xFFFFC000  }
0xa0: {  	[spmem:s3] =	stream.indirect.scatter.add.f32 [tilespmem:s8], [sflag:$0x5], $0x80, s5, s0, $0xb8;
	[tilespmem:$0x1C200] =	vst v63  }
0xa1: {  	_ =	swait.ge [sflag:s31], $0x4000  }
0xa2: {  	[sflag:s31] =	ssyncset.done $0x0  }
0xa3: {  	[sflag:s31] =	ssyncadd.s32 $0xFFFFC000  }
0xa4: {  	[bflag:$0x0] =	sbarrier.arrive $0xFFFF  }
0xa5: {  	[tilespmem:s30], [sflag:$0x5] =	stream.linear.gather [spmem:s6], $0x4000, $0x38;
	[tilespmem:$0x1C200] =	vst v63  }
0xa6: {  	_ =	swait.ge [sflag:s31], $0x4000  }
0xa7: {  	[sflag:s31] =	ssyncset.done $0x0  }
0xa8: {  	s13 =	rddreg [dreg:$0xa];
	[sflag:s31] =	ssyncadd.s32 $0xFFFFC000  }
0xa9: {  	[hbm4b:s13+s4] =	stream.linear.scatter [tilespmem:s30], [sflag:$0x5], $0x4000, $0x38;
	[tilespmem:$0x1C200] =	vst v63  }
0xaa: {  	_ =	swait.ge [sflag:s31], $0x4000  }
0xab: {  	[sflag:s31] =	ssyncset.done $0x0  }
0xac: {  	[sflag:s31] =	ssyncadd.s32 $0xFFFFC000  }
0xad: {  	[tilespmem:s30], [sflag:$0x5] =	stream.linear.gather [spmem:s22], $0x4000, $0x38;
	[tilespmem:$0x1C200] =	vst v63  }
0xae: {  	_ =	swait.ge [sflag:s31], $0x4000  }
0xaf: {  	[sflag:s31] =	ssyncset.done $0x0  }
0xb0: {  	s14 =	rddreg [dreg:$0xb];
	[sflag:s31] =	ssyncadd.s32 $0xFFFFC000  }
0xb1: {  	[hbm4b:s14+s4] =	stream.linear.scatter [tilespmem:s30], [sflag:$0x5], $0x4000, $0x38;
	[tilespmem:$0x1C200] =	vst v63  }
0xb2: {  	_ =	swait.ge [sflag:s31], $0x4000  }
0xb3: {  	[sflag:s31] =	ssyncset.done $0x0  }
0xb4: {  	[sflag:s31] =	ssyncadd.s32 $0xFFFFC000  }
0xb5: {  	[tilespmem:s30], [sflag:$0x5] =	stream.linear.gather [spmem:s23], $0x4000, $0x38;
	[tilespmem:$0x1C200] =	vst v63  }
0xb6: {  	_ =	swait.ge [sflag:s31], $0x4000  }
0xb7: {  	[sflag:s31] =	ssyncset.done $0x0  }
0xb8: {  	s15 =	rddreg [dreg:$0xc];
	[sflag:s31] =	ssyncadd.s32 $0xFFFFC000  }
0xb9: {  	[hbm4b:s15+s4] =	stream.linear.scatter [tilespmem:s30], [sflag:$0x5], $0x4000, $0x38;
	[tilespmem:$0x1C200] =	vst v63  }
0xba: {  	_ =	swait.ge [sflag:s31], $0x4000  }
0xbb: {  	[sflag:s31] =	ssyncset.done $0x0  }
0xbc: {  	[sflag:s31] =	ssyncadd.s32 $0xFFFFC000  }
0xbd: {  	[tilespmem:s30], [sflag:$0x5] =	stream.linear.gather [spmem:s24], $0x4000, $0x38;
	[tilespmem:$0x1C200] =	vst v63  }
0xbe: {  	_ =	swait.ge [sflag:s31], $0x4000  }
0xbf: {  	[sflag:s31] =	ssyncset.done $0x0  }
0xc0: {  	s14 =	rddreg [dreg:$0xd];
	[sflag:s31] =	ssyncadd.s32 $0xFFFFC000  }
0xc1: {  	[hbm4b:s14+s4] =	stream.linear.scatter [tilespmem:s30], [sflag:$0x5], $0x4000, $0x38;
	[tilespmem:$0x1C200] =	vst v63  }
0xc2: {  	_ =	swait.ge [sflag:s31], $0x4000  }
0xc3: {  	[sflag:s31] =	ssyncset.done $0x0  }
0xc4: {  	[sflag:s31] =	ssyncadd.s32 $0xFFFFC000  }
0xc5: {  	[tilespmem:s30], [sflag:$0x5] =	stream.linear.gather [spmem:s25], $0x4000, $0x38;
	[tilespmem:$0x1C200] =	vst v63  }
0xc6: {  	_ =	swait.ge [sflag:s31], $0x4000  }
0xc7: {  	[sflag:s31] =	ssyncset.done $0x0  }
0xc8: {  	[sflag:s31] =	ssyncadd.s32 $0xFFFFC000  }
0xc9: {  	[hbm4b:s16+s4] =	stream.linear.scatter [tilespmem:s30], [sflag:$0x5], $0x4000, $0x38;
	[tilespmem:$0x1C200] =	vst v63  }
0xca: {  	_ =	swait.ge [sflag:s31], $0x4000  }
0xcb: {  	s12 =	sadd.s32 $0x1, s12;
	s15 =	rddreg [dreg:$0x9]  }
0xcc: {  	p0 =	sne.s32 s12, s15  }
.Ltmp1:
0xcd: {  	_ = 	snop;
	(pc) =	sbr.rel @p0 .LBB2_1-.Ltmp1, $3  }
0xce: {  	_ =	sdelay $0x1  }
0xcf: {  	[sflag:s31] =	ssyncset.done $0x0  }
0xd0: {  	[sflag:s31] =	ssyncadd.s32 $0xFFFFC000  }
0xd1: {  	_ =	sfence.sel $0x180000  }
0xd2: {  	[bflag:$0x0] =	sbarrier.arrive $0xFFFF  }
0xd3: {  	_ =	strace $0x9000004D  }
0xd4: {  	s0 =	stileid.u32;
	[bflag:$0x2] =	sbarrier.arrive $0xFFFF  }
0xd5: {  	p0 =	sne.s32 s0, $0x0;
	s0 =	rddreg [dreg:$0x3]  }
0xd6: {  	s0 =	sadd.s32 @!p0 $0x100000, s0  }
0xd7: {  	[sflag:s0] =	ssyncadd.tile.s32 @!p0 $0x1;
	_ =	shalt  }
.Lfunc_end2:
_tile_overlayer_lowered:
.L_overlay_start_2:
0xd8: {  	(tag) =	ssettag $0x2  }
0xd9: {  	s0 =	rddreg [dreg:$0x0];
	s2 =	stileid.u32  }
0xda: {  	s1 =	rddreg [dreg:$0x1];
	p0 =	sne.s32 s2, $0x0  }
0xdb: {  	s3 =	rddreg [dreg:$0x2];
	[bflag:$0x3] =	sbarrier.arrive $0xFFFF;
	s2 =	simm.s32 @!p0 $0x1C05  }
0xdc: {  	[timem:s3], [sflag:s2] =	dma.local @!p0 [hbm:s0], s1  }
0xdd: {  	s0 =	simm.s32 @!p0 $0x5  }
0xde: {  	_ =	swait.ge @!p0 [sflag:s0], s1  }
0xdf: {  	s1 =	ssub.s32 @!p0 $0x0, s1;
	[sflag:s0] =	ssyncset.done @!p0 $0x0  }
0xe0: {  	[sflag:s0] =	ssyncadd.s32 @!p0 s1  }
0xe1: {  	[bflag:$0x3] =	sbarrier.arrive $0xFFFF  }
0xe2: {  	_ =	shalt  }

// kernel: kernel.21.cloned.1.call-start
scs
__scs_entry_jumppad:
0x0: {  	(pc) =	sbr.rel $0x88, $3  }
0x1: {  	(tag) =	ssettag $0x0;
	lr =	simm.s32 $0x1  }
0x2: {  	[smem:$0x3F87] =	sst lr;
	_ =	strace $0xD0000000  }
0x3: {  	_ = 	snop  }
0x4: {  	_ = 	snop  }
0x5: {  	_ = 	snop  }
0x6: {  	_ = 	snop  }
0x7: {  	_ = 	snop  }
__scs_overlays_trampoline_lowered:
0x8: {  	[smem:$0x3F96] =	sst s0  }
0x9: {  	[smem:$0x3F97] =	sst s1  }
0xa: {  	[smem:$0x3F98] =	sst s2  }
0xb: {  	[smem:$0x3F99] =	sst s3  }
0xc: {  	[smem:$0x3F9A] =	sst s4  }
0xd: {  	[smem:$0x3F9B] =	sst s5  }
0xe: {  	[smem:$0x3F9C] =	sst s6  }
0xf: {  	[smem:$0x3F9D] =	sst s7  }
0x10: {  	[smem:$0x3F9E] =	sst s8  }
0x11: {  	[smem:$0x3F9F] =	sst s9;
	s0 =	simm.s32 @!p0 $0x0  }
0x12: {  	s1 =	sld [smem:$0x3F85];
	s0 =	simm.s32 @p0 $0x1  }
0x13: {  	[smem:$0x3FA0] =	sst s0;
	s0 =	simm.s32 @!p1 $0x0  }
0x14: {  	s2 =	sld [smem:$0x3F84];
	s0 =	simm.s32 @p1 $0x1  }
0x15: {  	[smem:$0x3FA1] =	sst s0;
	s0 =	simm.s32 @!p2 $0x0  }
0x16: {  	s3 =	sld [smem:$0x3FDB];
	s0 =	simm.s32 @p2 $0x1  }
0x17: {  	s4 =	simm.s32 $0x1BF5;
	[smem:$0x3FA3] =	sst s0  }
0x18: {  	s0 =	sld [smem:$0x3F86];
	_ =	swait.ge [sflag:s4], $0x0  }
0x19: {  	s7 =	sld [smem:$0x3F87]  }
0x1a: {  	s8 =	sadd.s32 $0xFFFFE003, lr  }
0x1b: {  	s9 =	sadd.s32 $0xFFFFFEF7, lr;
	s5 =	simm.s32 $0xFFFFFFFF;
	p2 =	slt.u32 s8, $0xFFFFF086  }
0x1c: {  	p1 =	slt.u32 s9, $0xF7A;
	s5 =	simm.s32 @!p2 $0x0  }
0x1d: {  	s5 =	simm.s32 @p1 $0x1;
	p0 =	seq.s32 s7, s2  }
0x1e: {  	s7 =	smul.u32 @!p0 $0xF7A, s2;
	p2 =	seq.s32 @!p0 s5, $0x0  }
0x1f: {  	s9 =	smul.u32 $0xF7A, s1;
	s8 =	simm.s32 @!p0 $0x1BF5;
	p2 =	por !p2, p0  }
0x20: {  	[sflag:s8] =	ssyncset.s32 @!p0 $0xFFFFF086;
	s6 =	sadd.s32 @!p0 s3, s7;
	s7 =	simm.s32 @!p0 $0x108  }
0x21: {  	s3 =	sadd.s32 s3, s9;
	s6 =	sadd.s32 @!p0 $0x88, s6;
	s7 =	simm.s32 @p2 $0x1082  }
0x22: {  	[simem:s7], [sflag:s8] =	dma.local @!p0 [hbm:s6], $0xF7A  }
0x23: {  	s9 =	sor.u32 $0xD0000000, s2;
	s6 =	simm.s32 $0x108;
	_ =	swait.ge @!p0 [sflag:s8], $0x0  }
0x24: {  	s3 =	sadd.s32 $0x88, s3;
	s6 =	simm.s32 @!p1 $0x1082;
	[sflag:s4] =	ssyncset.s32 $0xFFFFF086  }
0x25: {  	[simem:s6], [sflag:s4] =	dma.local [hbm:s3], $0xF7A  }
0x26: {  	[smem:$0x3F87] =	sst s1;
	(tag) =	ssettag s2;
	_ =	strace s9  }
0x27: {  	s1 =	sld [smem:$0x3F97]  }
0x28: {  	s2 =	sld [smem:$0x3F98]  }
0x29: {  	s4 =	sld [smem:$0x3F9A]  }
0x2a: {  	p0 =	seq.s32 s5, $0x0;
	s5 =	sld [smem:$0x3F9B]  }
0x2b: {  	s6 =	sld [smem:$0x3F9C]  }
0x2c: {  	s7 =	sld [smem:$0x3F9D]  }
0x2d: {  	s3 =	simm.s32 $0x108;
	s8 =	sld [smem:$0x3F9E]  }
0x2e: {  	s3 =	simm.s32 @!p0 $0x1082;
	s9 =	sld [smem:$0x3F9F]  }
0x2f: {  	lr =	sadd.s32 s0, s3;
	s0 =	sld [smem:$0x3F96]  }
0x30: {  	s3 =	sld [smem:$0x3F99]  }
0x31: {  	[smem:$0x3FA2] =	sst s10  }
0x32: {  	s10 =	sld [smem:$0x3FA0];
	_ =	sdelay $0x3  }
0x33: {  	p0 =	seq.s32 s10, $0x1;
	s10 =	sld [smem:$0x3FA2];
	_ =	sdelay $0x3  }
0x34: {  	[smem:$0x3FA2] =	sst s10  }
0x35: {  	s10 =	sld [smem:$0x3FA1];
	_ =	sdelay $0x3  }
0x36: {  	p1 =	seq.s32 s10, $0x1;
	s10 =	sld [smem:$0x3FA2];
	_ =	sdelay $0x3  }
0x37: {  	[smem:$0x3FA2] =	sst s10  }
0x38: {  	s10 =	sld [smem:$0x3FA3]  }
0x39: {  	_ = 	snop;
	(pc) =	sbr.ind lr, $3  }
0x3a: {  	_ = 	snop  }
0x3b: {  	_ = 	snop  }
0x3c: {  	p2 =	seq.s32 s10, $0x1;
	s10 =	sld [smem:$0x3FA2]  }
0x3d: {  	_ =	shalt  }
0x3e: {  	_ =	shalt  }
0x3f: {  	_ =	shalt  }
0x40: {  	_ =	shalt  }
0x41: {  	_ =	shalt  }
0x42: {  	_ =	shalt  }
0x43: {  	_ =	shalt  }
0x44: {  	_ =	shalt  }
0x45: {  	_ =	shalt  }
0x46: {  	_ =	shalt  }
0x47: {  	_ =	shalt  }
0x48: {  	_ =	shalt  }
0x49: {  	_ =	shalt  }
0x4a: {  	_ =	shalt  }
0x4b: {  	_ =	shalt  }
0x4c: {  	_ =	shalt  }
0x4d: {  	_ =	shalt  }
0x4e: {  	_ =	shalt  }
0x4f: {  	_ =	shalt  }
0x50: {  	_ =	shalt  }
0x51: {  	_ =	shalt  }
0x52: {  	_ =	shalt  }
0x53: {  	_ =	shalt  }
0x54: {  	_ =	shalt  }
0x55: {  	_ =	shalt  }
0x56: {  	_ =	shalt  }
0x57: {  	_ =	shalt  }
0x58: {  	_ =	shalt  }
0x59: {  	_ =	shalt  }
0x5a: {  	_ =	shalt  }
0x5b: {  	_ =	shalt  }
0x5c: {  	_ =	shalt  }
0x5d: {  	_ =	shalt  }
0x5e: {  	_ =	shalt  }
0x5f: {  	_ =	shalt  }
0x60: {  	_ =	shalt  }
0x61: {  	_ =	shalt  }
0x62: {  	_ =	shalt  }
0x63: {  	_ =	shalt  }
0x64: {  	_ =	shalt  }
0x65: {  	_ =	shalt  }
0x66: {  	_ =	shalt  }
0x67: {  	_ =	shalt  }
0x68: {  	_ =	shalt  }
0x69: {  	_ =	shalt  }
0x6a: {  	_ =	shalt  }
0x6b: {  	_ =	shalt  }
0x6c: {  	_ =	shalt  }
0x6d: {  	_ =	shalt  }
0x6e: {  	_ =	shalt  }
0x6f: {  	_ =	shalt  }
0x70: {  	_ =	shalt  }
0x71: {  	_ =	shalt  }
0x72: {  	_ =	shalt  }
0x73: {  	_ =	shalt  }
0x74: {  	_ =	shalt  }
0x75: {  	_ =	shalt  }
0x76: {  	_ =	shalt  }
0x77: {  	_ =	shalt  }
0x78: {  	_ =	shalt  }
0x79: {  	_ =	shalt  }
0x7a: {  	_ =	shalt  }
0x7b: {  	_ =	shalt  }
0x7c: {  	_ =	shalt  }
0x7d: {  	_ =	shalt  }
0x7e: {  	_ =	shalt  }
0x7f: {  	_ =	shalt  }
0x80: {  	_ =	shalt  }
0x81: {  	_ =	shalt  }
0x82: {  	_ =	shalt  }
0x83: {  	_ =	shalt  }
0x84: {  	_ =	shalt  }
0x85: {  	_ =	shalt  }
0x86: {  	_ =	shalt  }
0x87: {  	_ =	shalt  }
.Lfunc_end0:
.L_simem_size_0:
called_computation.3_lowered:
.L_overlay_start_0:
0x88: {  	s2 =	sld [smem:$0x3FD9]  }
0x89: {  	s3 =	sld [smem:$0x3FFE];
	_ =	sdelay $0x1  }
0x8a: {  	s1 =	srdreg.scid  }
0x8b: {  	s0 =	sand.u32 $0x1, s1  }
0x8c: {  	s14 =	sshll.u32 s0, $0xA;
	s2 =	sadd.s32 s3, s2  }
0x8d: {  	s2 =	sadd.s32 s2, s14  }
0x8e: {  	[smem:$0x3FAE] =	sst s2  }
0x8f: {  	_ = 	snop  }
0x90: {  	s2 =	sld [smem:$0x3FD0];
	_ =	sdelay $0x2  }
0x91: {  	s15 =	simm.s32 $0xB;
	s4 =	simm.s32 $0x10  }
0x92: {  	[smem:s4], [sflag:s15] =	dma.local [hbm:s2], $0x1  }
0x93: {  	_ =	swait.eq [sflag:s15], $0x1  }
0x94: {  	[sflag:s15] =	ssyncset.done $0x0  }
0x95: {  	[sflag:s15] =	ssyncadd.s32 $0xFFFFFFFF  }
0x96: {  	s16 =	sld [smem:$0x10];
	(tm) =	ssettm $0x1  }
0x97: {  	s17 =	sld [smem:$0x3FFB];
	_ =	sdelay $0x3  }
0x98: {  	_ =	strace s17  }
0x99: {  	s3 =	sld [smem:$0x3FFC];
	_ =	sdelay $0x3  }
0x9a: {  	_ =	strace s3  }
0x9b: {  	s3 =	sld [smem:$0x3FFD];
	_ =	sdelay $0x3  }
0x9c: {  	_ =	strace s3  }
0x9d: {  	_ =	strace $0x8FFFFFFF  }
0x9e: {  	s18 =	sld [smem:$0x3FDB];
	_ =	sdelay $0x1  }
0x9f: {  	s19 =	simm.s32 $_scs_section_size  }
0xa0: {  	s5 =	simm.s32 $_size__tile_overlayer_lowered;
	s6 =	simm.s32 $_tile_overlayer_lowered  }
0xa1: {  	s22 =	simm.s32 $0x1BFF;
	s21 =	sshll.u32 s6, $0x1;
	s3 =	sadd.s32 s19, s18  }
0xa2: {  	s7 =	simm.s32 $0x0;
	s20 =	sshll.u32 s5, $0x1;
	s5 =	sadd.s32 s21, s3  }
0xa3: {  	[timem:s7], [sflag:s22] =	dma.local [hbm:s5], s20  }
0xa4: {  	_ =	swait.ge [sflag:s22], s20  }
0xa5: {  	s4 =	ssub.s32 $0x0, s20;
	[sflag:s22] =	ssyncset.done $0x0  }
0xa6: {  	[sflag:s22] =	ssyncadd.s32 s4;
	_ =	sdelay $0x1  }
0xa7: {  	s23 =	simm.s32 $0x1B8B  }
0xa8: {  	_ =	swait.ge [sflag:s23], $0x1  }
0xa9: {  	[sflag:s23] =	ssyncset.done $0x0  }
0xaa: {  	s25 =	simm.s32 $0x1B8E;
	s24 =	sld [smem:$0x3FFE];
	[sflag:s23] =	ssyncadd.s32 $0xFFFFFFFF  }
0xab: {  	s26 =	simm.s32 $execute0_lowered;
	[smem:$0x3FD2] =	sst s25  }
0xac: {  	s5 =	sshll.u32 s26, $0x1;
	_ =	strace $0x8000004F;
	[dreg:$0x1] =	wrdreg $0xFFFFFFFF  }
0xad: {  	s28 =	simm.s32 $_size_execute0_lowered;
	s3 =	sadd.s32 s3, s5;
	[dreg:$0x0] =	wrdreg $0x0  }
0xae: {  	s5 =	sshll.u32 s28, $0x1;
	[dreg:$0x2] =	wrdreg s3  }
0xaf: {  	[dreg:$0x3] =	wrdreg s5  }
0xb0: {  	[dreg:$0x4] =	wrdreg $0xC0  }
0xb1: {  	_ =	task [dreg:s7], $0x5FFFF  }
0xb2: {  	[dreg:$0x1] =	wrdreg $0xFFFFFFFF  }
0xb3: {  	[dreg:$0x0] =	wrdreg $0x60  }
0xb4: {  	[dreg:$0x2] =	wrdreg s24  }
0xb5: {  	[dreg:$0x3] =	wrdreg s16  }
0xb6: {  	[dreg:$0x4] =	wrdreg $0x82000  }
0xb7: {  	[dreg:$0x5] =	wrdreg $0x9  }
0xb8: {  	_ =	task.clear_ibuf [dreg:s7], $0x6FFFF;
	_ =	strace $0x9000004F  }
0xb9: {  	s29 =	simm.s32 $0x9;
	_ =	strace $0x80000051  }
0xba: {  	_ =	swait.ge [sflag:s29], $0x1  }
0xbb: {  	[sflag:s29] =	ssyncadd.s32 $0xFFFFFFFF  }
0xbc: {  	_ =	strace $0x90000051  }
0xbd: {  	_ =	sfence  }
0xbe: {  	s30 =	sld [smem:$0x0];
	_ =	sdelay $0x2  }
0xbf: {  	s31 =	sshll.u32 s1, $0xD;
	s1 =	sshrl.u32 s1, $0x2  }
0xc0: {  	s3 =	sand.u32 $0x4000, s31;
	s1 =	sadd.s32 s1, s30  }
0xc1: {  	s0 =	sor.u32 s3, s0;
	s1 =	sshll.u32 s1, $0x11  }
0xc2: {  	s0 =	sor.u32 s1, s0  }
0xc3: {  	s0 =	sadd.s32 $0x8F2B, s0  }
0xc4: {  	[sflag:s0] =	ssyncadd.remote.s32 $0x1  }
0xc5: {  	_ =	sfence.sel $0xFFFF  }
0xc6: {  	[dreg:$0x0] =	wrdreg $0xFFFFFFFF;
	(pc) =	sbr.abs _section_cstart, $3  }
0xc7: {  	[dreg:$0x1] =	wrdreg $0xFFFFFFFF  }
0xc8: {  	_ =	task.clear_ibuf [dreg:s7], $0x2FFFF;
	_ =	strace $0x9FFFFFFF  }
0xc9: {  	(tm) =	ssettm $0x7FFFFFFF  }
tec
execute0_lowered:
.L_overlay_start_1:
0x0: {  	(tag) =	ssettag $0x1  }
0x1: {  	s0 =	rddreg [dreg:$0x0]  }
0x2: {  	s1 =	rddreg [dreg:$0x1]  }
0x3: {  	s3 =	rddreg [dreg:$0x2]  }
0x4: {  	s4 =	simm.s32 $0x0;
	s2 =	srdreg.scid;
	s13 =	stileid.u32  }
0x5: {  	s30 =	simm.s32 $0x200;
	s31 =	simm.s32 $0x5;
	[smem:$0x7FF] =	sst s4  }
0x6: {  	s2 =	sand.u32 $0x1, s2;
	s5 =	sshll.u32 s13, $0x1;
	s10 =	smul.u32 $0x50000, s13  }
0x7: {  	s7 =	sadd.s32 $0xF000, s0;
	s8 =	sadd.s32 $0x5000, s0;
	s12 =	smul.u32 $0x14000, s13  }
0x8: {  	s11 =	sadd.s32 $0x19000, s0;
	s0 =	sadd.s32 $0x19800, s0;
	s13 =	smul.u32 $0x5000, s13  }
0x9: {  	_ =	strace $0x80000050;
	s5 =	sor.u32 s2, s5;
	s20 =	smul.u32 $0x140000, s2  }
0xa: {  	s6 =	ssub.s32 $0x2, s2;
	[dreg:$0x4] =	wrdreg s11;
	s2 =	smul.u32 $0x2800, s2  }
0xb: {  	s5 =	smul.u32 $0x2800, s5;
	s9 =	sshrl.u32 s6, $0x1;
	s19 =	sshrl.u32 s10, $0x2  }
0xc: {  	s11 =	sadd.s32 $0x4000, s12;
	s15 =	sadd.s32 $0xC000, s12;
	s9 =	ssub.s32 s6, s9  }
0xd: {  	s6 =	sadd.s32 s19, s3;
	s24 =	sadd.s32 s20, s12;
	s25 =	sadd.s32 s20, s11  }
0xe: {  	s2 =	sadd.s32 s2, s13;
	s5 =	sshrl.u32 s5, $0x3;
	s9 =	smax.u32 s9, $0x1  }
0xf: {  	s26 =	sshrl.u32 s25, $0x3;
	s28 =	sadd.s32 $0xC000, s6;
	s29 =	sadd.s32 $0x10000, s6  }
0x10: {  	s21 =	sor.u32 $0x10, s5;
	s14 =	sadd.s32 s7, s5;
	[dreg:$0x9] =	wrdreg s9  }
0x11: {  	s5 =	sadd.s32 s8, s5;
	s9 =	sadd.s32 $0x8000, s12;
	[dreg:$0x5] =	wrdreg s14  }
0x12: {  	s12 =	sadd.s32 $0x10000, s12;
	[dreg:$0x6] =	wrdreg s5;
	s22 =	sadd.s32 s7, s21  }
0x13: {  	s23 =	sadd.s32 s8, s21;
	s5 =	sshrl.u32 s24, $0x3;
	s14 =	sadd.s32 s20, s9  }
0x14: {  	s10 =	sadd.s32 s20, s12;
	s24 =	sor.u32 $0x180, s2;
	[dreg:$0x7] =	wrdreg s22  }
0x15: {  	s2 =	sor.u32 $0x100, s2;
	s21 =	sadd.s32 $0x4000, s6;
	[dreg:$0x8] =	wrdreg s23  }
0x16: {  	s5 =	sadd.s32 s0, s5;
	s22 =	sadd.s32 s20, s15;
	s23 =	sshrl.u32 s10, $0x3  }
0x17: {  	s25 =	sshrl.u32 s24, $0x3;
	s24 =	sadd.s32 s15, s3;
	s10 =	simm.s32 $0x2  }
0x18: {  	[dreg:$0xa] =	wrdreg s5;
	s5 =	sadd.s32 s0, s26;
	s16 =	sadd.s32 s0, s23  }
0x19: {  	s17 =	sadd.s32 s25, s8;
	s18 =	sadd.s32 s25, s7;
	s26 =	sshrl.u32 s2, $0x3  }
0x1a: {  	s23 =	sadd.s32 s9, s3;
	s25 =	sadd.s32 s12, s3;
	s2 =	simm.s32 $0x100  }
0x1b: {  	s9 =	simm.s32 $0x1;
	s12 =	simm.s32 $0x0;
	[dreg:$0xb] =	wrdreg s5  }
0x1c: {  	s5 =	sshrl.u32 s14, $0x3;
	s19 =	sadd.s32 s26, s8;
	s20 =	sadd.s32 s26, s7  }
0x1d: {  	s26 =	sadd.s32 $0x8000, s6;
	s7 =	simm.s32 $0x4;
	s5 =	sadd.s32 s0, s5  }
0x1e: {  	s8 =	simm.s32 $0x4200;
	[dreg:$0xc] =	wrdreg s5;
	s5 =	sshrl.u32 s22, $0x3  }
0x1f: {  	s22 =	sadd.s32 s11, s3;
	s11 =	simm.s32 $0x3;
	s5 =	sadd.s32 s0, s5  }
0x20: {  	s0 =	simm.s32 $0x80;
	[dreg:$0xd] =	wrdreg s5;
	s5 =	simm.s32 $0x180  }
.LBB2_1:
0x21: {  	s13 =	rddreg [dreg:$0x4]  }
0x22: {  	[tilespmem:s30], [sflag:$0x5] =	stream.linear.gather [hbm4b:s13+s4], $0x4000, $0x38;
	[tilespmem:$0x1C200] =	vst v63  }
0x23: {  	_ =	swait.ge [sflag:s31], $0x4000  }
0x24: {  	[sflag:s31] =	ssyncset.done $0x0  }
0x25: {  	[sflag:s31] =	ssyncadd.s32 $0xFFFFC000  }
0x26: {  	[spmem:s6] =	stream.linear.scatter [tilespmem:s30], [sflag:$0x5], $0x4000, $0x38;
	[tilespmem:$0x1C200] =	vst v63  }
0x27: {  	_ =	swait.ge [sflag:s31], $0x4000  }
0x28: {  	[sflag:s31] =	ssyncset.done $0x0  }
0x29: {  	[sflag:s31] =	ssyncadd.s32 $0xFFFFC000  }
0x2a: {  	[spmem:s21] =	stream.linear.scatter [tilespmem:s30], [sflag:$0x5], $0x4000, $0x38;
	[tilespmem:$0x1C200] =	vst v63  }
0x2b: {  	_ =	swait.ge [sflag:s31], $0x4000  }
0x2c: {  	[sflag:s31] =	ssyncset.done $0x0  }
0x2d: {  	[sflag:s31] =	ssyncadd.s32 $0xFFFFC000  }
0x2e: {  	[spmem:s26] =	stream.linear.scatter [tilespmem:s30], [sflag:$0x5], $0x4000, $0x38;
	[tilespmem:$0x1C200] =	vst v63  }
0x2f: {  	_ =	swait.ge [sflag:s31], $0x4000  }
0x30: {  	[sflag:s31] =	ssyncset.done $0x0  }
0x31: {  	[sflag:s31] =	ssyncadd.s32 $0xFFFFC000  }
0x32: {  	[spmem:s28] =	stream.linear.scatter [tilespmem:s30], [sflag:$0x5], $0x4000, $0x38;
	[tilespmem:$0x1C200] =	vst v63  }
0x33: {  	_ =	swait.ge [sflag:s31], $0x4000  }
0x34: {  	[sflag:s31] =	ssyncset.done $0x0  }
0x35: {  	[sflag:s31] =	ssyncadd.s32 $0xFFFFC000  }
0x36: {  	[spmem:s29] =	stream.linear.scatter [tilespmem:s30], [sflag:$0x5], $0x4000, $0x38;
	[tilespmem:$0x1C200] =	vst v63  }
0x37: {  	_ =	swait.ge [sflag:s31], $0x4000  }
0x38: {  	[sflag:s31] =	ssyncset.done $0x0  }
0x39: {  	[sflag:s31] =	ssyncadd.s32 $0xFFFFC000  }
0x3a: {  	[bflag:$0x0] =	sbarrier.arrive $0xFFFF  }
0x3b: {  	s15 =	rddreg [dreg:$0x5]  }
0x3c: {  	[tilespmem:s4], [sflag:$0x5] =	stream.linear.gather [hbm4b:s15+s4], $0x80, $0x38;
	[tilespmem:$0x1C200] =	vst v63  }
0x3d: {  	_ =	swait.ge [sflag:s31], $0x80  }
0x3e: {  	[sflag:s31] =	ssyncset.done $0x0  }
0x3f: {  	s14 =	rddreg [dreg:$0x6];
	[sflag:s31] =	ssyncadd.s32 $0xFFFFFF80  }
0x40: {  	[tilespmem:s0], [sflag:$0x5] =	stream.linear.gather [hbm4b:s14+s4], $0x80, $0x38;
	[tilespmem:$0x1C200] =	vst v63  }
0x41: {  	_ =	swait.ge [sflag:s31], $0x80  }
0x42: {  	[sflag:s31] =	ssyncset.done $0x0  }
0x43: {  	[sflag:s31] =	ssyncadd.s32 $0xFFFFFF80  }
0x44: {  	[tilespmem:s30], [sflag:$0x1] =	stream.indirect.gather [hbm4b:s1+s0], $0x80, s4, s0, $0xb8;
	[tilespmem:$0x1C200] =	vst v63  }
0x45: {  	s15 =	rddreg [dreg:$0x7]  }
0x46: {  	[tilespmem:s2], [sflag:$0x4] =	stream.linear.gather [hbm4b:s15+s4], $0x80, $0x38;
	[tilespmem:$0x1C200] =	vst v63  }
0x47: {  	s14 =	rddreg [dreg:$0x8]  }
0x48: {  	[tilespmem:s5], [sflag:$0x4] =	stream.linear.gather [hbm4b:s14+s4], $0x80, $0x38;
	[tilespmem:$0x1C200] =	vst v63  }
0x49: {  	_ =	swait.ge [sflag:s7], $0x80  }
0x4a: {  	[sflag:s7] =	ssyncset.done $0x0  }
0x4b: {  	[sflag:s7] =	ssyncadd.s32 $0xFFFFFF80  }
0x4c: {  	_ =	swait.ge [sflag:s7], $0x80  }
0x4d: {  	[sflag:s7] =	ssyncset.done $0x0  }
0x4e: {  	[sflag:s7] =	ssyncadd.s32 $0xFFFFFF80  }
0x4f: {  	[tilespmem:s8], [sflag:$0x2] =	stream.indirect.gather [hbm4b:s1+s0], $0x80, s2, s0, $0xb8;
	[tilespmem:$0x1C200] =	vst v63  }
0x50: {  	_ =	swait.ge [sflag:s9], $0x4000  }
0x51: {  	[sflag:s9] =	ssyncset.done $0x0  }
0x52: {  	[sflag:s9] =	ssyncadd.s32 $0xFFFFC000  }
0x53: {  	[spmem:s3] =	stream.indirect.scatter.add.f32 [tilespmem:s30], [sflag:$0x5], $0x80, s0, s0, $0xb8;
	[tilespmem:$0x1C200] =	vst v63  }
0x54: {  	_ =	swait.ge [sflag:s31], $0x4000  }
0x55: {  	[sflag:s31] =	ssyncset.done $0x0  }
0x56: {  	s15 =	sadd.s32 $0x0, s20;
	[sflag:s31] =	ssyncadd.s32 $0xFFFFC000  }
0x57: {  	[tilespmem:s4], [sflag:$0x3] =	stream.linear.gather [hbm4b:s15+s4], $0x80, $0x38;
	[tilespmem:$0x1C200] =	vst v63  }
0x58: {  	s14 =	sadd.s32 $0x0, s19  }
0x59: {  	[tilespmem:s0], [sflag:$0x3] =	stream.linear.gather [hbm4b:s14+s4], $0x80, $0x38;
	[tilespmem:$0x1C200] =	vst v63  }
0x5a: {  	_ =	swait.ge [sflag:s10], $0x4000  }
0x5b: {  	[sflag:s10] =	ssyncset.done $0x0  }
0x5c: {  	[sflag:s10] =	ssyncadd.s32 $0xFFFFC000  }
0x5d: {  	[spmem:s3] =	stream.indirect.scatter.add.f32 [tilespmem:s8], [sflag:$0x5], $0x80, s5, s0, $0xb8;
	[tilespmem:$0x1C200] =	vst v63  }
0x5e: {  	_ =	swait.ge [sflag:s31], $0x4000  }
0x5f: {  	[sflag:s31] =	ssyncset.done $0x0  }
0x60: {  	[sflag:s31] =	ssyncadd.s32 $0xFFFFC000  }
0x61: {  	_ =	swait.ge [sflag:s11], $0x80  }
0x62: {  	[sflag:s11] =	ssyncset.done $0x0  }
0x63: {  	[sflag:s11] =	ssyncadd.s32 $0xFFFFFF80  }
0x64: {  	_ =	swait.ge [sflag:s11], $0x80  }
0x65: {  	[sflag:s11] =	ssyncset.done $0x0  }
0x66: {  	[sflag:s11] =	ssyncadd.s32 $0xFFFFFF80  }
0x67: {  	[tilespmem:s30], [sflag:$0x1] =	stream.indirect.gather [hbm4b:s1+s0], $0x80, s4, s0, $0xb8;
	[tilespmem:$0x1C200] =	vst v63  }
0x68: {  	s13 =	simm.s32 $0x20;
	s15 =	sadd.s32 $0x0, s18;
	s14 =	sadd.s32 $0x0, s17  }
0x69: {  	[tilespmem:s2], [sflag:$0x4] =	stream.linear.gather [hbm4b:s15+s4], $0x80, $0x38;
	[tilespmem:$0x1C200] =	vst v63  }
.LBB2_2:
0x6a: {  	[tilespmem:s5], [sflag:$0x4] =	stream.linear.gather [hbm4b:s14+s4], $0x80, $0x38;
	[tilespmem:$0x1C200] =	vst v63  }
0x6b: {  	s14 =	smov.u32 s13  }
0x6c: {  	p0 =	sne.s32 s13, $0x4C0;
	s13 =	sadd.s32 $0x20, s13;
	_ =	swait.ge [sflag:s7], $0x80  }
0x6d: {  	[sflag:s7] =	ssyncset.done $0x0  }
0x6e: {  	[sflag:s7] =	ssyncadd.s32 $0xFFFFFF80  }
0x6f: {  	_ =	swait.ge [sflag:s7], $0x80  }
0x70: {  	[sflag:s7] =	ssyncset.done $0x0  }
0x71: {  	[sflag:s7] =	ssyncadd.s32 $0xFFFFFF80  }
0x72: {  	[tilespmem:s8], [sflag:$0x2] =	stream.indirect.gather [hbm4b:s1+s0], $0x80, s2, s0, $0xb8;
	[tilespmem:$0x1C200] =	vst v63  }
0x73: {  	_ =	swait.ge [sflag:s9], $0x4000  }
0x74: {  	[sflag:s9] =	ssyncset.done $0x0  }
0x75: {  	[sflag:s9] =	ssyncadd.s32 $0xFFFFC000  }
0x76: {  	[spmem:s3] =	stream.indirect.scatter.add.f32 [tilespmem:s30], [sflag:$0x5], $0x80, s0, s0, $0xb8;
	[tilespmem:$0x1C200] =	vst v63  }
0x77: {  	_ =	swait.ge [sflag:s31], $0x4000  }
0x78: {  	[sflag:s31] =	ssyncset.done $0x0  }
0x79: {  	s15 =	sadd.s32 s14, s20;
	[sflag:s31] =	ssyncadd.s32 $0xFFFFC000  }
0x7a: {  	[tilespmem:s4], [sflag:$0x3] =	stream.linear.gather [hbm4b:s15+s4], $0x80, $0x38;
	[tilespmem:$0x1C200] =	vst v63  }
0x7b: {  	s15 =	sadd.s32 s14, s19  }
0x7c: {  	[tilespmem:s0], [sflag:$0x3] =	stream.linear.gather [hbm4b:s15+s4], $0x80, $0x38;
	[tilespmem:$0x1C200] =	vst v63  }
0x7d: {  	_ =	swait.ge [sflag:s10], $0x4000  }
0x7e: {  	[sflag:s10] =	ssyncset.done $0x0  }
0x7f: {  	[sflag:s10] =	ssyncadd.s32 $0xFFFFC000  }
0x80: {  	[spmem:s3] =	stream.indirect.scatter.add.f32 [tilespmem:s8], [sflag:$0x5], $0x80, s5, s0, $0xb8;
	[tilespmem:$0x1C200] =	vst v63  }
0x81: {  	_ =	swait.ge [sflag:s31], $0x4000  }
0x82: {  	[sflag:s31] =	ssyncset.done $0x0  }
0x83: {  	[sflag:s31] =	ssyncadd.s32 $0xFFFFC000  }
0x84: {  	_ =	swait.ge [sflag:s11], $0x80  }
0x85: {  	[sflag:s11] =	ssyncset.done $0x0  }
0x86: {  	[sflag:s11] =	ssyncadd.s32 $0xFFFFFF80  }
0x87: {  	_ =	swait.ge [sflag:s11], $0x80  }
0x88: {  	[sflag:s11] =	ssyncset.done $0x0  }
.Ltmp0:
0x89: {  	[sflag:s11] =	ssyncadd.s32 $0xFFFFFF80;
	(pc) =	sbr.rel @p0 .LBB2_2-.Ltmp0, $4  }
0x8a: {  	[tilespmem:s30], [sflag:$0x1] =	stream.indirect.gather [hbm4b:s1+s0], $0x80, s4, s0, $0xb8;
	[tilespmem:$0x1C200] =	vst v63  }
0x8b: {  	s15 =	sadd.s32 s14, s18  }
0x8c: {  	[tilespmem:s2], [sflag:$0x4] =	stream.linear.gather [hbm4b:s15+s4], $0x80, $0x38;
	[tilespmem:$0x1C200] =	vst v63  }
0x8d: {  	s14 =	sadd.s32 s14, s17  }
0x8e: {  	[tilespmem:s5], [sflag:$0x4] =	stream.linear.gather [hbm4b:s14+s4], $0x80, $0x38;
	[tilespmem:$0x1C200] =	vst v63  }
0x8f: {  	_ =	swait.ge [sflag:s7], $0x80  }
0x90: {  	[sflag:s7] =	ssyncset.done $0x0  }
0x91: {  	[sflag:s7] =	ssyncadd.s32 $0xFFFFFF80  }
0x92: {  	_ =	swait.ge [sflag:s7], $0x80  }
0x93: {  	[sflag:s7] =	ssyncset.done $0x0  }
0x94: {  	[sflag:s7] =	ssyncadd.s32 $0xFFFFFF80  }
0x95: {  	[tilespmem:s8], [sflag:$0x2] =	stream.indirect.gather [hbm4b:s1+s0], $0x80, s2, s0, $0xb8;
	[tilespmem:$0x1C200] =	vst v63  }
0x96: {  	_ =	swait.ge [sflag:s9], $0x4000  }
0x97: {  	[sflag:s9] =	ssyncset.done $0x0  }
0x98: {  	[sflag:s9] =	ssyncadd.s32 $0xFFFFC000  }
0x99: {  	[spmem:s3] =	stream.indirect.scatter.add.f32 [tilespmem:s30], [sflag:$0x5], $0x80, s0, s0, $0xb8;
	[tilespmem:$0x1C200] =	vst v63  }
0x9a: {  	_ =	swait.ge [sflag:s31], $0x4000  }
0x9b: {  	[sflag:s31] =	ssyncset.done $0x0  }
0x9c: {  	[sflag:s31] =	ssyncadd.s32 $0xFFFFC000  }
0x9d: {  	_ =	swait.ge [sflag:s10], $0x4000  }
0x9e: {  	[sflag:s10] =	ssyncset.done $0x0  }
0x9f: {  	[sflag:s10] =	ssyncadd.s32 $0xFFFFC000  }
0xa0: {  	[spmem:s3] =	stream.indirect.scatter.add.f32 [tilespmem:s8], [sflag:$0x5], $0x80, s5, s0, $0xb8;
	[tilespmem:$0x1C200] =	vst v63  }
0xa1: {  	_ =	swait.ge [sflag:s31], $0x4000  }
0xa2: {  	[sflag:s31] =	ssyncset.done $0x0  }
0xa3: {  	[sflag:s31] =	ssyncadd.s32 $0xFFFFC000  }
0xa4: {  	[bflag:$0x0] =	sbarrier.arrive $0xFFFF  }
0xa5: {  	[tilespmem:s30], [sflag:$0x5] =	stream.linear.gather [spmem:s6], $0x4000, $0x38;
	[tilespmem:$0x1C200] =	vst v63  }
0xa6: {  	_ =	swait.ge [sflag:s31], $0x4000  }
0xa7: {  	[sflag:s31] =	ssyncset.done $0x0  }
0xa8: {  	s13 =	rddreg [dreg:$0xa];
	[sflag:s31] =	ssyncadd.s32 $0xFFFFC000  }
0xa9: {  	[hbm4b:s13+s4] =	stream.linear.scatter [tilespmem:s30], [sflag:$0x5], $0x4000, $0x38;
	[tilespmem:$0x1C200] =	vst v63  }
0xaa: {  	_ =	swait.ge [sflag:s31], $0x4000  }
0xab: {  	[sflag:s31] =	ssyncset.done $0x0  }
0xac: {  	[sflag:s31] =	ssyncadd.s32 $0xFFFFC000  }
0xad: {  	[tilespmem:s30], [sflag:$0x5] =	stream.linear.gather [spmem:s22], $0x4000, $0x38;
	[tilespmem:$0x1C200] =	vst v63  }
0xae: {  	_ =	swait.ge [sflag:s31], $0x4000  }
0xaf: {  	[sflag:s31] =	ssyncset.done $0x0  }
0xb0: {  	s14 =	rddreg [dreg:$0xb];
	[sflag:s31] =	ssyncadd.s32 $0xFFFFC000  }
0xb1: {  	[hbm4b:s14+s4] =	stream.linear.scatter [tilespmem:s30], [sflag:$0x5], $0x4000, $0x38;
	[tilespmem:$0x1C200] =	vst v63  }
0xb2: {  	_ =	swait.ge [sflag:s31], $0x4000  }
0xb3: {  	[sflag:s31] =	ssyncset.done $0x0  }
0xb4: {  	[sflag:s31] =	ssyncadd.s32 $0xFFFFC000  }
0xb5: {  	[tilespmem:s30], [sflag:$0x5] =	stream.linear.gather [spmem:s23], $0x4000, $0x38;
	[tilespmem:$0x1C200] =	vst v63  }
0xb6: {  	_ =	swait.ge [sflag:s31], $0x4000  }
0xb7: {  	[sflag:s31] =	ssyncset.done $0x0  }
0xb8: {  	s15 =	rddreg [dreg:$0xc];
	[sflag:s31] =	ssyncadd.s32 $0xFFFFC000  }
0xb9: {  	[hbm4b:s15+s4] =	stream.linear.scatter [tilespmem:s30], [sflag:$0x5], $0x4000, $0x38;
	[tilespmem:$0x1C200] =	vst v63  }
0xba: {  	_ =	swait.ge [sflag:s31], $0x4000  }
0xbb: {  	[sflag:s31] =	ssyncset.done $0x0  }
0xbc: {  	[sflag:s31] =	ssyncadd.s32 $0xFFFFC000  }
0xbd: {  	[tilespmem:s30], [sflag:$0x5] =	stream.linear.gather [spmem:s24], $0x4000, $0x38;
	[tilespmem:$0x1C200] =	vst v63  }
0xbe: {  	_ =	swait.ge [sflag:s31], $0x4000  }
0xbf: {  	[sflag:s31] =	ssyncset.done $0x0  }
0xc0: {  	s14 =	rddreg [dreg:$0xd];
	[sflag:s31] =	ssyncadd.s32 $0xFFFFC000  }
0xc1: {  	[hbm4b:s14+s4] =	stream.linear.scatter [tilespmem:s30], [sflag:$0x5], $0x4000, $0x38;
	[tilespmem:$0x1C200] =	vst v63  }
0xc2: {  	_ =	swait.ge [sflag:s31], $0x4000  }
0xc3: {  	[sflag:s31] =	ssyncset.done $0x0  }
0xc4: {  	[sflag:s31] =	ssyncadd.s32 $0xFFFFC000  }
0xc5: {  	[tilespmem:s30], [sflag:$0x5] =	stream.linear.gather [spmem:s25], $0x4000, $0x38;
	[tilespmem:$0x1C200] =	vst v63  }
0xc6: {  	_ =	swait.ge [sflag:s31], $0x4000  }
0xc7: {  	[sflag:s31] =	ssyncset.done $0x0  }
0xc8: {  	[sflag:s31] =	ssyncadd.s32 $0xFFFFC000  }
0xc9: {  	[hbm4b:s16+s4] =	stream.linear.scatter [tilespmem:s30], [sflag:$0x5], $0x4000, $0x38;
	[tilespmem:$0x1C200] =	vst v63  }
0xca: {  	_ =	swait.ge [sflag:s31], $0x4000  }
0xcb: {  	s12 =	sadd.s32 $0x1, s12;
	s15 =	rddreg [dreg:$0x9]  }
0xcc: {  	p0 =	sne.s32 s12, s15  }
.Ltmp1:
0xcd: {  	_ = 	snop;
	(pc) =	sbr.rel @p0 .LBB2_1-.Ltmp1, $3  }
0xce: {  	_ =	sdelay $0x1  }
0xcf: {  	[sflag:s31] =	ssyncset.done $0x0  }
0xd0: {  	[sflag:s31] =	ssyncadd.s32 $0xFFFFC000  }
0xd1: {  	_ =	sfence.sel $0x180000  }
0xd2: {  	[bflag:$0x0] =	sbarrier.arrive $0xFFFF  }
0xd3: {  	_ =	strace $0x90000050  }
0xd4: {  	s0 =	stileid.u32;
	[bflag:$0x2] =	sbarrier.arrive $0xFFFF  }
0xd5: {  	p0 =	sne.s32 s0, $0x0;
	s0 =	rddreg [dreg:$0x3]  }
0xd6: {  	s0 =	sadd.s32 @!p0 $0x100000, s0  }
0xd7: {  	[sflag:s0] =	ssyncadd.tile.s32 @!p0 $0x1;
	_ =	shalt  }
.Lfunc_end2:
_tile_overlayer_lowered:
.L_overlay_start_2:
0xd8: {  	(tag) =	ssettag $0x2  }
0xd9: {  	s0 =	rddreg [dreg:$0x0];
	s2 =	stileid.u32  }
0xda: {  	s1 =	rddreg [dreg:$0x1];
	p0 =	sne.s32 s2, $0x0  }
0xdb: {  	s3 =	rddreg [dreg:$0x2];
	[bflag:$0x3] =	sbarrier.arrive $0xFFFF;
	s2 =	simm.s32 @!p0 $0x1C05  }
0xdc: {  	[timem:s3], [sflag:s2] =	dma.local @!p0 [hbm:s0], s1  }
0xdd: {  	s0 =	simm.s32 @!p0 $0x5  }
0xde: {  	_ =	swait.ge @!p0 [sflag:s0], s1  }
0xdf: {  	s1 =	ssub.s32 @!p0 $0x0, s1;
	[sflag:s0] =	ssyncset.done @!p0 $0x0  }
0xe0: {  	[sflag:s0] =	ssyncadd.s32 @!p0 s1  }
0xe1: {  	[bflag:$0x3] =	sbarrier.arrive $0xFFFF  }
0xe2: {  	_ =	shalt  }

// kernel: kernel.24.cloned.1.call-start
scs
__scs_entry_jumppad:
0x0: {  	(pc) =	sbr.rel $0x88, $3  }
0x1: {  	(tag) =	ssettag $0x0;
	lr =	simm.s32 $0x1  }
0x2: {  	[smem:$0x3F87] =	sst lr;
	_ =	strace $0xD0000000  }
0x3: {  	_ = 	snop  }
0x4: {  	_ = 	snop  }
0x5: {  	_ = 	snop  }
0x6: {  	_ = 	snop  }
0x7: {  	_ = 	snop  }
__scs_overlays_trampoline_lowered:
0x8: {  	[smem:$0x3F96] =	sst s0  }
0x9: {  	[smem:$0x3F97] =	sst s1  }
0xa: {  	[smem:$0x3F98] =	sst s2  }
0xb: {  	[smem:$0x3F99] =	sst s3  }
0xc: {  	[smem:$0x3F9A] =	sst s4  }
0xd: {  	[smem:$0x3F9B] =	sst s5  }
0xe: {  	[smem:$0x3F9C] =	sst s6  }
0xf: {  	[smem:$0x3F9D] =	sst s7  }
0x10: {  	[smem:$0x3F9E] =	sst s8  }
0x11: {  	[smem:$0x3F9F] =	sst s9;
	s0 =	simm.s32 @!p0 $0x0  }
0x12: {  	s1 =	sld [smem:$0x3F85];
	s0 =	simm.s32 @p0 $0x1  }
0x13: {  	[smem:$0x3FA0] =	sst s0;
	s0 =	simm.s32 @!p1 $0x0  }
0x14: {  	s2 =	sld [smem:$0x3F84];
	s0 =	simm.s32 @p1 $0x1  }
0x15: {  	[smem:$0x3FA1] =	sst s0;
	s0 =	simm.s32 @!p2 $0x0  }
0x16: {  	s3 =	sld [smem:$0x3FDB];
	s0 =	simm.s32 @p2 $0x1  }
0x17: {  	s4 =	simm.s32 $0x1BF5;
	[smem:$0x3FA3] =	sst s0  }
0x18: {  	s0 =	sld [smem:$0x3F86];
	_ =	swait.ge [sflag:s4], $0x0  }
0x19: {  	s7 =	sld [smem:$0x3F87]  }
0x1a: {  	s8 =	sadd.s32 $0xFFFFE003, lr  }
0x1b: {  	s9 =	sadd.s32 $0xFFFFFEF7, lr;
	s5 =	simm.s32 $0xFFFFFFFF;
	p2 =	slt.u32 s8, $0xFFFFF086  }
0x1c: {  	p1 =	slt.u32 s9, $0xF7A;
	s5 =	simm.s32 @!p2 $0x0  }
0x1d: {  	s5 =	simm.s32 @p1 $0x1;
	p0 =	seq.s32 s7, s2  }
0x1e: {  	s7 =	smul.u32 @!p0 $0xF7A, s2;
	p2 =	seq.s32 @!p0 s5, $0x0  }
0x1f: {  	s9 =	smul.u32 $0xF7A, s1;
	s8 =	simm.s32 @!p0 $0x1BF5;
	p2 =	por !p2, p0  }
0x20: {  	[sflag:s8] =	ssyncset.s32 @!p0 $0xFFFFF086;
	s6 =	sadd.s32 @!p0 s3, s7;
	s7 =	simm.s32 @!p0 $0x108  }
0x21: {  	s3 =	sadd.s32 s3, s9;
	s6 =	sadd.s32 @!p0 $0x88, s6;
	s7 =	simm.s32 @p2 $0x1082  }
0x22: {  	[simem:s7], [sflag:s8] =	dma.local @!p0 [hbm:s6], $0xF7A  }
0x23: {  	s9 =	sor.u32 $0xD0000000, s2;
	s6 =	simm.s32 $0x108;
	_ =	swait.ge @!p0 [sflag:s8], $0x0  }
0x24: {  	s3 =	sadd.s32 $0x88, s3;
	s6 =	simm.s32 @!p1 $0x1082;
	[sflag:s4] =	ssyncset.s32 $0xFFFFF086  }
0x25: {  	[simem:s6], [sflag:s4] =	dma.local [hbm:s3], $0xF7A  }
0x26: {  	[smem:$0x3F87] =	sst s1;
	(tag) =	ssettag s2;
	_ =	strace s9  }
0x27: {  	s1 =	sld [smem:$0x3F97]  }
0x28: {  	s2 =	sld [smem:$0x3F98]  }
0x29: {  	s4 =	sld [smem:$0x3F9A]  }
0x2a: {  	p0 =	seq.s32 s5, $0x0;
	s5 =	sld [smem:$0x3F9B]  }
0x2b: {  	s6 =	sld [smem:$0x3F9C]  }
0x2c: {  	s7 =	sld [smem:$0x3F9D]  }
0x2d: {  	s3 =	simm.s32 $0x108;
	s8 =	sld [smem:$0x3F9E]  }
0x2e: {  	s3 =	simm.s32 @!p0 $0x1082;
	s9 =	sld [smem:$0x3F9F]  }
0x2f: {  	lr =	sadd.s32 s0, s3;
	s0 =	sld [smem:$0x3F96]  }
0x30: {  	s3 =	sld [smem:$0x3F99]  }
0x31: {  	[smem:$0x3FA2] =	sst s10  }
0x32: {  	s10 =	sld [smem:$0x3FA0];
	_ =	sdelay $0x3  }
0x33: {  	p0 =	seq.s32 s10, $0x1;
	s10 =	sld [smem:$0x3FA2];
	_ =	sdelay $0x3  }
0x34: {  	[smem:$0x3FA2] =	sst s10  }
0x35: {  	s10 =	sld [smem:$0x3FA1];
	_ =	sdelay $0x3  }
0x36: {  	p1 =	seq.s32 s10, $0x1;
	s10 =	sld [smem:$0x3FA2];
	_ =	sdelay $0x3  }
0x37: {  	[smem:$0x3FA2] =	sst s10  }
0x38: {  	s10 =	sld [smem:$0x3FA3]  }
0x39: {  	_ = 	snop;
	(pc) =	sbr.ind lr, $3  }
0x3a: {  	_ = 	snop  }
0x3b: {  	_ = 	snop  }
0x3c: {  	p2 =	seq.s32 s10, $0x1;
	s10 =	sld [smem:$0x3FA2]  }
0x3d: {  	_ =	shalt  }
0x3e: {  	_ =	shalt  }
0x3f: {  	_ =	shalt  }
0x40: {  	_ =	shalt  }
0x41: {  	_ =	shalt  }
0x42: {  	_ =	shalt  }
0x43: {  	_ =	shalt  }
0x44: {  	_ =	shalt  }
0x45: {  	_ =	shalt  }
0x46: {  	_ =	shalt  }
0x47: {  	_ =	shalt  }
0x48: {  	_ =	shalt  }
0x49: {  	_ =	shalt  }
0x4a: {  	_ =	shalt  }
0x4b: {  	_ =	shalt  }
0x4c: {  	_ =	shalt  }
0x4d: {  	_ =	shalt  }
0x4e: {  	_ =	shalt  }
0x4f: {  	_ =	shalt  }
0x50: {  	_ =	shalt  }
0x51: {  	_ =	shalt  }
0x52: {  	_ =	shalt  }
0x53: {  	_ =	shalt  }
0x54: {  	_ =	shalt  }
0x55: {  	_ =	shalt  }
0x56: {  	_ =	shalt  }
0x57: {  	_ =	shalt  }
0x58: {  	_ =	shalt  }
0x59: {  	_ =	shalt  }
0x5a: {  	_ =	shalt  }
0x5b: {  	_ =	shalt  }
0x5c: {  	_ =	shalt  }
0x5d: {  	_ =	shalt  }
0x5e: {  	_ =	shalt  }
0x5f: {  	_ =	shalt  }
0x60: {  	_ =	shalt  }
0x61: {  	_ =	shalt  }
0x62: {  	_ =	shalt  }
0x63: {  	_ =	shalt  }
0x64: {  	_ =	shalt  }
0x65: {  	_ =	shalt  }
0x66: {  	_ =	shalt  }
0x67: {  	_ =	shalt  }
0x68: {  	_ =	shalt  }
0x69: {  	_ =	shalt  }
0x6a: {  	_ =	shalt  }
0x6b: {  	_ =	shalt  }
0x6c: {  	_ =	shalt  }
0x6d: {  	_ =	shalt  }
0x6e: {  	_ =	shalt  }
0x6f: {  	_ =	shalt  }
0x70: {  	_ =	shalt  }
0x71: {  	_ =	shalt  }
0x72: {  	_ =	shalt  }
0x73: {  	_ =	shalt  }
0x74: {  	_ =	shalt  }
0x75: {  	_ =	shalt  }
0x76: {  	_ =	shalt  }
0x77: {  	_ =	shalt  }
0x78: {  	_ =	shalt  }
0x79: {  	_ =	shalt  }
0x7a: {  	_ =	shalt  }
0x7b: {  	_ =	shalt  }
0x7c: {  	_ =	shalt  }
0x7d: {  	_ =	shalt  }
0x7e: {  	_ =	shalt  }
0x7f: {  	_ =	shalt  }
0x80: {  	_ =	shalt  }
0x81: {  	_ =	shalt  }
0x82: {  	_ =	shalt  }
0x83: {  	_ =	shalt  }
0x84: {  	_ =	shalt  }
0x85: {  	_ =	shalt  }
0x86: {  	_ =	shalt  }
0x87: {  	_ =	shalt  }
.Lfunc_end0:
.L_simem_size_0:
called_computation.4_lowered:
.L_overlay_start_0:
0x88: {  	s2 =	sld [smem:$0x3FD9]  }
0x89: {  	s3 =	sld [smem:$0x3FFE];
	_ =	sdelay $0x1  }
0x8a: {  	s1 =	srdreg.scid  }
0x8b: {  	s0 =	sand.u32 $0x1, s1  }
0x8c: {  	s16 =	sshll.u32 s0, $0xA;
	s2 =	sadd.s32 s3, s2  }
0x8d: {  	s2 =	sadd.s32 s2, s16  }
0x8e: {  	[smem:$0x3FAE] =	sst s2  }
0x8f: {  	_ = 	snop  }
0x90: {  	(tm) =	ssettm $0x1  }
0x91: {  	s17 =	sld [smem:$0x3FFB];
	_ =	sdelay $0x3  }
0x92: {  	_ =	strace s17  }
0x93: {  	s2 =	sld [smem:$0x3FFC];
	_ =	sdelay $0x3  }
0x94: {  	_ =	strace s2  }
0x95: {  	s2 =	sld [smem:$0x3FFD];
	_ =	sdelay $0x3  }
0x96: {  	_ =	strace s2  }
0x97: {  	_ =	strace $0x8FFFFFFF  }
0x98: {  	s18 =	sld [smem:$0x3FDB];
	_ =	sdelay $0x1  }
0x99: {  	s19 =	simm.s32 $_scs_section_size  }
0x9a: {  	s4 =	simm.s32 $_size__tile_overlayer_lowered;
	s5 =	simm.s32 $_tile_overlayer_lowered  }
0x9b: {  	s22 =	simm.s32 $0x1BFF;
	s21 =	sshll.u32 s5, $0x1;
	s2 =	sadd.s32 s19, s18  }
0x9c: {  	s6 =	simm.s32 $0x0;
	s20 =	sshll.u32 s4, $0x1;
	s4 =	sadd.s32 s21, s2  }
0x9d: {  	[timem:s6], [sflag:s22] =	dma.local [hbm:s4], s20  }
0x9e: {  	_ =	swait.ge [sflag:s22], s20  }
0x9f: {  	s3 =	ssub.s32 $0x0, s20;
	[sflag:s22] =	ssyncset.done $0x0  }
0xa0: {  	[sflag:s22] =	ssyncadd.s32 s3;
	_ =	sdelay $0x1  }
0xa1: {  	s23 =	simm.s32 $0x1B8B  }
0xa2: {  	_ =	swait.ge [sflag:s23], $0x1  }
0xa3: {  	[sflag:s23] =	ssyncset.done $0x0  }
0xa4: {  	s25 =	simm.s32 $0x1B8E;
	s24 =	sld [smem:$0x3FFE];
	[sflag:s23] =	ssyncadd.s32 $0xFFFFFFFF  }
0xa5: {  	s26 =	simm.s32 $execute0_lowered;
	[smem:$0x3FD2] =	sst s25  }
0xa6: {  	s4 =	sshll.u32 s26, $0x1;
	_ =	strace $0x80000052;
	[dreg:$0x1] =	wrdreg $0xFFFFFFFF  }
0xa7: {  	s28 =	simm.s32 $_size_execute0_lowered;
	s2 =	sadd.s32 s2, s4;
	[dreg:$0x0] =	wrdreg $0x0  }
0xa8: {  	s4 =	sshll.u32 s28, $0x1;
	[dreg:$0x2] =	wrdreg s2  }
0xa9: {  	[dreg:$0x3] =	wrdreg s4  }
0xaa: {  	[dreg:$0x4] =	wrdreg $0xC0  }
0xab: {  	_ =	task [dreg:s6], $0x5FFFF  }
0xac: {  	[dreg:$0x1] =	wrdreg $0xFFFFFFFF  }
0xad: {  	[dreg:$0x0] =	wrdreg $0x60  }
0xae: {  	[dreg:$0x2] =	wrdreg s24  }
0xaf: {  	[dreg:$0x3] =	wrdreg $0x82000  }
0xb0: {  	[dreg:$0x4] =	wrdreg $0x9  }
0xb1: {  	_ =	task.clear_ibuf [dreg:s6], $0x5FFFF;
	_ =	strace $0x90000052  }
0xb2: {  	s29 =	simm.s32 $0x9;
	_ =	strace $0x80000054  }
0xb3: {  	_ =	swait.ge [sflag:s29], $0x1  }
0xb4: {  	[sflag:s29] =	ssyncadd.s32 $0xFFFFFFFF  }
0xb5: {  	_ =	strace $0x90000054  }
0xb6: {  	_ =	sfence  }
0xb7: {  	s30 =	sld [smem:$0x0];
	_ =	sdelay $0x2  }
0xb8: {  	s31 =	sshll.u32 s1, $0xD;
	s1 =	sshrl.u32 s1, $0x2  }
0xb9: {  	s3 =	sand.u32 $0x4000, s31;
	s1 =	sadd.s32 s1, s30  }
0xba: {  	s0 =	sor.u32 s3, s0;
	s1 =	sshll.u32 s1, $0x11  }
0xbb: {  	s0 =	sor.u32 s1, s0  }
0xbc: {  	s0 =	sadd.s32 $0x8F2B, s0  }
0xbd: {  	[sflag:s0] =	ssyncadd.remote.s32 $0x1  }
0xbe: {  	_ =	sfence.sel $0xFFFF  }
0xbf: {  	[dreg:$0x0] =	wrdreg $0xFFFFFFFF;
	(pc) =	sbr.abs _section_cstart, $3  }
0xc0: {  	[dreg:$0x1] =	wrdreg $0xFFFFFFFF  }
0xc1: {  	_ =	task.clear_ibuf [dreg:s6], $0x2FFFF;
	_ =	strace $0x9FFFFFFF  }
0xc2: {  	(tm) =	ssettm $0x7FFFFFFF  }
0xc3: {  	_ =	shalt  }
tec
execute0_lowered:
.L_overlay_start_1:
0x0: {  	(tag) =	ssettag $0x1  }
0x1: {  	s0 =	rddreg [dreg:$0x0]  }
0x2: {  	s2 =	rddreg [dreg:$0x1];
	s3 =	simm.s32 $0x0  }
0x3: {  	s1 =	srdreg.scid;
	s13 =	stileid.u32;
	s30 =	simm.s32 $0x200  }
0x4: {  	s31 =	simm.s32 $0x5;
	[smem:$0x7FF] =	sst s3;
	s10 =	smul.u32 $0x50000, s13  }
0x5: {  	s1 =	sand.u32 $0x1, s1;
	s4 =	sshll.u32 s13, $0x1;
	s12 =	smul.u32 $0x14000, s13  }
0x6: {  	s5 =	sadd.s32 $0xF000, s0;
	s7 =	sadd.s32 $0x5000, s0;
	s13 =	smul.u32 $0x5000, s13  }
0x7: {  	s11 =	sadd.s32 $0x19000, s0;
	_ =	strace $0x80000053;
	s20 =	smul.u32 $0x140000, s1  }
0x8: {  	s4 =	sor.u32 s1, s4;
	s6 =	ssub.s32 $0x2, s1;
	s1 =	smul.u32 $0x2800, s1  }
0x9: {  	[dreg:$0x3] =	wrdreg s11;
	s8 =	smul.u32 $0x2800, s4;
	s4 =	sadd.s32 $0x19800, s0  }
0xa: {  	s9 =	sshrl.u32 s6, $0x1;
	s0 =	sadd.s32 $0x40A00, s0;
	s19 =	sshrl.u32 s10, $0x2  }
0xb: {  	s11 =	sadd.s32 $0x4000, s12;
	s15 =	sadd.s32 $0xC000, s12;
	s9 =	ssub.s32 s6, s9  }
0xc: {  	s6 =	sadd.s32 s19, s2;
	s24 =	sadd.s32 s20, s12;
	s25 =	sadd.s32 s20, s11  }
0xd: {  	s1 =	sadd.s32 s1, s13;
	s8 =	sshrl.u32 s8, $0x3;
	s9 =	smax.u32 s9, $0x1  }
0xe: {  	s26 =	sshrl.u32 s25, $0x3;
	s28 =	sadd.s32 $0xC000, s6;
	s29 =	sadd.s32 $0x10000, s6  }
0xf: {  	s21 =	sor.u32 $0x10, s8;
	s14 =	sadd.s32 s5, s8;
	[dreg:$0x8] =	wrdreg s9  }
0x10: {  	s8 =	sadd.s32 s7, s8;
	s9 =	sadd.s32 $0x8000, s12;
	[dreg:$0x4] =	wrdreg s14  }
0x11: {  	s12 =	sadd.s32 $0x10000, s12;
	[dreg:$0x5] =	wrdreg s8;
	s22 =	sadd.s32 s5, s21  }
0x12: {  	s23 =	sadd.s32 s7, s21;
	s8 =	sshrl.u32 s24, $0x3;
	s14 =	sadd.s32 s20, s9  }
0x13: {  	s10 =	sadd.s32 s20, s12;
	s24 =	sor.u32 $0x180, s1;
	[dreg:$0x6] =	wrdreg s22  }
0x14: {  	s1 =	sor.u32 $0x100, s1;
	s21 =	sadd.s32 $0x4000, s6;
	[dreg:$0x7] =	wrdreg s23  }
0x15: {  	s8 =	sadd.s32 s0, s8;
	s22 =	sadd.s32 s20, s15;
	s23 =	sshrl.u32 s10, $0x3  }
0x16: {  	s25 =	sshrl.u32 s24, $0x3;
	s24 =	sadd.s32 s15, s2;
	s10 =	simm.s32 $0x2  }
0x17: {  	[dreg:$0x9] =	wrdreg s8;
	s8 =	sadd.s32 s0, s26;
	s16 =	sadd.s32 s0, s23  }
0x18: {  	s17 =	sadd.s32 s25, s7;
	s18 =	sadd.s32 s25, s5;
	s26 =	sshrl.u32 s1, $0x3  }
0x19: {  	s23 =	sadd.s32 s9, s2;
	s25 =	sadd.s32 s12, s2;
	s1 =	simm.s32 $0x100  }
0x1a: {  	s9 =	simm.s32 $0x1;
	s12 =	simm.s32 $0x0;
	[dreg:$0xa] =	wrdreg s8  }
0x1b: {  	s8 =	sshrl.u32 s14, $0x3;
	s19 =	sadd.s32 s26, s7;
	s20 =	sadd.s32 s26, s5  }
0x1c: {  	s26 =	sadd.s32 $0x8000, s6;
	s5 =	simm.s32 $0x180;
	s8 =	sadd.s32 s0, s8  }
0x1d: {  	s7 =	simm.s32 $0x4;
	[dreg:$0xb] =	wrdreg s8;
	s8 =	sshrl.u32 s22, $0x3  }
0x1e: {  	s22 =	sadd.s32 s11, s2;
	s11 =	simm.s32 $0x3;
	s8 =	sadd.s32 s0, s8  }
0x1f: {  	s0 =	simm.s32 $0x80;
	[dreg:$0xc] =	wrdreg s8;
	s8 =	simm.s32 $0x4200  }
.LBB2_1:
0x20: {  	s13 =	rddreg [dreg:$0x3]  }
0x21: {  	[tilespmem:s30], [sflag:$0x5] =	stream.linear.gather [hbm4b:s13+s3], $0x4000, $0x38;
	[tilespmem:$0x1C200] =	vst v63  }
0x22: {  	_ =	swait.ge [sflag:s31], $0x4000  }
0x23: {  	[sflag:s31] =	ssyncset.done $0x0  }
0x24: {  	[sflag:s31] =	ssyncadd.s32 $0xFFFFC000  }
0x25: {  	[spmem:s6] =	stream.linear.scatter [tilespmem:s30], [sflag:$0x5], $0x4000, $0x38;
	[tilespmem:$0x1C200] =	vst v63  }
0x26: {  	_ =	swait.ge [sflag:s31], $0x4000  }
0x27: {  	[sflag:s31] =	ssyncset.done $0x0  }
0x28: {  	[sflag:s31] =	ssyncadd.s32 $0xFFFFC000  }
0x29: {  	[spmem:s21] =	stream.linear.scatter [tilespmem:s30], [sflag:$0x5], $0x4000, $0x38;
	[tilespmem:$0x1C200] =	vst v63  }
0x2a: {  	_ =	swait.ge [sflag:s31], $0x4000  }
0x2b: {  	[sflag:s31] =	ssyncset.done $0x0  }
0x2c: {  	[sflag:s31] =	ssyncadd.s32 $0xFFFFC000  }
0x2d: {  	[spmem:s26] =	stream.linear.scatter [tilespmem:s30], [sflag:$0x5], $0x4000, $0x38;
	[tilespmem:$0x1C200] =	vst v63  }
0x2e: {  	_ =	swait.ge [sflag:s31], $0x4000  }
0x2f: {  	[sflag:s31] =	ssyncset.done $0x0  }
0x30: {  	[sflag:s31] =	ssyncadd.s32 $0xFFFFC000  }
0x31: {  	[spmem:s28] =	stream.linear.scatter [tilespmem:s30], [sflag:$0x5], $0x4000, $0x38;
	[tilespmem:$0x1C200] =	vst v63  }
0x32: {  	_ =	swait.ge [sflag:s31], $0x4000  }
0x33: {  	[sflag:s31] =	ssyncset.done $0x0  }
0x34: {  	[sflag:s31] =	ssyncadd.s32 $0xFFFFC000  }
0x35: {  	[spmem:s29] =	stream.linear.scatter [tilespmem:s30], [sflag:$0x5], $0x4000, $0x38;
	[tilespmem:$0x1C200] =	vst v63  }
0x36: {  	_ =	swait.ge [sflag:s31], $0x4000  }
0x37: {  	[sflag:s31] =	ssyncset.done $0x0  }
0x38: {  	[sflag:s31] =	ssyncadd.s32 $0xFFFFC000  }
0x39: {  	[bflag:$0x0] =	sbarrier.arrive $0xFFFF  }
0x3a: {  	s15 =	rddreg [dreg:$0x4]  }
0x3b: {  	[tilespmem:s3], [sflag:$0x5] =	stream.linear.gather [hbm4b:s15+s3], $0x80, $0x38;
	[tilespmem:$0x1C200] =	vst v63  }
0x3c: {  	_ =	swait.ge [sflag:s31], $0x80  }
0x3d: {  	[sflag:s31] =	ssyncset.done $0x0  }
0x3e: {  	s14 =	rddreg [dreg:$0x5];
	[sflag:s31] =	ssyncadd.s32 $0xFFFFFF80  }
0x3f: {  	[tilespmem:s0], [sflag:$0x5] =	stream.linear.gather [hbm4b:s14+s3], $0x80, $0x38;
	[tilespmem:$0x1C200] =	vst v63  }
0x40: {  	_ =	swait.ge [sflag:s31], $0x80  }
0x41: {  	[sflag:s31] =	ssyncset.done $0x0  }
0x42: {  	[sflag:s31] =	ssyncadd.s32 $0xFFFFFF80  }
0x43: {  	[tilespmem:s30], [sflag:$0x1] =	stream.indirect.gather [hbm4b:s4+s0], $0x80, s3, s0, $0xb8;
	[tilespmem:$0x1C200] =	vst v63  }
0x44: {  	s15 =	rddreg [dreg:$0x6]  }
0x45: {  	[tilespmem:s1], [sflag:$0x4] =	stream.linear.gather [hbm4b:s15+s3], $0x80, $0x38;
	[tilespmem:$0x1C200] =	vst v63  }
0x46: {  	s14 =	rddreg [dreg:$0x7]  }
0x47: {  	[tilespmem:s5], [sflag:$0x4] =	stream.linear.gather [hbm4b:s14+s3], $0x80, $0x38;
	[tilespmem:$0x1C200] =	vst v63  }
0x48: {  	_ =	swait.ge [sflag:s7], $0x80  }
0x49: {  	[sflag:s7] =	ssyncset.done $0x0  }
0x4a: {  	[sflag:s7] =	ssyncadd.s32 $0xFFFFFF80  }
0x4b: {  	_ =	swait.ge [sflag:s7], $0x80  }
0x4c: {  	[sflag:s7] =	ssyncset.done $0x0  }
0x4d: {  	[sflag:s7] =	ssyncadd.s32 $0xFFFFFF80  }
0x4e: {  	[tilespmem:s8], [sflag:$0x2] =	stream.indirect.gather [hbm4b:s4+s0], $0x80, s1, s0, $0xb8;
	[tilespmem:$0x1C200] =	vst v63  }
0x4f: {  	_ =	swait.ge [sflag:s9], $0x4000  }
0x50: {  	[sflag:s9] =	ssyncset.done $0x0  }
0x51: {  	[sflag:s9] =	ssyncadd.s32 $0xFFFFC000  }
0x52: {  	[spmem:s2] =	stream.indirect.scatter.add.f32 [tilespmem:s30], [sflag:$0x5], $0x80, s0, s0, $0xb8;
	[tilespmem:$0x1C200] =	vst v63  }
0x53: {  	_ =	swait.ge [sflag:s31], $0x4000  }
0x54: {  	[sflag:s31] =	ssyncset.done $0x0  }
0x55: {  	s15 =	sadd.s32 $0x0, s20;
	[sflag:s31] =	ssyncadd.s32 $0xFFFFC000  }
0x56: {  	[tilespmem:s3], [sflag:$0x3] =	stream.linear.gather [hbm4b:s15+s3], $0x80, $0x38;
	[tilespmem:$0x1C200] =	vst v63  }
0x57: {  	s14 =	sadd.s32 $0x0, s19  }
0x58: {  	[tilespmem:s0], [sflag:$0x3] =	stream.linear.gather [hbm4b:s14+s3], $0x80, $0x38;
	[tilespmem:$0x1C200] =	vst v63  }
0x59: {  	_ =	swait.ge [sflag:s10], $0x4000  }
0x5a: {  	[sflag:s10] =	ssyncset.done $0x0  }
0x5b: {  	[sflag:s10] =	ssyncadd.s32 $0xFFFFC000  }
0x5c: {  	[spmem:s2] =	stream.indirect.scatter.add.f32 [tilespmem:s8], [sflag:$0x5], $0x80, s5, s0, $0xb8;
	[tilespmem:$0x1C200] =	vst v63  }
0x5d: {  	_ =	swait.ge [sflag:s31], $0x4000  }
0x5e: {  	[sflag:s31] =	ssyncset.done $0x0  }
0x5f: {  	[sflag:s31] =	ssyncadd.s32 $0xFFFFC000  }
0x60: {  	_ =	swait.ge [sflag:s11], $0x80  }
0x61: {  	[sflag:s11] =	ssyncset.done $0x0  }
0x62: {  	[sflag:s11] =	ssyncadd.s32 $0xFFFFFF80  }
0x63: {  	_ =	swait.ge [sflag:s11], $0x80  }
0x64: {  	[sflag:s11] =	ssyncset.done $0x0  }
0x65: {  	[sflag:s11] =	ssyncadd.s32 $0xFFFFFF80  }
0x66: {  	[tilespmem:s30], [sflag:$0x1] =	stream.indirect.gather [hbm4b:s4+s0], $0x80, s3, s0, $0xb8;
	[tilespmem:$0x1C200] =	vst v63  }
0x67: {  	s13 =	simm.s32 $0x20;
	s15 =	sadd.s32 $0x0, s18;
	s14 =	sadd.s32 $0x0, s17  }
0x68: {  	[tilespmem:s1], [sflag:$0x4] =	stream.linear.gather [hbm4b:s15+s3], $0x80, $0x38;
	[tilespmem:$0x1C200] =	vst v63  }
.LBB2_2:
0x69: {  	[tilespmem:s5], [sflag:$0x4] =	stream.linear.gather [hbm4b:s14+s3], $0x80, $0x38;
	[tilespmem:$0x1C200] =	vst v63  }
0x6a: {  	s14 =	smov.u32 s13  }
0x6b: {  	p0 =	sne.s32 s13, $0x4C0;
	s13 =	sadd.s32 $0x20, s13;
	_ =	swait.ge [sflag:s7], $0x80  }
0x6c: {  	[sflag:s7] =	ssyncset.done $0x0  }
0x6d: {  	[sflag:s7] =	ssyncadd.s32 $0xFFFFFF80  }
0x6e: {  	_ =	swait.ge [sflag:s7], $0x80  }
0x6f: {  	[sflag:s7] =	ssyncset.done $0x0  }
0x70: {  	[sflag:s7] =	ssyncadd.s32 $0xFFFFFF80  }
0x71: {  	[tilespmem:s8], [sflag:$0x2] =	stream.indirect.gather [hbm4b:s4+s0], $0x80, s1, s0, $0xb8;
	[tilespmem:$0x1C200] =	vst v63  }
0x72: {  	_ =	swait.ge [sflag:s9], $0x4000  }
0x73: {  	[sflag:s9] =	ssyncset.done $0x0  }
0x74: {  	[sflag:s9] =	ssyncadd.s32 $0xFFFFC000  }
0x75: {  	[spmem:s2] =	stream.indirect.scatter.add.f32 [tilespmem:s30], [sflag:$0x5], $0x80, s0, s0, $0xb8;
	[tilespmem:$0x1C200] =	vst v63  }
0x76: {  	_ =	swait.ge [sflag:s31], $0x4000  }
0x77: {  	[sflag:s31] =	ssyncset.done $0x0  }
0x78: {  	s15 =	sadd.s32 s14, s20;
	[sflag:s31] =	ssyncadd.s32 $0xFFFFC000  }
0x79: {  	[tilespmem:s3], [sflag:$0x3] =	stream.linear.gather [hbm4b:s15+s3], $0x80, $0x38;
	[tilespmem:$0x1C200] =	vst v63  }
0x7a: {  	s15 =	sadd.s32 s14, s19  }
0x7b: {  	[tilespmem:s0], [sflag:$0x3] =	stream.linear.gather [hbm4b:s15+s3], $0x80, $0x38;
	[tilespmem:$0x1C200] =	vst v63  }
0x7c: {  	_ =	swait.ge [sflag:s10], $0x4000  }
0x7d: {  	[sflag:s10] =	ssyncset.done $0x0  }
0x7e: {  	[sflag:s10] =	ssyncadd.s32 $0xFFFFC000  }
0x7f: {  	[spmem:s2] =	stream.indirect.scatter.add.f32 [tilespmem:s8], [sflag:$0x5], $0x80, s5, s0, $0xb8;
	[tilespmem:$0x1C200] =	vst v63  }
0x80: {  	_ =	swait.ge [sflag:s31], $0x4000  }
0x81: {  	[sflag:s31] =	ssyncset.done $0x0  }
0x82: {  	[sflag:s31] =	ssyncadd.s32 $0xFFFFC000  }
0x83: {  	_ =	swait.ge [sflag:s11], $0x80  }
0x84: {  	[sflag:s11] =	ssyncset.done $0x0  }
0x85: {  	[sflag:s11] =	ssyncadd.s32 $0xFFFFFF80  }
0x86: {  	_ =	swait.ge [sflag:s11], $0x80  }
0x87: {  	[sflag:s11] =	ssyncset.done $0x0  }
.Ltmp0:
0x88: {  	[sflag:s11] =	ssyncadd.s32 $0xFFFFFF80;
	(pc) =	sbr.rel @p0 .LBB2_2-.Ltmp0, $4  }
0x89: {  	[tilespmem:s30], [sflag:$0x1] =	stream.indirect.gather [hbm4b:s4+s0], $0x80, s3, s0, $0xb8;
	[tilespmem:$0x1C200] =	vst v63  }
0x8a: {  	s15 =	sadd.s32 s14, s18  }
0x8b: {  	[tilespmem:s1], [sflag:$0x4] =	stream.linear.gather [hbm4b:s15+s3], $0x80, $0x38;
	[tilespmem:$0x1C200] =	vst v63  }
0x8c: {  	s14 =	sadd.s32 s14, s17  }
0x8d: {  	[tilespmem:s5], [sflag:$0x4] =	stream.linear.gather [hbm4b:s14+s3], $0x80, $0x38;
	[tilespmem:$0x1C200] =	vst v63  }
0x8e: {  	_ =	swait.ge [sflag:s7], $0x80  }
0x8f: {  	[sflag:s7] =	ssyncset.done $0x0  }
0x90: {  	[sflag:s7] =	ssyncadd.s32 $0xFFFFFF80  }
0x91: {  	_ =	swait.ge [sflag:s7], $0x80  }
0x92: {  	[sflag:s7] =	ssyncset.done $0x0  }
0x93: {  	[sflag:s7] =	ssyncadd.s32 $0xFFFFFF80  }
0x94: {  	[tilespmem:s8], [sflag:$0x2] =	stream.indirect.gather [hbm4b:s4+s0], $0x80, s1, s0, $0xb8;
	[tilespmem:$0x1C200] =	vst v63  }
0x95: {  	_ =	swait.ge [sflag:s9], $0x4000  }
0x96: {  	[sflag:s9] =	ssyncset.done $0x0  }
0x97: {  	[sflag:s9] =	ssyncadd.s32 $0xFFFFC000  }
0x98: {  	[spmem:s2] =	stream.indirect.scatter.add.f32 [tilespmem:s30], [sflag:$0x5], $0x80, s0, s0, $0xb8;
	[tilespmem:$0x1C200] =	vst v63  }
0x99: {  	_ =	swait.ge [sflag:s31], $0x4000  }
0x9a: {  	[sflag:s31] =	ssyncset.done $0x0  }
0x9b: {  	[sflag:s31] =	ssyncadd.s32 $0xFFFFC000  }
0x9c: {  	_ =	swait.ge [sflag:s10], $0x4000  }
0x9d: {  	[sflag:s10] =	ssyncset.done $0x0  }
0x9e: {  	[sflag:s10] =	ssyncadd.s32 $0xFFFFC000  }
0x9f: {  	[spmem:s2] =	stream.indirect.scatter.add.f32 [tilespmem:s8], [sflag:$0x5], $0x80, s5, s0, $0xb8;
	[tilespmem:$0x1C200] =	vst v63  }
0xa0: {  	_ =	swait.ge [sflag:s31], $0x4000  }
0xa1: {  	[sflag:s31] =	ssyncset.done $0x0  }
0xa2: {  	[sflag:s31] =	ssyncadd.s32 $0xFFFFC000  }
0xa3: {  	[bflag:$0x0] =	sbarrier.arrive $0xFFFF  }
0xa4: {  	[tilespmem:s30], [sflag:$0x5] =	stream.linear.gather [spmem:s6], $0x4000, $0x38;
	[tilespmem:$0x1C200] =	vst v63  }
0xa5: {  	_ =	swait.ge [sflag:s31], $0x4000  }
0xa6: {  	[sflag:s31] =	ssyncset.done $0x0  }
0xa7: {  	s13 =	rddreg [dreg:$0x9];
	[sflag:s31] =	ssyncadd.s32 $0xFFFFC000  }
0xa8: {  	[hbm4b:s13+s3] =	stream.linear.scatter [tilespmem:s30], [sflag:$0x5], $0x4000, $0x38;
	[tilespmem:$0x1C200] =	vst v63  }
0xa9: {  	_ =	swait.ge [sflag:s31], $0x4000  }
0xaa: {  	[sflag:s31] =	ssyncset.done $0x0  }
0xab: {  	[sflag:s31] =	ssyncadd.s32 $0xFFFFC000  }
0xac: {  	[tilespmem:s30], [sflag:$0x5] =	stream.linear.gather [spmem:s22], $0x4000, $0x38;
	[tilespmem:$0x1C200] =	vst v63  }
0xad: {  	_ =	swait.ge [sflag:s31], $0x4000  }
0xae: {  	[sflag:s31] =	ssyncset.done $0x0  }
0xaf: {  	s14 =	rddreg [dreg:$0xa];
	[sflag:s31] =	ssyncadd.s32 $0xFFFFC000  }
0xb0: {  	[hbm4b:s14+s3] =	stream.linear.scatter [tilespmem:s30], [sflag:$0x5], $0x4000, $0x38;
	[tilespmem:$0x1C200] =	vst v63  }
0xb1: {  	_ =	swait.ge [sflag:s31], $0x4000  }
0xb2: {  	[sflag:s31] =	ssyncset.done $0x0  }
0xb3: {  	[sflag:s31] =	ssyncadd.s32 $0xFFFFC000  }
0xb4: {  	[tilespmem:s30], [sflag:$0x5] =	stream.linear.gather [spmem:s23], $0x4000, $0x38;
	[tilespmem:$0x1C200] =	vst v63  }
0xb5: {  	_ =	swait.ge [sflag:s31], $0x4000  }
0xb6: {  	[sflag:s31] =	ssyncset.done $0x0  }
0xb7: {  	s15 =	rddreg [dreg:$0xb];
	[sflag:s31] =	ssyncadd.s32 $0xFFFFC000  }
0xb8: {  	[hbm4b:s15+s3] =	stream.linear.scatter [tilespmem:s30], [sflag:$0x5], $0x4000, $0x38;
	[tilespmem:$0x1C200] =	vst v63  }
0xb9: {  	_ =	swait.ge [sflag:s31], $0x4000  }
0xba: {  	[sflag:s31] =	ssyncset.done $0x0  }
0xbb: {  	[sflag:s31] =	ssyncadd.s32 $0xFFFFC000  }
0xbc: {  	[tilespmem:s30], [sflag:$0x5] =	stream.linear.gather [spmem:s24], $0x4000, $0x38;
	[tilespmem:$0x1C200] =	vst v63  }
0xbd: {  	_ =	swait.ge [sflag:s31], $0x4000  }
0xbe: {  	[sflag:s31] =	ssyncset.done $0x0  }
0xbf: {  	s14 =	rddreg [dreg:$0xc];
	[sflag:s31] =	ssyncadd.s32 $0xFFFFC000  }
0xc0: {  	[hbm4b:s14+s3] =	stream.linear.scatter [tilespmem:s30], [sflag:$0x5], $0x4000, $0x38;
	[tilespmem:$0x1C200] =	vst v63  }
0xc1: {  	_ =	swait.ge [sflag:s31], $0x4000  }
0xc2: {  	[sflag:s31] =	ssyncset.done $0x0  }
0xc3: {  	[sflag:s31] =	ssyncadd.s32 $0xFFFFC000  }
0xc4: {  	[tilespmem:s30], [sflag:$0x5] =	stream.linear.gather [spmem:s25], $0x4000, $0x38;
	[tilespmem:$0x1C200] =	vst v63  }
0xc5: {  	_ =	swait.ge [sflag:s31], $0x4000  }
0xc6: {  	[sflag:s31] =	ssyncset.done $0x0  }
0xc7: {  	[sflag:s31] =	ssyncadd.s32 $0xFFFFC000  }
0xc8: {  	[hbm4b:s16+s3] =	stream.linear.scatter [tilespmem:s30], [sflag:$0x5], $0x4000, $0x38;
	[tilespmem:$0x1C200] =	vst v63  }
0xc9: {  	_ =	swait.ge [sflag:s31], $0x4000  }
0xca: {  	s12 =	sadd.s32 $0x1, s12;
	s15 =	rddreg [dreg:$0x8]  }
0xcb: {  	p0 =	sne.s32 s12, s15  }
.Ltmp1:
0xcc: {  	_ = 	snop;
	(pc) =	sbr.rel @p0 .LBB2_1-.Ltmp1, $3  }
0xcd: {  	_ =	sdelay $0x1  }
0xce: {  	[sflag:s31] =	ssyncset.done $0x0  }
0xcf: {  	[sflag:s31] =	ssyncadd.s32 $0xFFFFC000  }
0xd0: {  	_ =	sfence.sel $0x180000  }
0xd1: {  	[bflag:$0x0] =	sbarrier.arrive $0xFFFF  }
0xd2: {  	_ =	strace $0x90000053  }
0xd3: {  	s0 =	stileid.u32;
	[bflag:$0x2] =	sbarrier.arrive $0xFFFF  }
0xd4: {  	p0 =	sne.s32 s0, $0x0;
	s0 =	rddreg [dreg:$0x2]  }
0xd5: {  	s0 =	sadd.s32 @!p0 $0x100000, s0  }
0xd6: {  	[sflag:s0] =	ssyncadd.tile.s32 @!p0 $0x1;
	_ =	shalt  }
.Lfunc_end2:
_tile_overlayer_lowered:
.L_overlay_start_2:
0xd7: {  	(tag) =	ssettag $0x2  }
0xd8: {  	s0 =	rddreg [dreg:$0x0];
	s2 =	stileid.u32  }
0xd9: {  	s1 =	rddreg [dreg:$0x1];
	p0 =	sne.s32 s2, $0x0  }
0xda: {  	s3 =	rddreg [dreg:$0x2];
	[bflag:$0x3] =	sbarrier.arrive $0xFFFF;
	s2 =	simm.s32 @!p0 $0x1C05  }
0xdb: {  	[timem:s3], [sflag:s2] =	dma.local @!p0 [hbm:s0], s1  }
0xdc: {  	s0 =	simm.s32 @!p0 $0x5  }
0xdd: {  	_ =	swait.ge @!p0 [sflag:s0], s1  }
0xde: {  	s1 =	ssub.s32 @!p0 $0x0, s1;
	[sflag:s0] =	ssyncset.done @!p0 $0x0  }
0xdf: {  	[sflag:s0] =	ssyncadd.s32 @!p0 s1  }
0xe0: {  	[bflag:$0x3] =	sbarrier.arrive $0xFFFF  }
0xe1: {  	_ =	shalt  }

</sc_bundles>
